<compile_context>
chip_gen: v7x
topology: tpu7x:2x2x1
jax: 0.10.2.dev20260603
libtpu: 0.0.44.dev20260713+nightly
codegen_flags: <defaults>
</compile_context>

<pallas_src>
import functools
import numpy as np
import jax
import jax.numpy as jnp
from jax import lax
from jax.experimental import pallas as pl
from jax.experimental.pallas import tpu as pltpu
from jax.experimental.pallas import tpu_sc as plsc

MARGIN_ = 0.5
C_ = 256
K_ = 16
B_ = 64
E_ = 4096
L_ = 16
NW_ = 32
CPW_ = C_ // NW_
BIG_ = np.float32(3.0e38)



def _tc_body(preds_ref, target_ref, x_ref,
             d_ref, st_ref, tt_ref, count_ref, xb_scr):
    f32 = jnp.float32
    t = target_ref[...]
    preds = preds_ref[...]

    iota_cc_r = lax.broadcasted_iota(jnp.int32, (C_, C_), 0)
    iota_cc_c = lax.broadcasted_iota(jnp.int32, (C_, C_), 1)
    eye_b = (lax.broadcasted_iota(jnp.int32, (B_, B_), 0) ==
             lax.broadcasted_iota(jnp.int32, (B_, B_), 1)).astype(f32)

    tf = t.astype(f32)
    h_row = jnp.sum(tf, axis=0, keepdims=True)
    ones_b1 = jnp.ones((B_, 1), f32)
    h_col = lax.dot_general(tf, ones_b1, (((0,), (0,)), ((), ())))

    before_t = (h_row < h_col) | ((h_row == h_col) & (iota_cc_c <= iota_cc_r))
    s_cum = jnp.sum(h_row * before_t.astype(f32), axis=1, keepdims=True)
    minority = (s_cum <= 0.5 * C_) & (h_col > 1.0)

    kp = jnp.minimum(h_col - 1.0, float(K_))
    kn = jnp.minimum(float(B_) - h_col, float(K_))
    class_valid = minority & (h_col < float(B_))
    count_ref[...] = jnp.sum(jnp.where(class_valid, h_col * kp * kn, 0.0),
                             keepdims=True)

    st_ref[...] = lax.dot_general(preds, eye_b, (((0,), (0,)), ((), ())),
                                  precision=lax.Precision.HIGHEST)
    tt = lax.dot_general(tf, eye_b, (((0,), (0,)), ((), ())))
    tt_ref[...] = (tt + 2.0 * class_valid.astype(f32)).astype(jnp.int32)

    xb = x_ref[...].astype(jnp.bfloat16)
    xb_scr[...] = xb
    ones_1e = jnp.ones((1, E_), jnp.bfloat16)

    def dist_blk(i, _):
        blk = xb_scr[pl.ds(i * 16, 16), :]
        rows = []
        for r in range(16):
            row = lax.slice_in_dim(blk, r, r + 1, axis=0)
            diff = jnp.abs(xb - row)
            rows.append(lax.dot_general(ones_1e, diff,
                                        (((1,), (1,)), ((), ())),
                                        preferred_element_type=f32))
        d_ref[pl.ds(i * 16, 16), :] = jnp.concatenate(rows, axis=0)
        return 0

    lax.fori_loop(0, B_ // 16, dist_blk, 0)


def _tc_stage(preds, target, x):
    return pl.pallas_call(
        _tc_body,
        out_shape=[
            jax.ShapeDtypeStruct((B_, B_), jnp.float32),
            jax.ShapeDtypeStruct((C_, B_), jnp.float32),
            jax.ShapeDtypeStruct((C_, B_), jnp.int32),
            jax.ShapeDtypeStruct((1, 1), jnp.float32),
        ],
        scratch_shapes=[pltpu.VMEM((B_, E_), jnp.bfloat16)],
    )(preds, target, x)



def _lexmax(ka, ia, kb, ib):
    g = (ka > kb) | ((ka == kb) & (ia > ib))
    return jnp.where(g, ka, kb), jnp.where(g, ia, ib)


def _lexmin(ka, ia, kb, ib):
    g = (ka < kb) | ((ka == kb) & (ia < ib))
    return jnp.where(g, ka, kb), jnp.where(g, ia, ib)


def _sc_body(scores_hbm, target_hbm, d_hbm, out_hbm,
             s_v, t_v, d_v, acc_v, sem):
    f32, i32 = jnp.float32, jnp.int32
    wid = lax.axis_index("s") * 2 + lax.axis_index("c")
    iota = lax.broadcasted_iota(i32, (L_,), 0)

    c1 = pltpu.async_copy(scores_hbm.at[pl.ds(wid * CPW_, CPW_)], s_v, sem)
    c2 = pltpu.async_copy(target_hbm.at[pl.ds(wid * CPW_, CPW_)], t_v, sem)
    c3 = pltpu.async_copy(d_hbm, d_v, sem)
    c1.wait()
    c2.wait()
    c3.wait()

    acc_v[...] = jnp.zeros((L_,), f32)

    def splat(x):
        return jnp.full((L_,), x, i32)

    def lane_bcast(vec, k):
        return jnp.take_along_axis(vec, splat(k), axis=0)

    def class_body(i, _):
        tg = [t_v[i, pl.ds(g * L_, L_)] for g in range(4)]
        vsc = jnp.max(tg[0])

        @pl.when(vsc >= 2)
        def _():
            sg = [s_v[i, pl.ds(g * L_, L_)] for g in range(4)]
            mem = [(tg[g] & 1) == 1 for g in range(4)]
            idxg = [iota + g * L_ for g in range(4)]
            pc = [plsc.all_reduce_population_count(mem[g]) for g in range(4)]
            n_spl = pc[0] + pc[1] + pc[2] + pc[3]
            kp_spl = jnp.minimum(n_spl - 1, K_)
            kn_spl = jnp.minimum(B_ - n_spl, K_)

            ninf = f32(-jnp.inf)

            def neg_step(k, carry):
                c0, c1, c2, c3, nidx = carry
                ka, ia = _lexmax(c0, idxg[0], c1, idxg[1])
                kb, ib = _lexmax(c2, idxg[2], c3, idxg[3])
                km, im = _lexmax(ka, ia, kb, ib)
                vmax = jnp.max(km)
                imax = jnp.max(jnp.where(km == vmax, im, -1))
                nidx = jnp.where(iota == k, imax, nidx)
                cs = [jnp.where(idxg[g] == imax, ninf, c)
                      for g, c in enumerate((c0, c1, c2, c3))]
                return cs[0], cs[1], cs[2], cs[3], nidx

            cur = [jnp.where(mem[g], ninf, sg[g]) for g in range(4)]
            *_, nidx = lax.fori_loop(
                0, K_, neg_step, (cur[0], cur[1], cur[2], cur[3], splat(0)),
                unroll=4)

            pinf = f32(jnp.inf)

            def pos_step(j, carry):
                c0, c1, c2, c3, pidx, p16 = carry
                ka, ia = _lexmin(c0, idxg[0], c1, idxg[1])
                kb, ib = _lexmin(c2, idxg[2], c3, idxg[3])
                km, im = _lexmin(ka, ia, kb, ib)
                vmin = jnp.min(km)
                imin = jnp.min(jnp.where(km == vmin, im, 99))
                imin = jnp.where(vmin < pinf, imin, 99)
                pidx = jnp.where((iota == j) & (j < K_), imin, pidx)
                p16 = jnp.where(j == K_, splat(imin), p16)
                cs = [jnp.where(idxg[g] == imin, pinf, c)
                      for g, c in enumerate((c0, c1, c2, c3))]
                return cs[0], cs[1], cs[2], cs[3], pidx, p16

            cur = [jnp.where(mem[g], sg[g], pinf) for g in range(4)]
            *_, pidx, p16 = lax.fori_loop(
                0, K_ + 1, pos_step,
                (cur[0], cur[1], cur[2], cur[3], splat(99), splat(99)),
                unroll=4)

            def chunk_body(g, _):
                mmv = t_v[i, pl.ds(g * L_, L_)]
                mm = (mmv & 1) == 1
                npc = jnp.max(plsc.all_reduce_population_count(mm))

                @pl.when(npc > 0)
                def _():
                    b_vec = iota + g * L_
                    dn = []
                    for k in range(K_):
                        col = lane_bcast(nidx, k)
                        dnk = plsc.load_gather(d_v, [b_vec, col])
                        dn.append(jnp.where(splat(k) < kn_spl, dnk, BIG_))

                    def entry_body(j, seen):
                        jc = jnp.minimum(j, K_ - 1)
                        pj = jnp.where(splat(j) < K_,
                                       jnp.take_along_axis(pidx, splat(jc),
                                                           axis=0),
                                       p16)
                        dpj = plsc.load_gather(
                            d_v, [b_vec, jnp.minimum(pj, B_ - 1)])
                        eq = pj == b_vec
                        validp = mm & (~eq) & ((splat(j) - seen) < kp_spl)
                        terms = jnp.zeros((L_,), f32)
                        for k in range(K_):
                            terms = terms + jnp.maximum(
                                dpj - dn[k] + MARGIN_, 0.0)
                        acc_v[...] = acc_v[...] + jnp.where(validp, terms, 0.0)
                        return seen + eq.astype(i32)

                    lax.fori_loop(0, K_ + 1, entry_body, splat(0), unroll=4)

                return 0

            lax.fori_loop(0, 4, chunk_body, 0)

        return 0

    lax.fori_loop(0, CPW_, class_body, 0)
    pltpu.sync_copy(acc_v, out_hbm.at[wid])


@functools.cache
def _sc_stage():
    return pl.kernel(
        _sc_body,
        out_type=jax.ShapeDtypeStruct((NW_, L_), jnp.float32),
        mesh=plsc.VectorSubcoreMesh(
            core_axis_name="c", subcore_axis_name="s",
            num_cores=2, num_subcores=16),
        compiler_params=pltpu.CompilerParams(needs_layout_passes=False),
        scratch_types=[
            pltpu.VMEM((CPW_, B_), jnp.float32),
            pltpu.VMEM((CPW_, B_), jnp.int32),
            pltpu.VMEM((B_, B_), jnp.float32),
            pltpu.VMEM((L_,), jnp.float32),
            pltpu.SemaphoreType.DMA,
        ],
    )


@jax.jit
def kernel(input, target, X):
    dmat, scores_t, target_t, cnt = _tc_stage(input, target, X)
    partials = _sc_stage()(scores_t, target_t, dmat)
    count = cnt[0, 0]
    return jnp.where(count > 0.0, jnp.sum(partials) / count, jnp.float32(0.0))

# --- scband reference (transcript-rebuilt; emitter-appended) ---
"""Pipeline reference for scband-incremental-class-rectification-loss-9294309228789 (READ-ONLY COPY).

The authoritative reference and input builder live on the scoring server;
editing this copy changes nothing except your own understanding.
"""

import jax, jax.numpy as jnp
import numpy as np

MARGIN = 0.5
NUM_CLASSES = 256
K = 16
BATCH = 64
EMBED_DIM = 4096


def get_minority_classes(y, num_classes):
    # Faithful translation of the torch/numpy mix:
    # sort per-class positive counts ascending, keep classes while the
    # cumulative count stays below 0.5*num_classes, restore original class
    # order, and drop classes with <=1 positive sample.
    # Returns a fixed-shape boolean membership mask over classes.
    hjk = y.sum(0)
    ix = jnp.argsort(hjk)
    sorted_hjk = hjk[ix]
    mask = jnp.cumsum(sorted_hjk) <= 0.5 * num_classes
    minority = jnp.zeros((num_classes,), dtype=bool).at[ix].set(mask)
    return minority & (hjk > 1)


def setup_inputs(seed: int = 0):
    key = jax.random.key(seed)
    k1, k2, k3 = jax.random.split(key, 3)
    inp = jax.random.normal(k1, (BATCH, NUM_CLASSES), dtype=jnp.float32)
    target = jax.random.randint(k2, (BATCH, NUM_CLASSES), 0, 2, dtype=jnp.int32)
    X = jax.random.normal(k3, (BATCH, EMBED_DIM), dtype=jnp.float32)
    return {"input": inp, "target": target, "X": X}


def _forward(preds, X, target):
    minority = get_minority_classes(target, NUM_CLASSES)
    B = preds.shape[0]
    ypos = target == 1
    # Pairwise summed-L1 distances between embedding rows (TripletLoss helper)
    D = jnp.abs(X[:, None, :] - X[None, :, :]).sum(axis=-1)
    scores = preds.T  # scores[c, b'] = preds[b', c]
    eye = jnp.eye(B, dtype=bool)
    # Positive candidates per anchor (b, c): same class, positive, not the anchor
    VP = ypos.T[None, :, :] & ~eye[:, None, :]  # (B, C, B)
    sp = jnp.where(VP, scores[None, :, :], jnp.inf)
    pos_order = jnp.argsort(sp, axis=-1)[..., :K]  # (B, C, K), stable ascending
    np_valid = VP.sum(-1)  # (B, C)
    posmask = jnp.arange(K)[None, None, :] < jnp.minimum(np_valid, K)[:, :, None]
    d_p = D[jnp.arange(B)[:, None, None], pos_order]  # (B, C, K)
    # Negative candidates per class c: rows where the class label is not 1
    VN = ~ypos.T  # (C, B)
    sn = jnp.where(VN, scores, -jnp.inf)
    neg_order = jnp.argsort(sn, axis=-1)[:, -K:]  # (C, K), last K of stable ascending
    nn_valid = VN.sum(-1)  # (C,)
    negmask = jnp.arange(K)[None, :] >= (K - nn_valid)[:, None]
    d_n = D[jnp.arange(B)[:, None, None], neg_order[None, :, :]]  # (B, C, K)
    anchor_valid = minority[None, :] & ypos & (np_valid > 0) & (nn_valid > 0)[None, :]
    l = jax.nn.relu(d_p[:, :, :, None] - d_n[:, :, None, :] + MARGIN)
    m = (
        anchor_valid[:, :, None, None]
        & posmask[:, :, :, None]
        & negmask[None, :, None, :]
    )
    total = jnp.where(m, l, 0.0).sum()
    count = m.sum()
    return jnp.where(count > 0, total / count, jnp.zeros((), dtype=jnp.float32))


def reference(input, target, X):
    return _forward(input, X, target)

if __name__ == "__main__":
    import jax
    _d = setup_inputs()
    print(jax.jit(kernel)(*tuple(_d.values())))

</pallas_src>

<mosaic_0001>
#map = affine_map<(d0, d1) -> (0, 0)>
module attributes {stable_mosaic.version = 14 : i64} {
  func.func @_sc_body(%arg0: i32, %arg1: i32, %arg2: memref<256x64xf32, #tpu.memory_space<hbm>>, %arg3: memref<256x64xi32, #tpu.memory_space<hbm>>, %arg4: memref<64x64xf32, #tpu.memory_space<hbm>>, %arg5: memref<32x16xf32, #tpu.memory_space<hbm>>, %arg6: memref<8x64xf32, #tpu.memory_space<vmem>>, %arg7: memref<8x64xi32, #tpu.memory_space<vmem>>, %arg8: memref<64x64xf32, #tpu.memory_space<vmem>>, %arg9: memref<16xf32, #tpu.memory_space<vmem>>, %arg10: memref<!tpu.dma_semaphore, #tpu.memory_space<semaphore_mem>>) attributes {dimension_semantics = [#tpu.dimension_semantics<core_parallel>, #tpu.dimension_semantics<subcore_parallel>], iteration_bounds = array<i64: 2, 16>, scalar_prefetch = 0 : i64, scratch_operands = 5 : i64, tpu.core_type = #tpu.core_type<sc_vector_subcore>, window_params = [{transform_indices = #map}, {transform_indices = #map}, {transform_indices = #map}, {transform_indices = #map}]} {
    %mul3A = arith.constant 2 : i32
    %mul3A_0 = arith.muli %arg1, %mul3A : i32
    %add3A = arith.addi %mul3A_0, %arg0 : i32
    %iota3A = tpu.iota {dimensions = array<i32: 0>} : vector<16xi32>
    %mul3A_1 = arith.constant 8 : i32
    %mul3A_2 = arith.muli %add3A, %mul3A_1 : i32
    %dma_start3A = arith.constant 0 : i32
    %dma_start3A_3 = tpu.memref_slice %arg2[%mul3A_2, %dma_start3A] : memref<256x64xf32, #tpu.memory_space<hbm>> -> memref<8x64xf32, #tpu.memory_space<hbm>>
    %dma_start3A_4 = arith.constant 0 : i32
    %dma_start3A_5 = tpu.memref_slice %arg2[%mul3A_2, %dma_start3A_4] : memref<256x64xf32, #tpu.memory_space<hbm>> -> memref<8x64xf32, #tpu.memory_space<hbm>>
    tpu.enqueue_dma source(%dma_start3A_5 : memref<8x64xf32, #tpu.memory_space<hbm>>) target(%arg6 : memref<8x64xf32, #tpu.memory_space<vmem>>) target_semaphore(%arg10 : memref<!tpu.dma_semaphore, #tpu.memory_space<semaphore_mem>>)
    %mul3A_6 = arith.constant 8 : i32
    %mul3A_7 = arith.muli %add3A, %mul3A_6 : i32
    %dma_start3A_8 = arith.constant 0 : i32
    %dma_start3A_9 = tpu.memref_slice %arg3[%mul3A_7, %dma_start3A_8] : memref<256x64xi32, #tpu.memory_space<hbm>> -> memref<8x64xi32, #tpu.memory_space<hbm>>
    %dma_start3A_10 = arith.constant 0 : i32
    %dma_start3A_11 = tpu.memref_slice %arg3[%mul3A_7, %dma_start3A_10] : memref<256x64xi32, #tpu.memory_space<hbm>> -> memref<8x64xi32, #tpu.memory_space<hbm>>
    tpu.enqueue_dma source(%dma_start3A_11 : memref<8x64xi32, #tpu.memory_space<hbm>>) target(%arg7 : memref<8x64xi32, #tpu.memory_space<vmem>>) target_semaphore(%arg10 : memref<!tpu.dma_semaphore, #tpu.memory_space<semaphore_mem>>)
    tpu.enqueue_dma source(%arg4 : memref<64x64xf32, #tpu.memory_space<hbm>>) target(%arg8 : memref<64x64xf32, #tpu.memory_space<vmem>>) target_semaphore(%arg10 : memref<!tpu.dma_semaphore, #tpu.memory_space<semaphore_mem>>)
    %dma_wait3A = arith.constant 0 : i32
    %dma_wait3A_12 = tpu.memref_slice %arg2[%mul3A_2, %dma_wait3A] : memref<256x64xf32, #tpu.memory_space<hbm>> -> memref<8x64xf32, #tpu.memory_space<hbm>>
    %dma_wait3A_13 = arith.constant 0 : i32
    %dma_wait3A_14 = tpu.memref_slice %arg2[%mul3A_2, %dma_wait3A_13] : memref<256x64xf32, #tpu.memory_space<hbm>> -> memref<8x64xf32, #tpu.memory_space<hbm>>
    tpu.wait_dma2 semaphore(%arg10 : memref<!tpu.dma_semaphore, #tpu.memory_space<semaphore_mem>>) src(%dma_wait3A_14 : memref<8x64xf32, #tpu.memory_space<hbm>>) dst(%arg6 : memref<8x64xf32, #tpu.memory_space<vmem>>)
    %dma_wait3A_15 = arith.constant 0 : i32
    %dma_wait3A_16 = tpu.memref_slice %arg3[%mul3A_7, %dma_wait3A_15] : memref<256x64xi32, #tpu.memory_space<hbm>> -> memref<8x64xi32, #tpu.memory_space<hbm>>
    %dma_wait3A_17 = arith.constant 0 : i32
    %dma_wait3A_18 = tpu.memref_slice %arg3[%mul3A_7, %dma_wait3A_17] : memref<256x64xi32, #tpu.memory_space<hbm>> -> memref<8x64xi32, #tpu.memory_space<hbm>>
    tpu.wait_dma2 semaphore(%arg10 : memref<!tpu.dma_semaphore, #tpu.memory_space<semaphore_mem>>) src(%dma_wait3A_18 : memref<8x64xi32, #tpu.memory_space<hbm>>) dst(%arg7 : memref<8x64xi32, #tpu.memory_space<vmem>>)
    tpu.wait_dma2 semaphore(%arg10 : memref<!tpu.dma_semaphore, #tpu.memory_space<semaphore_mem>>) src(%arg4 : memref<64x64xf32, #tpu.memory_space<hbm>>) dst(%arg8 : memref<64x64xf32, #tpu.memory_space<vmem>>)
    %broadcast_in_dim3A = arith.constant 0.000000e+00 : f32
    %broadcast_in_dim3A_19 = vector.broadcast %broadcast_in_dim3A : f32 to vector<16xf32>
    %swap3A = arith.constant 0 : index
    %swap3A_20 = tpu.vector_load %arg9[%swap3A] {strides = array<i32>} : memref<16xf32, #tpu.memory_space<vmem>>, vector<16xf32>,
    tpu.vector_store %arg9[%swap3A], %broadcast_in_dim3A_19 {strides = array<i32>} : memref<16xf32, #tpu.memory_space<vmem>>, vector<16xf32>,
    %scan3A = arith.constant 0 : i32
    %scan3A_21 = arith.constant 0 : i32
    %scan3A_22 = arith.constant 8 : i32
    %scan3A_23 = arith.addi %scan3A_21, %scan3A_22 : i32
    %scan3A_24 = arith.constant 1 : i32
    %scan3A_25 = scf.for %scan3A_27 = %scan3A_21 to %scan3A_23 step %scan3A_24 iter_args(%scan3A_28 = %scan3A) -> (i32)  : i32 {
      %get3A = arith.index_cast %scan3A_27 : i32 to index
      %get3A_29 = arith.constant 0 : index
      %get3A_30 = tpu.vector_load %arg7[%get3A, %get3A_29] {strides = array<i32>} : memref<8x64xi32, #tpu.memory_space<vmem>>, vector<16xi32>,
      %get3A_31 = arith.index_cast %scan3A_27 : i32 to index
      %get3A_32 = arith.constant 16 : index
      %get3A_33 = tpu.vector_load %arg7[%get3A_31, %get3A_32] {strides = array<i32>} : memref<8x64xi32, #tpu.memory_space<vmem>>, vector<16xi32>,
      %get3A_34 = arith.index_cast %scan3A_27 : i32 to index
      %get3A_35 = arith.constant 32 : index
      %get3A_36 = tpu.vector_load %arg7[%get3A_34, %get3A_35] {strides = array<i32>} : memref<8x64xi32, #tpu.memory_space<vmem>>, vector<16xi32>,
      %get3A_37 = arith.index_cast %scan3A_27 : i32 to index
      %get3A_38 = arith.constant 48 : index
      %get3A_39 = tpu.vector_load %arg7[%get3A_37, %get3A_38] {strides = array<i32>} : memref<8x64xi32, #tpu.memory_space<vmem>>, vector<16xi32>,
      %reduce_max3A = arith.constant true
      %reduce_max3A_40 = vector.broadcast %reduce_max3A : i1 to vector<16xi1>
      %reduce_max3A_41 = arith.constant -2147483648 : i32
      %reduce_max3A_42 = vector.broadcast %reduce_max3A_41 : i32 to vector<16xi32>
      %reduce_max3A_43 = arith.xori %get3A_30, %reduce_max3A_42 : vector<16xi32>
      %reduce_max3A_44 = tpu.scan <max>, %reduce_max3A_43 masked %reduce_max3A_40 : vector<16xi32>, vector<16xi1> -> vector<16xi32>
      %reduce_max3A_45 = arith.xori %reduce_max3A_44, %reduce_max3A_42 : vector<16xi32>
      %reduce_max3A_46 = vector.extract %reduce_max3A_45[15] : i32 from vector<16xi32>
      %ge3A = arith.constant 2 : i32
      %ge3A_47 = arith.cmpi sge, %reduce_max3A_46, %ge3A : i32
      %convert_element_type3A = arith.extui %ge3A_47 : i1 to i32
      %cond3A = arith.constant 0 : i32
      %cond3A_48 = arith.cmpi ne, %convert_element_type3A, %cond3A : i32
      scf.if %cond3A_48 {
        %get3A_50 = arith.index_cast %scan3A_27 : i32 to index
        %get3A_51 = arith.constant 0 : index
        %get3A_52 = tpu.vector_load %arg6[%get3A_50, %get3A_51] {strides = array<i32>} : memref<8x64xf32, #tpu.memory_space<vmem>>, vector<16xf32>,
        %get3A_53 = arith.index_cast %scan3A_27 : i32 to index
        %get3A_54 = arith.constant 16 : index
        %get3A_55 = tpu.vector_load %arg6[%get3A_53, %get3A_54] {strides = array<i32>} : memref<8x64xf32, #tpu.memory_space<vmem>>, vector<16xf32>,
        %get3A_56 = arith.index_cast %scan3A_27 : i32 to index
        %get3A_57 = arith.constant 32 : index
        %get3A_58 = tpu.vector_load %arg6[%get3A_56, %get3A_57] {strides = array<i32>} : memref<8x64xf32, #tpu.memory_space<vmem>>, vector<16xf32>,
        %get3A_59 = arith.index_cast %scan3A_27 : i32 to index
        %get3A_60 = arith.constant 48 : index
        %get3A_61 = tpu.vector_load %arg6[%get3A_59, %get3A_60] {strides = array<i32>} : memref<8x64xf32, #tpu.memory_space<vmem>>, vector<16xf32>,
        %and3A = arith.constant 1 : i32
        %and3A_62 = vector.broadcast %and3A : i32 to vector<16xi32>
        %and3A_63 = arith.andi %get3A_30, %and3A_62 : vector<16xi32>
        %eq3A = arith.constant 1 : i32
        %eq3A_64 = vector.broadcast %eq3A : i32 to vector<16xi32>
        %eq3A_65 = arith.cmpi eq, %and3A_63, %eq3A_64 : vector<16xi32>
        %and3A_66 = arith.constant 1 : i32
        %and3A_67 = vector.broadcast %and3A_66 : i32 to vector<16xi32>
        %and3A_68 = arith.andi %get3A_33, %and3A_67 : vector<16xi32>
        %eq3A_69 = arith.constant 1 : i32
        %eq3A_70 = vector.broadcast %eq3A_69 : i32 to vector<16xi32>
        %eq3A_71 = arith.cmpi eq, %and3A_68, %eq3A_70 : vector<16xi32>
        %and3A_72 = arith.constant 1 : i32
        %and3A_73 = vector.broadcast %and3A_72 : i32 to vector<16xi32>
        %and3A_74 = arith.andi %get3A_36, %and3A_73 : vector<16xi32>
        %eq3A_75 = arith.constant 1 : i32
        %eq3A_76 = vector.broadcast %eq3A_75 : i32 to vector<16xi32>
        %eq3A_77 = arith.cmpi eq, %and3A_74, %eq3A_76 : vector<16xi32>
        %and3A_78 = arith.constant 1 : i32
        %and3A_79 = vector.broadcast %and3A_78 : i32 to vector<16xi32>
        %and3A_80 = arith.andi %get3A_39, %and3A_79 : vector<16xi32>
        %eq3A_81 = arith.constant 1 : i32
        %eq3A_82 = vector.broadcast %eq3A_81 : i32 to vector<16xi32>
        %eq3A_83 = arith.cmpi eq, %and3A_80, %eq3A_82 : vector<16xi32>
        %add3A_84 = arith.constant 0 : i32
        %add3A_85 = vector.broadcast %add3A_84 : i32 to vector<16xi32>
        %add3A_86 = arith.addi %iota3A, %add3A_85 : vector<16xi32>
        %add3A_87 = arith.constant 16 : i32
        %add3A_88 = vector.broadcast %add3A_87 : i32 to vector<16xi32>
        %add3A_89 = arith.addi %iota3A, %add3A_88 : vector<16xi32>
        %add3A_90 = arith.constant 32 : i32
        %add3A_91 = vector.broadcast %add3A_90 : i32 to vector<16xi32>
        %add3A_92 = arith.addi %iota3A, %add3A_91 : vector<16xi32>
        %add3A_93 = arith.constant 48 : i32
        %add3A_94 = vector.broadcast %add3A_93 : i32 to vector<16xi32>
        %add3A_95 = arith.addi %iota3A, %add3A_94 : vector<16xi32>
        %all_reduce_population_count3A = tpu.all_reduce %eq3A_65 {dim = 0 : i64, kind = #tpu.reduction_kind<sum>} : vector<16xi1> -> vector<16xi32>
        %all_reduce_population_count3A_96 = tpu.all_reduce %eq3A_71 {dim = 0 : i64, kind = #tpu.reduction_kind<sum>} : vector<16xi1> -> vector<16xi32>
        %all_reduce_population_count3A_97 = tpu.all_reduce %eq3A_77 {dim = 0 : i64, kind = #tpu.reduction_kind<sum>} : vector<16xi1> -> vector<16xi32>
        %all_reduce_population_count3A_98 = tpu.all_reduce %eq3A_83 {dim = 0 : i64, kind = #tpu.reduction_kind<sum>} : vector<16xi1> -> vector<16xi32>
        %add3A_99 = arith.addi %all_reduce_population_count3A, %all_reduce_population_count3A_96 : vector<16xi32>
        %add3A_100 = arith.addi %add3A_99, %all_reduce_population_count3A_97 : vector<16xi32>
        %add3A_101 = arith.addi %add3A_100, %all_reduce_population_count3A_98 : vector<16xi32>
        %sub3A = arith.constant 1 : i32
        %sub3A_102 = vector.broadcast %sub3A : i32 to vector<16xi32>
        %sub3A_103 = arith.subi %add3A_101, %sub3A_102 : vector<16xi32>
        %min3A = arith.constant 16 : i32
        %min3A_104 = vector.broadcast %min3A : i32 to vector<16xi32>
        %min3A_105 = arith.minsi %sub3A_103, %min3A_104 : vector<16xi32>
        %sub3A_106 = arith.constant 64 : i32
        %sub3A_107 = vector.broadcast %sub3A_106 : i32 to vector<16xi32>
        %sub3A_108 = arith.subi %sub3A_107, %add3A_101 : vector<16xi32>
        %min3A_109 = arith.constant 16 : i32
        %min3A_110 = vector.broadcast %min3A_109 : i32 to vector<16xi32>
        %min3A_111 = arith.minsi %sub3A_108, %min3A_110 : vector<16xi32>
        %jit3A = arith.constant 0xFF800000 : f32
        %broadcast_in_dim3A_112 = vector.broadcast %jit3A : f32 to vector<16xf32>
        %select_n3A = arith.select %eq3A_65, %broadcast_in_dim3A_112, %get3A_52 : vector<16xi1>, vector<16xf32>
        %jit3A_113 = arith.constant 0xFF800000 : f32
        %broadcast_in_dim3A_114 = vector.broadcast %jit3A_113 : f32 to vector<16xf32>
        %select_n3A_115 = arith.select %eq3A_71, %broadcast_in_dim3A_114, %get3A_55 : vector<16xi1>, vector<16xf32>
        %jit3A_116 = arith.constant 0xFF800000 : f32
        %broadcast_in_dim3A_117 = vector.broadcast %jit3A_116 : f32 to vector<16xf32>
        %select_n3A_118 = arith.select %eq3A_77, %broadcast_in_dim3A_117, %get3A_58 : vector<16xi1>, vector<16xf32>
        %jit3A_119 = arith.constant 0xFF800000 : f32
        %broadcast_in_dim3A_120 = vector.broadcast %jit3A_119 : f32 to vector<16xf32>
        %select_n3A_121 = arith.select %eq3A_83, %broadcast_in_dim3A_120, %get3A_61 : vector<16xi1>, vector<16xf32>
        %broadcast_in_dim3A_122 = arith.constant 0 : i32
        %broadcast_in_dim3A_123 = vector.broadcast %broadcast_in_dim3A_122 : i32 to vector<16xi32>
        %scan3A_124 = arith.constant 0xFF800000 : f32
        %scan3A_125 = arith.constant 0 : i32
        %scan3A_126 = arith.constant 16 : i32
        %scan3A_127 = arith.addi %scan3A_125, %scan3A_126 : i32
        %scan3A_128 = arith.constant 4 : i32
        %scan3A_129:5 = scf.for %scan3A_229 = %scan3A_125 to %scan3A_127 step %scan3A_128 iter_args(%scan3A_230 = %select_n3A, %scan3A_231 = %select_n3A_115, %scan3A_232 = %select_n3A_118, %scan3A_233 = %select_n3A_121, %scan3A_234 = %broadcast_in_dim3A_123) -> (vector<16xf32>, vector<16xf32>, vector<16xf32>, vector<16xf32>, vector<16xi32>)  : i32 {
          %gt3A = arith.cmpf ogt, %scan3A_230, %scan3A_231 : vector<16xf32>
          %eq3A_235 = arith.cmpf oeq, %scan3A_230, %scan3A_231 : vector<16xf32>
          %gt3A_236 = arith.cmpi sgt, %add3A_86, %add3A_89 : vector<16xi32>
          %and3A_237 = arith.andi %eq3A_235, %gt3A_236 : vector<16xi1>
          %or3A_238 = arith.ori %gt3A, %and3A_237 : vector<16xi1>
          %select_n3A_239 = arith.select %or3A_238, %scan3A_230, %scan3A_231 : vector<16xi1>, vector<16xf32>
          %select_n3A_240 = arith.select %or3A_238, %add3A_86, %add3A_89 : vector<16xi1>, vector<16xi32>
          %gt3A_241 = arith.cmpf ogt, %scan3A_232, %scan3A_233 : vector<16xf32>
          %eq3A_242 = arith.cmpf oeq, %scan3A_232, %scan3A_233 : vector<16xf32>
          %gt3A_243 = arith.cmpi sgt, %add3A_92, %add3A_95 : vector<16xi32>
          %and3A_244 = arith.andi %eq3A_242, %gt3A_243 : vector<16xi1>
          %or3A_245 = arith.ori %gt3A_241, %and3A_244 : vector<16xi1>
          %select_n3A_246 = arith.select %or3A_245, %scan3A_232, %scan3A_233 : vector<16xi1>, vector<16xf32>
          %select_n3A_247 = arith.select %or3A_245, %add3A_92, %add3A_95 : vector<16xi1>, vector<16xi32>
          %gt3A_248 = arith.cmpf ogt, %select_n3A_239, %select_n3A_246 : vector<16xf32>
          %eq3A_249 = arith.cmpf oeq, %select_n3A_239, %select_n3A_246 : vector<16xf32>
          %gt3A_250 = arith.cmpi sgt, %select_n3A_240, %select_n3A_247 : vector<16xi32>
          %and3A_251 = arith.andi %eq3A_249, %gt3A_250 : vector<16xi1>
          %or3A_252 = arith.ori %gt3A_248, %and3A_251 : vector<16xi1>
          %select_n3A_253 = arith.select %or3A_252, %select_n3A_239, %select_n3A_246 : vector<16xi1>, vector<16xf32>
          %select_n3A_254 = arith.select %or3A_252, %select_n3A_240, %select_n3A_247 : vector<16xi1>, vector<16xi32>
          %reduce_max3A_255 = arith.constant true
          %reduce_max3A_256 = vector.broadcast %reduce_max3A_255 : i1 to vector<16xi1>
          %reduce_max3A_257 = tpu.scan <max>, %select_n3A_253 masked %reduce_max3A_256 : vector<16xf32>, vector<16xi1> -> vector<16xf32>
          %reduce_max3A_258 = vector.extract %reduce_max3A_257[15] : f32 from vector<16xf32>
          %eq3A_259 = vector.broadcast %reduce_max3A_258 : f32 to vector<16xf32>
          %eq3A_260 = arith.cmpf oeq, %select_n3A_253, %eq3A_259 : vector<16xf32>
          %jit3A_261 = arith.constant -1 : i32
          %broadcast_in_dim3A_262 = vector.broadcast %jit3A_261 : i32 to vector<16xi32>
          %select_n3A_263 = arith.select %eq3A_260, %select_n3A_254, %broadcast_in_dim3A_262 : vector<16xi1>, vector<16xi32>
          %reduce_max3A_264 = arith.constant true
          %reduce_max3A_265 = vector.broadcast %reduce_max3A_264 : i1 to vector<16xi1>
          %reduce_max3A_266 = arith.constant -2147483648 : i32
          %reduce_max3A_267 = vector.broadcast %reduce_max3A_266 : i32 to vector<16xi32>
          %reduce_max3A_268 = arith.xori %select_n3A_263, %reduce_max3A_267 : vector<16xi32>
          %reduce_max3A_269 = tpu.scan <max>, %reduce_max3A_268 masked %reduce_max3A_265 : vector<16xi32>, vector<16xi1> -> vector<16xi32>
          %reduce_max3A_270 = arith.xori %reduce_max3A_269, %reduce_max3A_267 : vector<16xi32>
          %reduce_max3A_271 = vector.extract %reduce_max3A_270[15] : i32 from vector<16xi32>
          %eq3A_272 = vector.broadcast %scan3A_229 : i32 to vector<16xi32>
          %eq3A_273 = arith.cmpi eq, %iota3A, %eq3A_272 : vector<16xi32>
          %broadcast_in_dim3A_274 = vector.broadcast %reduce_max3A_271 : i32 to vector<16xi32>
          %select_n3A_275 = arith.select %eq3A_273, %broadcast_in_dim3A_274, %scan3A_234 : vector<16xi1>, vector<16xi32>
          %eq3A_276 = vector.broadcast %reduce_max3A_271 : i32 to vector<16xi32>
          %eq3A_277 = arith.cmpi eq, %add3A_86, %eq3A_276 : vector<16xi32>
          %broadcast_in_dim3A_278 = vector.broadcast %scan3A_124 : f32 to vector<16xf32>
          %select_n3A_279 = arith.select %eq3A_277, %broadcast_in_dim3A_278, %scan3A_230 : vector<16xi1>, vector<16xf32>
          %eq3A_280 = vector.broadcast %reduce_max3A_271 : i32 to vector<16xi32>
          %eq3A_281 = arith.cmpi eq, %add3A_89, %eq3A_280 : vector<16xi32>
          %broadcast_in_dim3A_282 = vector.broadcast %scan3A_124 : f32 to vector<16xf32>
          %select_n3A_283 = arith.select %eq3A_281, %broadcast_in_dim3A_282, %scan3A_231 : vector<16xi1>, vector<16xf32>
          %eq3A_284 = vector.broadcast %reduce_max3A_271 : i32 to vector<16xi32>
          %eq3A_285 = arith.cmpi eq, %add3A_92, %eq3A_284 : vector<16xi32>
          %broadcast_in_dim3A_286 = vector.broadcast %scan3A_124 : f32 to vector<16xf32>
          %select_n3A_287 = arith.select %eq3A_285, %broadcast_in_dim3A_286, %scan3A_232 : vector<16xi1>, vector<16xf32>
          %eq3A_288 = vector.broadcast %reduce_max3A_271 : i32 to vector<16xi32>
          %eq3A_289 = arith.cmpi eq, %add3A_95, %eq3A_288 : vector<16xi32>
          %broadcast_in_dim3A_290 = vector.broadcast %scan3A_124 : f32 to vector<16xf32>
          %select_n3A_291 = arith.select %eq3A_289, %broadcast_in_dim3A_290, %scan3A_233 : vector<16xi1>, vector<16xf32>
          %scan3A_292 = arith.constant 1 : i32
          %scan3A_293 = arith.addi %scan3A_229, %scan3A_292 : i32
          %gt3A_294 = arith.cmpf ogt, %select_n3A_279, %select_n3A_283 : vector<16xf32>
          %eq3A_295 = arith.cmpf oeq, %select_n3A_279, %select_n3A_283 : vector<16xf32>
          %gt3A_296 = arith.cmpi sgt, %add3A_86, %add3A_89 : vector<16xi32>
          %and3A_297 = arith.andi %eq3A_295, %gt3A_296 : vector<16xi1>
          %or3A_298 = arith.ori %gt3A_294, %and3A_297 : vector<16xi1>
          %select_n3A_299 = arith.select %or3A_298, %select_n3A_279, %select_n3A_283 : vector<16xi1>, vector<16xf32>
          %select_n3A_300 = arith.select %or3A_298, %add3A_86, %add3A_89 : vector<16xi1>, vector<16xi32>
          %gt3A_301 = arith.cmpf ogt, %select_n3A_287, %select_n3A_291 : vector<16xf32>
          %eq3A_302 = arith.cmpf oeq, %select_n3A_287, %select_n3A_291 : vector<16xf32>
          %gt3A_303 = arith.cmpi sgt, %add3A_92, %add3A_95 : vector<16xi32>
          %and3A_304 = arith.andi %eq3A_302, %gt3A_303 : vector<16xi1>
          %or3A_305 = arith.ori %gt3A_301, %and3A_304 : vector<16xi1>
          %select_n3A_306 = arith.select %or3A_305, %select_n3A_287, %select_n3A_291 : vector<16xi1>, vector<16xf32>
          %select_n3A_307 = arith.select %or3A_305, %add3A_92, %add3A_95 : vector<16xi1>, vector<16xi32>
          %gt3A_308 = arith.cmpf ogt, %select_n3A_299, %select_n3A_306 : vector<16xf32>
          %eq3A_309 = arith.cmpf oeq, %select_n3A_299, %select_n3A_306 : vector<16xf32>
          %gt3A_310 = arith.cmpi sgt, %select_n3A_300, %select_n3A_307 : vector<16xi32>
          %and3A_311 = arith.andi %eq3A_309, %gt3A_310 : vector<16xi1>
          %or3A_312 = arith.ori %gt3A_308, %and3A_311 : vector<16xi1>
          %select_n3A_313 = arith.select %or3A_312, %select_n3A_299, %select_n3A_306 : vector<16xi1>, vector<16xf32>
          %select_n3A_314 = arith.select %or3A_312, %select_n3A_300, %select_n3A_307 : vector<16xi1>, vector<16xi32>
          %reduce_max3A_315 = arith.constant true
          %reduce_max3A_316 = vector.broadcast %reduce_max3A_315 : i1 to vector<16xi1>
          %reduce_max3A_317 = tpu.scan <max>, %select_n3A_313 masked %reduce_max3A_316 : vector<16xf32>, vector<16xi1> -> vector<16xf32>
          %reduce_max3A_318 = vector.extract %reduce_max3A_317[15] : f32 from vector<16xf32>
          %eq3A_319 = vector.broadcast %reduce_max3A_318 : f32 to vector<16xf32>
          %eq3A_320 = arith.cmpf oeq, %select_n3A_313, %eq3A_319 : vector<16xf32>
          %jit3A_321 = arith.constant -1 : i32
          %broadcast_in_dim3A_322 = vector.broadcast %jit3A_321 : i32 to vector<16xi32>
          %select_n3A_323 = arith.select %eq3A_320, %select_n3A_314, %broadcast_in_dim3A_322 : vector<16xi1>, vector<16xi32>
          %reduce_max3A_324 = arith.constant true
          %reduce_max3A_325 = vector.broadcast %reduce_max3A_324 : i1 to vector<16xi1>
          %reduce_max3A_326 = arith.constant -2147483648 : i32
          %reduce_max3A_327 = vector.broadcast %reduce_max3A_326 : i32 to vector<16xi32>
          %reduce_max3A_328 = arith.xori %select_n3A_323, %reduce_max3A_327 : vector<16xi32>
          %reduce_max3A_329 = tpu.scan <max>, %reduce_max3A_328 masked %reduce_max3A_325 : vector<16xi32>, vector<16xi1> -> vector<16xi32>
          %reduce_max3A_330 = arith.xori %reduce_max3A_329, %reduce_max3A_327 : vector<16xi32>
          %reduce_max3A_331 = vector.extract %reduce_max3A_330[15] : i32 from vector<16xi32>
          %eq3A_332 = vector.broadcast %scan3A_293 : i32 to vector<16xi32>
          %eq3A_333 = arith.cmpi eq, %iota3A, %eq3A_332 : vector<16xi32>
          %broadcast_in_dim3A_334 = vector.broadcast %reduce_max3A_331 : i32 to vector<16xi32>
          %select_n3A_335 = arith.select %eq3A_333, %broadcast_in_dim3A_334, %select_n3A_275 : vector<16xi1>, vector<16xi32>
          %eq3A_336 = vector.broadcast %reduce_max3A_331 : i32 to vector<16xi32>
          %eq3A_337 = arith.cmpi eq, %add3A_86, %eq3A_336 : vector<16xi32>
          %broadcast_in_dim3A_338 = vector.broadcast %scan3A_124 : f32 to vector<16xf32>
          %select_n3A_339 = arith.select %eq3A_337, %broadcast_in_dim3A_338, %select_n3A_279 : vector<16xi1>, vector<16xf32>
          %eq3A_340 = vector.broadcast %reduce_max3A_331 : i32 to vector<16xi32>
          %eq3A_341 = arith.cmpi eq, %add3A_89, %eq3A_340 : vector<16xi32>
          %broadcast_in_dim3A_342 = vector.broadcast %scan3A_124 : f32 to vector<16xf32>
          %select_n3A_343 = arith.select %eq3A_341, %broadcast_in_dim3A_342, %select_n3A_283 : vector<16xi1>, vector<16xf32>
          %eq3A_344 = vector.broadcast %reduce_max3A_331 : i32 to vector<16xi32>
          %eq3A_345 = arith.cmpi eq, %add3A_92, %eq3A_344 : vector<16xi32>
          %broadcast_in_dim3A_346 = vector.broadcast %scan3A_124 : f32 to vector<16xf32>
          %select_n3A_347 = arith.select %eq3A_345, %broadcast_in_dim3A_346, %select_n3A_287 : vector<16xi1>, vector<16xf32>
          %eq3A_348 = vector.broadcast %reduce_max3A_331 : i32 to vector<16xi32>
          %eq3A_349 = arith.cmpi eq, %add3A_95, %eq3A_348 : vector<16xi32>
          %broadcast_in_dim3A_350 = vector.broadcast %scan3A_124 : f32 to vector<16xf32>
          %select_n3A_351 = arith.select %eq3A_349, %broadcast_in_dim3A_350, %select_n3A_291 : vector<16xi1>, vector<16xf32>
          %scan3A_352 = arith.constant 2 : i32
          %scan3A_353 = arith.addi %scan3A_229, %scan3A_352 : i32
          %gt3A_354 = arith.cmpf ogt, %select_n3A_339, %select_n3A_343 : vector<16xf32>
          %eq3A_355 = arith.cmpf oeq, %select_n3A_339, %select_n3A_343 : vector<16xf32>
          %gt3A_356 = arith.cmpi sgt, %add3A_86, %add3A_89 : vector<16xi32>
          %and3A_357 = arith.andi %eq3A_355, %gt3A_356 : vector<16xi1>
          %or3A_358 = arith.ori %gt3A_354, %and3A_357 : vector<16xi1>
          %select_n3A_359 = arith.select %or3A_358, %select_n3A_339, %select_n3A_343 : vector<16xi1>, vector<16xf32>
          %select_n3A_360 = arith.select %or3A_358, %add3A_86, %add3A_89 : vector<16xi1>, vector<16xi32>
          %gt3A_361 = arith.cmpf ogt, %select_n3A_347, %select_n3A_351 : vector<16xf32>
          %eq3A_362 = arith.cmpf oeq, %select_n3A_347, %select_n3A_351 : vector<16xf32>
          %gt3A_363 = arith.cmpi sgt, %add3A_92, %add3A_95 : vector<16xi32>
          %and3A_364 = arith.andi %eq3A_362, %gt3A_363 : vector<16xi1>
          %or3A_365 = arith.ori %gt3A_361, %and3A_364 : vector<16xi1>
          %select_n3A_366 = arith.select %or3A_365, %select_n3A_347, %select_n3A_351 : vector<16xi1>, vector<16xf32>
          %select_n3A_367 = arith.select %or3A_365, %add3A_92, %add3A_95 : vector<16xi1>, vector<16xi32>
          %gt3A_368 = arith.cmpf ogt, %select_n3A_359, %select_n3A_366 : vector<16xf32>
          %eq3A_369 = arith.cmpf oeq, %select_n3A_359, %select_n3A_366 : vector<16xf32>
          %gt3A_370 = arith.cmpi sgt, %select_n3A_360, %select_n3A_367 : vector<16xi32>
          %and3A_371 = arith.andi %eq3A_369, %gt3A_370 : vector<16xi1>
          %or3A_372 = arith.ori %gt3A_368, %and3A_371 : vector<16xi1>
          %select_n3A_373 = arith.select %or3A_372, %select_n3A_359, %select_n3A_366 : vector<16xi1>, vector<16xf32>
          %select_n3A_374 = arith.select %or3A_372, %select_n3A_360, %select_n3A_367 : vector<16xi1>, vector<16xi32>
          %reduce_max3A_375 = arith.constant true
          %reduce_max3A_376 = vector.broadcast %reduce_max3A_375 : i1 to vector<16xi1>
          %reduce_max3A_377 = tpu.scan <max>, %select_n3A_373 masked %reduce_max3A_376 : vector<16xf32>, vector<16xi1> -> vector<16xf32>
          %reduce_max3A_378 = vector.extract %reduce_max3A_377[15] : f32 from vector<16xf32>
          %eq3A_379 = vector.broadcast %reduce_max3A_378 : f32 to vector<16xf32>
          %eq3A_380 = arith.cmpf oeq, %select_n3A_373, %eq3A_379 : vector<16xf32>
          %jit3A_381 = arith.constant -1 : i32
          %broadcast_in_dim3A_382 = vector.broadcast %jit3A_381 : i32 to vector<16xi32>
          %select_n3A_383 = arith.select %eq3A_380, %select_n3A_374, %broadcast_in_dim3A_382 : vector<16xi1>, vector<16xi32>
          %reduce_max3A_384 = arith.constant true
          %reduce_max3A_385 = vector.broadcast %reduce_max3A_384 : i1 to vector<16xi1>
          %reduce_max3A_386 = arith.constant -2147483648 : i32
          %reduce_max3A_387 = vector.broadcast %reduce_max3A_386 : i32 to vector<16xi32>
          %reduce_max3A_388 = arith.xori %select_n3A_383, %reduce_max3A_387 : vector<16xi32>
          %reduce_max3A_389 = tpu.scan <max>, %reduce_max3A_388 masked %reduce_max3A_385 : vector<16xi32>, vector<16xi1> -> vector<16xi32>
          %reduce_max3A_390 = arith.xori %reduce_max3A_389, %reduce_max3A_387 : vector<16xi32>
          %reduce_max3A_391 = vector.extract %reduce_max3A_390[15] : i32 from vector<16xi32>
          %eq3A_392 = vector.broadcast %scan3A_353 : i32 to vector<16xi32>
          %eq3A_393 = arith.cmpi eq, %iota3A, %eq3A_392 : vector<16xi32>
          %broadcast_in_dim3A_394 = vector.broadcast %reduce_max3A_391 : i32 to vector<16xi32>
          %select_n3A_395 = arith.select %eq3A_393, %broadcast_in_dim3A_394, %select_n3A_335 : vector<16xi1>, vector<16xi32>
          %eq3A_396 = vector.broadcast %reduce_max3A_391 : i32 to vector<16xi32>
          %eq3A_397 = arith.cmpi eq, %add3A_86, %eq3A_396 : vector<16xi32>
          %broadcast_in_dim3A_398 = vector.broadcast %scan3A_124 : f32 to vector<16xf32>
          %select_n3A_399 = arith.select %eq3A_397, %broadcast_in_dim3A_398, %select_n3A_339 : vector<16xi1>, vector<16xf32>
          %eq3A_400 = vector.broadcast %reduce_max3A_391 : i32 to vector<16xi32>
          %eq3A_401 = arith.cmpi eq, %add3A_89, %eq3A_400 : vector<16xi32>
          %broadcast_in_dim3A_402 = vector.broadcast %scan3A_124 : f32 to vector<16xf32>
          %select_n3A_403 = arith.select %eq3A_401, %broadcast_in_dim3A_402, %select_n3A_343 : vector<16xi1>, vector<16xf32>
          %eq3A_404 = vector.broadcast %reduce_max3A_391 : i32 to vector<16xi32>
          %eq3A_405 = arith.cmpi eq, %add3A_92, %eq3A_404 : vector<16xi32>
          %broadcast_in_dim3A_406 = vector.broadcast %scan3A_124 : f32 to vector<16xf32>
          %select_n3A_407 = arith.select %eq3A_405, %broadcast_in_dim3A_406, %select_n3A_347 : vector<16xi1>, vector<16xf32>
          %eq3A_408 = vector.broadcast %reduce_max3A_391 : i32 to vector<16xi32>
          %eq3A_409 = arith.cmpi eq, %add3A_95, %eq3A_408 : vector<16xi32>
          %broadcast_in_dim3A_410 = vector.broadcast %scan3A_124 : f32 to vector<16xf32>
          %select_n3A_411 = arith.select %eq3A_409, %broadcast_in_dim3A_410, %select_n3A_351 : vector<16xi1>, vector<16xf32>
          %scan3A_412 = arith.constant 3 : i32
          %scan3A_413 = arith.addi %scan3A_229, %scan3A_412 : i32
          %gt3A_414 = arith.cmpf ogt, %select_n3A_399, %select_n3A_403 : vector<16xf32>
          %eq3A_415 = arith.cmpf oeq, %select_n3A_399, %select_n3A_403 : vector<16xf32>
          %gt3A_416 = arith.cmpi sgt, %add3A_86, %add3A_89 : vector<16xi32>
          %and3A_417 = arith.andi %eq3A_415, %gt3A_416 : vector<16xi1>
          %or3A_418 = arith.ori %gt3A_414, %and3A_417 : vector<16xi1>
          %select_n3A_419 = arith.select %or3A_418, %select_n3A_399, %select_n3A_403 : vector<16xi1>, vector<16xf32>
          %select_n3A_420 = arith.select %or3A_418, %add3A_86, %add3A_89 : vector<16xi1>, vector<16xi32>
          %gt3A_421 = arith.cmpf ogt, %select_n3A_407, %select_n3A_411 : vector<16xf32>
          %eq3A_422 = arith.cmpf oeq, %select_n3A_407, %select_n3A_411 : vector<16xf32>
          %gt3A_423 = arith.cmpi sgt, %add3A_92, %add3A_95 : vector<16xi32>
          %and3A_424 = arith.andi %eq3A_422, %gt3A_423 : vector<16xi1>
          %or3A_425 = arith.ori %gt3A_421, %and3A_424 : vector<16xi1>
          %select_n3A_426 = arith.select %or3A_425, %select_n3A_407, %select_n3A_411 : vector<16xi1>, vector<16xf32>
          %select_n3A_427 = arith.select %or3A_425, %add3A_92, %add3A_95 : vector<16xi1>, vector<16xi32>
          %gt3A_428 = arith.cmpf ogt, %select_n3A_419, %select_n3A_426 : vector<16xf32>
          %eq3A_429 = arith.cmpf oeq, %select_n3A_419, %select_n3A_426 : vector<16xf32>
          %gt3A_430 = arith.cmpi sgt, %select_n3A_420, %select_n3A_427 : vector<16xi32>
          %and3A_431 = arith.andi %eq3A_429, %gt3A_430 : vector<16xi1>
          %or3A_432 = arith.ori %gt3A_428, %and3A_431 : vector<16xi1>
          %select_n3A_433 = arith.select %or3A_432, %select_n3A_419, %select_n3A_426 : vector<16xi1>, vector<16xf32>
          %select_n3A_434 = arith.select %or3A_432, %select_n3A_420, %select_n3A_427 : vector<16xi1>, vector<16xi32>
          %reduce_max3A_435 = arith.constant true
          %reduce_max3A_436 = vector.broadcast %reduce_max3A_435 : i1 to vector<16xi1>
          %reduce_max3A_437 = tpu.scan <max>, %select_n3A_433 masked %reduce_max3A_436 : vector<16xf32>, vector<16xi1> -> vector<16xf32>
          %reduce_max3A_438 = vector.extract %reduce_max3A_437[15] : f32 from vector<16xf32>
          %eq3A_439 = vector.broadcast %reduce_max3A_438 : f32 to vector<16xf32>
          %eq3A_440 = arith.cmpf oeq, %select_n3A_433, %eq3A_439 : vector<16xf32>
          %jit3A_441 = arith.constant -1 : i32
          %broadcast_in_dim3A_442 = vector.broadcast %jit3A_441 : i32 to vector<16xi32>
          %select_n3A_443 = arith.select %eq3A_440, %select_n3A_434, %broadcast_in_dim3A_442 : vector<16xi1>, vector<16xi32>
          %reduce_max3A_444 = arith.constant true
          %reduce_max3A_445 = vector.broadcast %reduce_max3A_444 : i1 to vector<16xi1>
          %reduce_max3A_446 = arith.constant -2147483648 : i32
          %reduce_max3A_447 = vector.broadcast %reduce_max3A_446 : i32 to vector<16xi32>
          %reduce_max3A_448 = arith.xori %select_n3A_443, %reduce_max3A_447 : vector<16xi32>
          %reduce_max3A_449 = tpu.scan <max>, %reduce_max3A_448 masked %reduce_max3A_445 : vector<16xi32>, vector<16xi1> -> vector<16xi32>
          %reduce_max3A_450 = arith.xori %reduce_max3A_449, %reduce_max3A_447 : vector<16xi32>
          %reduce_max3A_451 = vector.extract %reduce_max3A_450[15] : i32 from vector<16xi32>
          %eq3A_452 = vector.broadcast %scan3A_413 : i32 to vector<16xi32>
          %eq3A_453 = arith.cmpi eq, %iota3A, %eq3A_452 : vector<16xi32>
          %broadcast_in_dim3A_454 = vector.broadcast %reduce_max3A_451 : i32 to vector<16xi32>
          %select_n3A_455 = arith.select %eq3A_453, %broadcast_in_dim3A_454, %select_n3A_395 : vector<16xi1>, vector<16xi32>
          %eq3A_456 = vector.broadcast %reduce_max3A_451 : i32 to vector<16xi32>
          %eq3A_457 = arith.cmpi eq, %add3A_86, %eq3A_456 : vector<16xi32>
          %broadcast_in_dim3A_458 = vector.broadcast %scan3A_124 : f32 to vector<16xf32>
          %select_n3A_459 = arith.select %eq3A_457, %broadcast_in_dim3A_458, %select_n3A_399 : vector<16xi1>, vector<16xf32>
          %eq3A_460 = vector.broadcast %reduce_max3A_451 : i32 to vector<16xi32>
          %eq3A_461 = arith.cmpi eq, %add3A_89, %eq3A_460 : vector<16xi32>
          %broadcast_in_dim3A_462 = vector.broadcast %scan3A_124 : f32 to vector<16xf32>
          %select_n3A_463 = arith.select %eq3A_461, %broadcast_in_dim3A_462, %select_n3A_403 : vector<16xi1>, vector<16xf32>
          %eq3A_464 = vector.broadcast %reduce_max3A_451 : i32 to vector<16xi32>
          %eq3A_465 = arith.cmpi eq, %add3A_92, %eq3A_464 : vector<16xi32>
          %broadcast_in_dim3A_466 = vector.broadcast %scan3A_124 : f32 to vector<16xf32>
          %select_n3A_467 = arith.select %eq3A_465, %broadcast_in_dim3A_466, %select_n3A_407 : vector<16xi1>, vector<16xf32>
          %eq3A_468 = vector.broadcast %reduce_max3A_451 : i32 to vector<16xi32>
          %eq3A_469 = arith.cmpi eq, %add3A_95, %eq3A_468 : vector<16xi32>
          %broadcast_in_dim3A_470 = vector.broadcast %scan3A_124 : f32 to vector<16xf32>
          %select_n3A_471 = arith.select %eq3A_469, %broadcast_in_dim3A_470, %select_n3A_411 : vector<16xi1>, vector<16xf32>
          scf.yield %select_n3A_459, %select_n3A_463, %select_n3A_467, %select_n3A_471, %select_n3A_455 : vector<16xf32>, vector<16xf32>, vector<16xf32>, vector<16xf32>, vector<16xi32>
        }
        %scan3A_130 = arith.constant 16 : i32
        %jit3A_131 = arith.constant 0x7F800000 : f32
        %broadcast_in_dim3A_132 = vector.broadcast %jit3A_131 : f32 to vector<16xf32>
        %select_n3A_133 = arith.select %eq3A_65, %get3A_52, %broadcast_in_dim3A_132 : vector<16xi1>, vector<16xf32>
        %jit3A_134 = arith.constant 0x7F800000 : f32
        %broadcast_in_dim3A_135 = vector.broadcast %jit3A_134 : f32 to vector<16xf32>
        %select_n3A_136 = arith.select %eq3A_71, %get3A_55, %broadcast_in_dim3A_135 : vector<16xi1>, vector<16xf32>
        %jit3A_137 = arith.constant 0x7F800000 : f32
        %broadcast_in_dim3A_138 = vector.broadcast %jit3A_137 : f32 to vector<16xf32>
        %select_n3A_139 = arith.select %eq3A_77, %get3A_58, %broadcast_in_dim3A_138 : vector<16xi1>, vector<16xf32>
        %jit3A_140 = arith.constant 0x7F800000 : f32
        %broadcast_in_dim3A_141 = vector.broadcast %jit3A_140 : f32 to vector<16xf32>
        %select_n3A_142 = arith.select %eq3A_83, %get3A_61, %broadcast_in_dim3A_141 : vector<16xi1>, vector<16xf32>
        %broadcast_in_dim3A_143 = arith.constant 99 : i32
        %broadcast_in_dim3A_144 = vector.broadcast %broadcast_in_dim3A_143 : i32 to vector<16xi32>
        %broadcast_in_dim3A_145 = arith.constant 99 : i32
        %broadcast_in_dim3A_146 = vector.broadcast %broadcast_in_dim3A_145 : i32 to vector<16xi32>
        %scan3A_147 = arith.constant 0x7F800000 : f32
        %scan3A_148 = arith.constant 0 : i32
        %scan3A_149 = arith.constant 16 : i32
        %scan3A_150 = arith.addi %scan3A_148, %scan3A_149 : i32
        %scan3A_151 = arith.constant 4 : i32
        %scan3A_152:6 = scf.for %scan3A_229 = %scan3A_148 to %scan3A_150 step %scan3A_151 iter_args(%scan3A_230 = %select_n3A_133, %scan3A_231 = %select_n3A_136, %scan3A_232 = %select_n3A_139, %scan3A_233 = %select_n3A_142, %scan3A_234 = %broadcast_in_dim3A_144, %scan3A_235 = %broadcast_in_dim3A_146) -> (vector<16xf32>, vector<16xf32>, vector<16xf32>, vector<16xf32>, vector<16xi32>, vector<16xi32>)  : i32 {
          %lt3A_236 = arith.cmpf olt, %scan3A_230, %scan3A_231 : vector<16xf32>
          %eq3A_237 = arith.cmpf oeq, %scan3A_230, %scan3A_231 : vector<16xf32>
          %lt3A_238 = arith.cmpi slt, %add3A_86, %add3A_89 : vector<16xi32>
          %and3A_239 = arith.andi %eq3A_237, %lt3A_238 : vector<16xi1>
          %or3A_240 = arith.ori %lt3A_236, %and3A_239 : vector<16xi1>
          %select_n3A_241 = arith.select %or3A_240, %scan3A_230, %scan3A_231 : vector<16xi1>, vector<16xf32>
          %select_n3A_242 = arith.select %or3A_240, %add3A_86, %add3A_89 : vector<16xi1>, vector<16xi32>
          %lt3A_243 = arith.cmpf olt, %scan3A_232, %scan3A_233 : vector<16xf32>
          %eq3A_244 = arith.cmpf oeq, %scan3A_232, %scan3A_233 : vector<16xf32>
          %lt3A_245 = arith.cmpi slt, %add3A_92, %add3A_95 : vector<16xi32>
          %and3A_246 = arith.andi %eq3A_244, %lt3A_245 : vector<16xi1>
          %or3A_247 = arith.ori %lt3A_243, %and3A_246 : vector<16xi1>
          %select_n3A_248 = arith.select %or3A_247, %scan3A_232, %scan3A_233 : vector<16xi1>, vector<16xf32>
          %select_n3A_249 = arith.select %or3A_247, %add3A_92, %add3A_95 : vector<16xi1>, vector<16xi32>
          %lt3A_250 = arith.cmpf olt, %select_n3A_241, %select_n3A_248 : vector<16xf32>
          %eq3A_251 = arith.cmpf oeq, %select_n3A_241, %select_n3A_248 : vector<16xf32>
          %lt3A_252 = arith.cmpi slt, %select_n3A_242, %select_n3A_249 : vector<16xi32>
          %and3A_253 = arith.andi %eq3A_251, %lt3A_252 : vector<16xi1>
          %or3A_254 = arith.ori %lt3A_250, %and3A_253 : vector<16xi1>
          %select_n3A_255 = arith.select %or3A_254, %select_n3A_241, %select_n3A_248 : vector<16xi1>, vector<16xf32>
          %select_n3A_256 = arith.select %or3A_254, %select_n3A_242, %select_n3A_249 : vector<16xi1>, vector<16xi32>
          %reduce_min3A_257 = arith.constant true
          %reduce_min3A_258 = vector.broadcast %reduce_min3A_257 : i1 to vector<16xi1>
          %reduce_min3A_259 = tpu.scan <min>, %select_n3A_255 masked %reduce_min3A_258 : vector<16xf32>, vector<16xi1> -> vector<16xf32>
          %reduce_min3A_260 = vector.extract %reduce_min3A_259[15] : f32 from vector<16xf32>
          %eq3A_261 = vector.broadcast %reduce_min3A_260 : f32 to vector<16xf32>
          %eq3A_262 = arith.cmpf oeq, %select_n3A_255, %eq3A_261 : vector<16xf32>
          %jit3A_263 = arith.constant 99 : i32
          %broadcast_in_dim3A_264 = vector.broadcast %jit3A_263 : i32 to vector<16xi32>
          %select_n3A_265 = arith.select %eq3A_262, %select_n3A_256, %broadcast_in_dim3A_264 : vector<16xi1>, vector<16xi32>
          %reduce_min3A_266 = arith.constant true
          %reduce_min3A_267 = vector.broadcast %reduce_min3A_266 : i1 to vector<16xi1>
          %reduce_min3A_268 = arith.constant -2147483648 : i32
          %reduce_min3A_269 = vector.broadcast %reduce_min3A_268 : i32 to vector<16xi32>
          %reduce_min3A_270 = arith.xori %select_n3A_265, %reduce_min3A_269 : vector<16xi32>
          %reduce_min3A_271 = tpu.scan <min>, %reduce_min3A_270 masked %reduce_min3A_267 : vector<16xi32>, vector<16xi1> -> vector<16xi32>
          %reduce_min3A_272 = arith.xori %reduce_min3A_271, %reduce_min3A_269 : vector<16xi32>
          %reduce_min3A_273 = vector.extract %reduce_min3A_272[15] : i32 from vector<16xi32>
          %lt3A_274 = arith.cmpf olt, %reduce_min3A_260, %scan3A_147 : f32
          %jit3A_275 = arith.constant 99 : i32
          %select_n3A_276 = arith.select %lt3A_274, %reduce_min3A_273, %jit3A_275 : i32
          %eq3A_277 = vector.broadcast %scan3A_229 : i32 to vector<16xi32>
          %eq3A_278 = arith.cmpi eq, %iota3A, %eq3A_277 : vector<16xi32>
          %lt3A_279 = arith.constant 16 : i32
          %lt3A_280 = arith.cmpi slt, %scan3A_229, %lt3A_279 : i32
          %and3A_281 = vector.broadcast %lt3A_280 : i1 to vector<16xi1>
          %and3A_282 = arith.andi %eq3A_278, %and3A_281 : vector<16xi1>
          %broadcast_in_dim3A_283 = vector.broadcast %select_n3A_276 : i32 to vector<16xi32>
          %select_n3A_284 = arith.select %and3A_282, %broadcast_in_dim3A_283, %scan3A_234 : vector<16xi1>, vector<16xi32>
          %eq3A_285 = arith.constant 16 : i32
          %eq3A_286 = arith.cmpi eq, %scan3A_229, %eq3A_285 : i32
          %broadcast_in_dim3A_287 = vector.broadcast %select_n3A_276 : i32 to vector<16xi32>
          %select_n3A_288 = arith.select %eq3A_286, %broadcast_in_dim3A_287, %scan3A_235 : vector<16xi32>
          %eq3A_289 = vector.broadcast %select_n3A_276 : i32 to vector<16xi32>
          %eq3A_290 = arith.cmpi eq, %add3A_86, %eq3A_289 : vector<16xi32>
          %broadcast_in_dim3A_291 = vector.broadcast %scan3A_147 : f32 to vector<16xf32>
          %select_n3A_292 = arith.select %eq3A_290, %broadcast_in_dim3A_291, %scan3A_230 : vector<16xi1>, vector<16xf32>
          %eq3A_293 = vector.broadcast %select_n3A_276 : i32 to vector<16xi32>
          %eq3A_294 = arith.cmpi eq, %add3A_89, %eq3A_293 : vector<16xi32>
          %broadcast_in_dim3A_295 = vector.broadcast %scan3A_147 : f32 to vector<16xf32>
          %select_n3A_296 = arith.select %eq3A_294, %broadcast_in_dim3A_295, %scan3A_231 : vector<16xi1>, vector<16xf32>
          %eq3A_297 = vector.broadcast %select_n3A_276 : i32 to vector<16xi32>
          %eq3A_298 = arith.cmpi eq, %add3A_92, %eq3A_297 : vector<16xi32>
          %broadcast_in_dim3A_299 = vector.broadcast %scan3A_147 : f32 to vector<16xf32>
          %select_n3A_300 = arith.select %eq3A_298, %broadcast_in_dim3A_299, %scan3A_232 : vector<16xi1>, vector<16xf32>
          %eq3A_301 = vector.broadcast %select_n3A_276 : i32 to vector<16xi32>
          %eq3A_302 = arith.cmpi eq, %add3A_95, %eq3A_301 : vector<16xi32>
          %broadcast_in_dim3A_303 = vector.broadcast %scan3A_147 : f32 to vector<16xf32>
          %select_n3A_304 = arith.select %eq3A_302, %broadcast_in_dim3A_303, %scan3A_233 : vector<16xi1>, vector<16xf32>
          %scan3A_305 = arith.constant 1 : i32
          %scan3A_306 = arith.addi %scan3A_229, %scan3A_305 : i32
          %lt3A_307 = arith.cmpf olt, %select_n3A_292, %select_n3A_296 : vector<16xf32>
          %eq3A_308 = arith.cmpf oeq, %select_n3A_292, %select_n3A_296 : vector<16xf32>
          %lt3A_309 = arith.cmpi slt, %add3A_86, %add3A_89 : vector<16xi32>
          %and3A_310 = arith.andi %eq3A_308, %lt3A_309 : vector<16xi1>
          %or3A_311 = arith.ori %lt3A_307, %and3A_310 : vector<16xi1>
          %select_n3A_312 = arith.select %or3A_311, %select_n3A_292, %select_n3A_296 : vector<16xi1>, vector<16xf32>
          %select_n3A_313 = arith.select %or3A_311, %add3A_86, %add3A_89 : vector<16xi1>, vector<16xi32>
          %lt3A_314 = arith.cmpf olt, %select_n3A_300, %select_n3A_304 : vector<16xf32>
          %eq3A_315 = arith.cmpf oeq, %select_n3A_300, %select_n3A_304 : vector<16xf32>
          %lt3A_316 = arith.cmpi slt, %add3A_92, %add3A_95 : vector<16xi32>
          %and3A_317 = arith.andi %eq3A_315, %lt3A_316 : vector<16xi1>
          %or3A_318 = arith.ori %lt3A_314, %and3A_317 : vector<16xi1>
          %select_n3A_319 = arith.select %or3A_318, %select_n3A_300, %select_n3A_304 : vector<16xi1>, vector<16xf32>
          %select_n3A_320 = arith.select %or3A_318, %add3A_92, %add3A_95 : vector<16xi1>, vector<16xi32>
          %lt3A_321 = arith.cmpf olt, %select_n3A_312, %select_n3A_319 : vector<16xf32>
          %eq3A_322 = arith.cmpf oeq, %select_n3A_312, %select_n3A_319 : vector<16xf32>
          %lt3A_323 = arith.cmpi slt, %select_n3A_313, %select_n3A_320 : vector<16xi32>
          %and3A_324 = arith.andi %eq3A_322, %lt3A_323 : vector<16xi1>
          %or3A_325 = arith.ori %lt3A_321, %and3A_324 : vector<16xi1>
          %select_n3A_326 = arith.select %or3A_325, %select_n3A_312, %select_n3A_319 : vector<16xi1>, vector<16xf32>
          %select_n3A_327 = arith.select %or3A_325, %select_n3A_313, %select_n3A_320 : vector<16xi1>, vector<16xi32>
          %reduce_min3A_328 = arith.constant true
          %reduce_min3A_329 = vector.broadcast %reduce_min3A_328 : i1 to vector<16xi1>
          %reduce_min3A_330 = tpu.scan <min>, %select_n3A_326 masked %reduce_min3A_329 : vector<16xf32>, vector<16xi1> -> vector<16xf32>
          %reduce_min3A_331 = vector.extract %reduce_min3A_330[15] : f32 from vector<16xf32>
          %eq3A_332 = vector.broadcast %reduce_min3A_331 : f32 to vector<16xf32>
          %eq3A_333 = arith.cmpf oeq, %select_n3A_326, %eq3A_332 : vector<16xf32>
          %jit3A_334 = arith.constant 99 : i32
          %broadcast_in_dim3A_335 = vector.broadcast %jit3A_334 : i32 to vector<16xi32>
          %select_n3A_336 = arith.select %eq3A_333, %select_n3A_327, %broadcast_in_dim3A_335 : vector<16xi1>, vector<16xi32>
          %reduce_min3A_337 = arith.constant true
          %reduce_min3A_338 = vector.broadcast %reduce_min3A_337 : i1 to vector<16xi1>
          %reduce_min3A_339 = arith.constant -2147483648 : i32
          %reduce_min3A_340 = vector.broadcast %reduce_min3A_339 : i32 to vector<16xi32>
          %reduce_min3A_341 = arith.xori %select_n3A_336, %reduce_min3A_340 : vector<16xi32>
          %reduce_min3A_342 = tpu.scan <min>, %reduce_min3A_341 masked %reduce_min3A_338 : vector<16xi32>, vector<16xi1> -> vector<16xi32>
          %reduce_min3A_343 = arith.xori %reduce_min3A_342, %reduce_min3A_340 : vector<16xi32>
          %reduce_min3A_344 = vector.extract %reduce_min3A_343[15] : i32 from vector<16xi32>
          %lt3A_345 = arith.cmpf olt, %reduce_min3A_331, %scan3A_147 : f32
          %jit3A_346 = arith.constant 99 : i32
          %select_n3A_347 = arith.select %lt3A_345, %reduce_min3A_344, %jit3A_346 : i32
          %eq3A_348 = vector.broadcast %scan3A_306 : i32 to vector<16xi32>
          %eq3A_349 = arith.cmpi eq, %iota3A, %eq3A_348 : vector<16xi32>
          %lt3A_350 = arith.constant 16 : i32
          %lt3A_351 = arith.cmpi slt, %scan3A_306, %lt3A_350 : i32
          %and3A_352 = vector.broadcast %lt3A_351 : i1 to vector<16xi1>
          %and3A_353 = arith.andi %eq3A_349, %and3A_352 : vector<16xi1>
          %broadcast_in_dim3A_354 = vector.broadcast %select_n3A_347 : i32 to vector<16xi32>
          %select_n3A_355 = arith.select %and3A_353, %broadcast_in_dim3A_354, %select_n3A_284 : vector<16xi1>, vector<16xi32>
          %eq3A_356 = arith.constant 16 : i32
          %eq3A_357 = arith.cmpi eq, %scan3A_306, %eq3A_356 : i32
          %broadcast_in_dim3A_358 = vector.broadcast %select_n3A_347 : i32 to vector<16xi32>
          %select_n3A_359 = arith.select %eq3A_357, %broadcast_in_dim3A_358, %select_n3A_288 : vector<16xi32>
          %eq3A_360 = vector.broadcast %select_n3A_347 : i32 to vector<16xi32>
          %eq3A_361 = arith.cmpi eq, %add3A_86, %eq3A_360 : vector<16xi32>
          %broadcast_in_dim3A_362 = vector.broadcast %scan3A_147 : f32 to vector<16xf32>
          %select_n3A_363 = arith.select %eq3A_361, %broadcast_in_dim3A_362, %select_n3A_292 : vector<16xi1>, vector<16xf32>
          %eq3A_364 = vector.broadcast %select_n3A_347 : i32 to vector<16xi32>
          %eq3A_365 = arith.cmpi eq, %add3A_89, %eq3A_364 : vector<16xi32>
          %broadcast_in_dim3A_366 = vector.broadcast %scan3A_147 : f32 to vector<16xf32>
          %select_n3A_367 = arith.select %eq3A_365, %broadcast_in_dim3A_366, %select_n3A_296 : vector<16xi1>, vector<16xf32>
          %eq3A_368 = vector.broadcast %select_n3A_347 : i32 to vector<16xi32>
          %eq3A_369 = arith.cmpi eq, %add3A_92, %eq3A_368 : vector<16xi32>
          %broadcast_in_dim3A_370 = vector.broadcast %scan3A_147 : f32 to vector<16xf32>
          %select_n3A_371 = arith.select %eq3A_369, %broadcast_in_dim3A_370, %select_n3A_300 : vector<16xi1>, vector<16xf32>
          %eq3A_372 = vector.broadcast %select_n3A_347 : i32 to vector<16xi32>
          %eq3A_373 = arith.cmpi eq, %add3A_95, %eq3A_372 : vector<16xi32>
          %broadcast_in_dim3A_374 = vector.broadcast %scan3A_147 : f32 to vector<16xf32>
          %select_n3A_375 = arith.select %eq3A_373, %broadcast_in_dim3A_374, %select_n3A_304 : vector<16xi1>, vector<16xf32>
          %scan3A_376 = arith.constant 2 : i32
          %scan3A_377 = arith.addi %scan3A_229, %scan3A_376 : i32
          %lt3A_378 = arith.cmpf olt, %select_n3A_363, %select_n3A_367 : vector<16xf32>
          %eq3A_379 = arith.cmpf oeq, %select_n3A_363, %select_n3A_367 : vector<16xf32>
          %lt3A_380 = arith.cmpi slt, %add3A_86, %add3A_89 : vector<16xi32>
          %and3A_381 = arith.andi %eq3A_379, %lt3A_380 : vector<16xi1>
          %or3A_382 = arith.ori %lt3A_378, %and3A_381 : vector<16xi1>
          %select_n3A_383 = arith.select %or3A_382, %select_n3A_363, %select_n3A_367 : vector<16xi1>, vector<16xf32>
          %select_n3A_384 = arith.select %or3A_382, %add3A_86, %add3A_89 : vector<16xi1>, vector<16xi32>
          %lt3A_385 = arith.cmpf olt, %select_n3A_371, %select_n3A_375 : vector<16xf32>
          %eq3A_386 = arith.cmpf oeq, %select_n3A_371, %select_n3A_375 : vector<16xf32>
          %lt3A_387 = arith.cmpi slt, %add3A_92, %add3A_95 : vector<16xi32>
          %and3A_388 = arith.andi %eq3A_386, %lt3A_387 : vector<16xi1>
          %or3A_389 = arith.ori %lt3A_385, %and3A_388 : vector<16xi1>
          %select_n3A_390 = arith.select %or3A_389, %select_n3A_371, %select_n3A_375 : vector<16xi1>, vector<16xf32>
          %select_n3A_391 = arith.select %or3A_389, %add3A_92, %add3A_95 : vector<16xi1>, vector<16xi32>
          %lt3A_392 = arith.cmpf olt, %select_n3A_383, %select_n3A_390 : vector<16xf32>
          %eq3A_393 = arith.cmpf oeq, %select_n3A_383, %select_n3A_390 : vector<16xf32>
          %lt3A_394 = arith.cmpi slt, %select_n3A_384, %select_n3A_391 : vector<16xi32>
          %and3A_395 = arith.andi %eq3A_393, %lt3A_394 : vector<16xi1>
          %or3A_396 = arith.ori %lt3A_392, %and3A_395 : vector<16xi1>
          %select_n3A_397 = arith.select %or3A_396, %select_n3A_383, %select_n3A_390 : vector<16xi1>, vector<16xf32>
          %select_n3A_398 = arith.select %or3A_396, %select_n3A_384, %select_n3A_391 : vector<16xi1>, vector<16xi32>
          %reduce_min3A_399 = arith.constant true
          %reduce_min3A_400 = vector.broadcast %reduce_min3A_399 : i1 to vector<16xi1>
          %reduce_min3A_401 = tpu.scan <min>, %select_n3A_397 masked %reduce_min3A_400 : vector<16xf32>, vector<16xi1> -> vector<16xf32>
          %reduce_min3A_402 = vector.extract %reduce_min3A_401[15] : f32 from vector<16xf32>
          %eq3A_403 = vector.broadcast %reduce_min3A_402 : f32 to vector<16xf32>
          %eq3A_404 = arith.cmpf oeq, %select_n3A_397, %eq3A_403 : vector<16xf32>
          %jit3A_405 = arith.constant 99 : i32
          %broadcast_in_dim3A_406 = vector.broadcast %jit3A_405 : i32 to vector<16xi32>
          %select_n3A_407 = arith.select %eq3A_404, %select_n3A_398, %broadcast_in_dim3A_406 : vector<16xi1>, vector<16xi32>
          %reduce_min3A_408 = arith.constant true
          %reduce_min3A_409 = vector.broadcast %reduce_min3A_408 : i1 to vector<16xi1>
          %reduce_min3A_410 = arith.constant -2147483648 : i32
          %reduce_min3A_411 = vector.broadcast %reduce_min3A_410 : i32 to vector<16xi32>
          %reduce_min3A_412 = arith.xori %select_n3A_407, %reduce_min3A_411 : vector<16xi32>
          %reduce_min3A_413 = tpu.scan <min>, %reduce_min3A_412 masked %reduce_min3A_409 : vector<16xi32>, vector<16xi1> -> vector<16xi32>
          %reduce_min3A_414 = arith.xori %reduce_min3A_413, %reduce_min3A_411 : vector<16xi32>
          %reduce_min3A_415 = vector.extract %reduce_min3A_414[15] : i32 from vector<16xi32>
          %lt3A_416 = arith.cmpf olt, %reduce_min3A_402, %scan3A_147 : f32
          %jit3A_417 = arith.constant 99 : i32
          %select_n3A_418 = arith.select %lt3A_416, %reduce_min3A_415, %jit3A_417 : i32
          %eq3A_419 = vector.broadcast %scan3A_377 : i32 to vector<16xi32>
          %eq3A_420 = arith.cmpi eq, %iota3A, %eq3A_419 : vector<16xi32>
          %lt3A_421 = arith.constant 16 : i32
          %lt3A_422 = arith.cmpi slt, %scan3A_377, %lt3A_421 : i32
          %and3A_423 = vector.broadcast %lt3A_422 : i1 to vector<16xi1>
          %and3A_424 = arith.andi %eq3A_420, %and3A_423 : vector<16xi1>
          %broadcast_in_dim3A_425 = vector.broadcast %select_n3A_418 : i32 to vector<16xi32>
          %select_n3A_426 = arith.select %and3A_424, %broadcast_in_dim3A_425, %select_n3A_355 : vector<16xi1>, vector<16xi32>
          %eq3A_427 = arith.constant 16 : i32
          %eq3A_428 = arith.cmpi eq, %scan3A_377, %eq3A_427 : i32
          %broadcast_in_dim3A_429 = vector.broadcast %select_n3A_418 : i32 to vector<16xi32>
          %select_n3A_430 = arith.select %eq3A_428, %broadcast_in_dim3A_429, %select_n3A_359 : vector<16xi32>
          %eq3A_431 = vector.broadcast %select_n3A_418 : i32 to vector<16xi32>
          %eq3A_432 = arith.cmpi eq, %add3A_86, %eq3A_431 : vector<16xi32>
          %broadcast_in_dim3A_433 = vector.broadcast %scan3A_147 : f32 to vector<16xf32>
          %select_n3A_434 = arith.select %eq3A_432, %broadcast_in_dim3A_433, %select_n3A_363 : vector<16xi1>, vector<16xf32>
          %eq3A_435 = vector.broadcast %select_n3A_418 : i32 to vector<16xi32>
          %eq3A_436 = arith.cmpi eq, %add3A_89, %eq3A_435 : vector<16xi32>
          %broadcast_in_dim3A_437 = vector.broadcast %scan3A_147 : f32 to vector<16xf32>
          %select_n3A_438 = arith.select %eq3A_436, %broadcast_in_dim3A_437, %select_n3A_367 : vector<16xi1>, vector<16xf32>
          %eq3A_439 = vector.broadcast %select_n3A_418 : i32 to vector<16xi32>
          %eq3A_440 = arith.cmpi eq, %add3A_92, %eq3A_439 : vector<16xi32>
          %broadcast_in_dim3A_441 = vector.broadcast %scan3A_147 : f32 to vector<16xf32>
          %select_n3A_442 = arith.select %eq3A_440, %broadcast_in_dim3A_441, %select_n3A_371 : vector<16xi1>, vector<16xf32>
          %eq3A_443 = vector.broadcast %select_n3A_418 : i32 to vector<16xi32>
          %eq3A_444 = arith.cmpi eq, %add3A_95, %eq3A_443 : vector<16xi32>
          %broadcast_in_dim3A_445 = vector.broadcast %scan3A_147 : f32 to vector<16xf32>
          %select_n3A_446 = arith.select %eq3A_444, %broadcast_in_dim3A_445, %select_n3A_375 : vector<16xi1>, vector<16xf32>
          %scan3A_447 = arith.constant 3 : i32
          %scan3A_448 = arith.addi %scan3A_229, %scan3A_447 : i32
          %lt3A_449 = arith.cmpf olt, %select_n3A_434, %select_n3A_438 : vector<16xf32>
          %eq3A_450 = arith.cmpf oeq, %select_n3A_434, %select_n3A_438 : vector<16xf32>
          %lt3A_451 = arith.cmpi slt, %add3A_86, %add3A_89 : vector<16xi32>
          %and3A_452 = arith.andi %eq3A_450, %lt3A_451 : vector<16xi1>
          %or3A_453 = arith.ori %lt3A_449, %and3A_452 : vector<16xi1>
          %select_n3A_454 = arith.select %or3A_453, %select_n3A_434, %select_n3A_438 : vector<16xi1>, vector<16xf32>
          %select_n3A_455 = arith.select %or3A_453, %add3A_86, %add3A_89 : vector<16xi1>, vector<16xi32>
          %lt3A_456 = arith.cmpf olt, %select_n3A_442, %select_n3A_446 : vector<16xf32>
          %eq3A_457 = arith.cmpf oeq, %select_n3A_442, %select_n3A_446 : vector<16xf32>
          %lt3A_458 = arith.cmpi slt, %add3A_92, %add3A_95 : vector<16xi32>
          %and3A_459 = arith.andi %eq3A_457, %lt3A_458 : vector<16xi1>
          %or3A_460 = arith.ori %lt3A_456, %and3A_459 : vector<16xi1>
          %select_n3A_461 = arith.select %or3A_460, %select_n3A_442, %select_n3A_446 : vector<16xi1>, vector<16xf32>
          %select_n3A_462 = arith.select %or3A_460, %add3A_92, %add3A_95 : vector<16xi1>, vector<16xi32>
          %lt3A_463 = arith.cmpf olt, %select_n3A_454, %select_n3A_461 : vector<16xf32>
          %eq3A_464 = arith.cmpf oeq, %select_n3A_454, %select_n3A_461 : vector<16xf32>
          %lt3A_465 = arith.cmpi slt, %select_n3A_455, %select_n3A_462 : vector<16xi32>
          %and3A_466 = arith.andi %eq3A_464, %lt3A_465 : vector<16xi1>
          %or3A_467 = arith.ori %lt3A_463, %and3A_466 : vector<16xi1>
          %select_n3A_468 = arith.select %or3A_467, %select_n3A_454, %select_n3A_461 : vector<16xi1>, vector<16xf32>
          %select_n3A_469 = arith.select %or3A_467, %select_n3A_455, %select_n3A_462 : vector<16xi1>, vector<16xi32>
          %reduce_min3A_470 = arith.constant true
          %reduce_min3A_471 = vector.broadcast %reduce_min3A_470 : i1 to vector<16xi1>
          %reduce_min3A_472 = tpu.scan <min>, %select_n3A_468 masked %reduce_min3A_471 : vector<16xf32>, vector<16xi1> -> vector<16xf32>
          %reduce_min3A_473 = vector.extract %reduce_min3A_472[15] : f32 from vector<16xf32>
          %eq3A_474 = vector.broadcast %reduce_min3A_473 : f32 to vector<16xf32>
          %eq3A_475 = arith.cmpf oeq, %select_n3A_468, %eq3A_474 : vector<16xf32>
          %jit3A_476 = arith.constant 99 : i32
          %broadcast_in_dim3A_477 = vector.broadcast %jit3A_476 : i32 to vector<16xi32>
          %select_n3A_478 = arith.select %eq3A_475, %select_n3A_469, %broadcast_in_dim3A_477 : vector<16xi1>, vector<16xi32>
          %reduce_min3A_479 = arith.constant true
          %reduce_min3A_480 = vector.broadcast %reduce_min3A_479 : i1 to vector<16xi1>
          %reduce_min3A_481 = arith.constant -2147483648 : i32
          %reduce_min3A_482 = vector.broadcast %reduce_min3A_481 : i32 to vector<16xi32>
          %reduce_min3A_483 = arith.xori %select_n3A_478, %reduce_min3A_482 : vector<16xi32>
          %reduce_min3A_484 = tpu.scan <min>, %reduce_min3A_483 masked %reduce_min3A_480 : vector<16xi32>, vector<16xi1> -> vector<16xi32>
          %reduce_min3A_485 = arith.xori %reduce_min3A_484, %reduce_min3A_482 : vector<16xi32>
          %reduce_min3A_486 = vector.extract %reduce_min3A_485[15] : i32 from vector<16xi32>
          %lt3A_487 = arith.cmpf olt, %reduce_min3A_473, %scan3A_147 : f32
          %jit3A_488 = arith.constant 99 : i32
          %select_n3A_489 = arith.select %lt3A_487, %reduce_min3A_486, %jit3A_488 : i32
          %eq3A_490 = vector.broadcast %scan3A_448 : i32 to vector<16xi32>
          %eq3A_491 = arith.cmpi eq, %iota3A, %eq3A_490 : vector<16xi32>
          %lt3A_492 = arith.constant 16 : i32
          %lt3A_493 = arith.cmpi slt, %scan3A_448, %lt3A_492 : i32
          %and3A_494 = vector.broadcast %lt3A_493 : i1 to vector<16xi1>
          %and3A_495 = arith.andi %eq3A_491, %and3A_494 : vector<16xi1>
          %broadcast_in_dim3A_496 = vector.broadcast %select_n3A_489 : i32 to vector<16xi32>
          %select_n3A_497 = arith.select %and3A_495, %broadcast_in_dim3A_496, %select_n3A_426 : vector<16xi1>, vector<16xi32>
          %eq3A_498 = arith.constant 16 : i32
          %eq3A_499 = arith.cmpi eq, %scan3A_448, %eq3A_498 : i32
          %broadcast_in_dim3A_500 = vector.broadcast %select_n3A_489 : i32 to vector<16xi32>
          %select_n3A_501 = arith.select %eq3A_499, %broadcast_in_dim3A_500, %select_n3A_430 : vector<16xi32>
          %eq3A_502 = vector.broadcast %select_n3A_489 : i32 to vector<16xi32>
          %eq3A_503 = arith.cmpi eq, %add3A_86, %eq3A_502 : vector<16xi32>
          %broadcast_in_dim3A_504 = vector.broadcast %scan3A_147 : f32 to vector<16xf32>
          %select_n3A_505 = arith.select %eq3A_503, %broadcast_in_dim3A_504, %select_n3A_434 : vector<16xi1>, vector<16xf32>
          %eq3A_506 = vector.broadcast %select_n3A_489 : i32 to vector<16xi32>
          %eq3A_507 = arith.cmpi eq, %add3A_89, %eq3A_506 : vector<16xi32>
          %broadcast_in_dim3A_508 = vector.broadcast %scan3A_147 : f32 to vector<16xf32>
          %select_n3A_509 = arith.select %eq3A_507, %broadcast_in_dim3A_508, %select_n3A_438 : vector<16xi1>, vector<16xf32>
          %eq3A_510 = vector.broadcast %select_n3A_489 : i32 to vector<16xi32>
          %eq3A_511 = arith.cmpi eq, %add3A_92, %eq3A_510 : vector<16xi32>
          %broadcast_in_dim3A_512 = vector.broadcast %scan3A_147 : f32 to vector<16xf32>
          %select_n3A_513 = arith.select %eq3A_511, %broadcast_in_dim3A_512, %select_n3A_442 : vector<16xi1>, vector<16xf32>
          %eq3A_514 = vector.broadcast %select_n3A_489 : i32 to vector<16xi32>
          %eq3A_515 = arith.cmpi eq, %add3A_95, %eq3A_514 : vector<16xi32>
          %broadcast_in_dim3A_516 = vector.broadcast %scan3A_147 : f32 to vector<16xf32>
          %select_n3A_517 = arith.select %eq3A_515, %broadcast_in_dim3A_516, %select_n3A_446 : vector<16xi1>, vector<16xf32>
          scf.yield %select_n3A_505, %select_n3A_509, %select_n3A_513, %select_n3A_517, %select_n3A_497, %select_n3A_501 : vector<16xf32>, vector<16xf32>, vector<16xf32>, vector<16xf32>, vector<16xi32>, vector<16xi32>
        }
        %scan3A_153 = arith.constant 16 : i32
        %scan3A_154 = arith.addi %scan3A_148, %scan3A_153 : i32
        %lt3A = arith.cmpf olt, %scan3A_152#0, %scan3A_152#1 : vector<16xf32>
        %eq3A_155 = arith.cmpf oeq, %scan3A_152#0, %scan3A_152#1 : vector<16xf32>
        %lt3A_156 = arith.cmpi slt, %add3A_86, %add3A_89 : vector<16xi32>
        %and3A_157 = arith.andi %eq3A_155, %lt3A_156 : vector<16xi1>
        %or3A = arith.ori %lt3A, %and3A_157 : vector<16xi1>
        %select_n3A_158 = arith.select %or3A, %scan3A_152#0, %scan3A_152#1 : vector<16xi1>, vector<16xf32>
        %select_n3A_159 = arith.select %or3A, %add3A_86, %add3A_89 : vector<16xi1>, vector<16xi32>
        %lt3A_160 = arith.cmpf olt, %scan3A_152#2, %scan3A_152#3 : vector<16xf32>
        %eq3A_161 = arith.cmpf oeq, %scan3A_152#2, %scan3A_152#3 : vector<16xf32>
        %lt3A_162 = arith.cmpi slt, %add3A_92, %add3A_95 : vector<16xi32>
        %and3A_163 = arith.andi %eq3A_161, %lt3A_162 : vector<16xi1>
        %or3A_164 = arith.ori %lt3A_160, %and3A_163 : vector<16xi1>
        %select_n3A_165 = arith.select %or3A_164, %scan3A_152#2, %scan3A_152#3 : vector<16xi1>, vector<16xf32>
        %select_n3A_166 = arith.select %or3A_164, %add3A_92, %add3A_95 : vector<16xi1>, vector<16xi32>
        %lt3A_167 = arith.cmpf olt, %select_n3A_158, %select_n3A_165 : vector<16xf32>
        %eq3A_168 = arith.cmpf oeq, %select_n3A_158, %select_n3A_165 : vector<16xf32>
        %lt3A_169 = arith.cmpi slt, %select_n3A_159, %select_n3A_166 : vector<16xi32>
        %and3A_170 = arith.andi %eq3A_168, %lt3A_169 : vector<16xi1>
        %or3A_171 = arith.ori %lt3A_167, %and3A_170 : vector<16xi1>
        %select_n3A_172 = arith.select %or3A_171, %select_n3A_158, %select_n3A_165 : vector<16xi1>, vector<16xf32>
        %select_n3A_173 = arith.select %or3A_171, %select_n3A_159, %select_n3A_166 : vector<16xi1>, vector<16xi32>
        %reduce_min3A = arith.constant true
        %reduce_min3A_174 = vector.broadcast %reduce_min3A : i1 to vector<16xi1>
        %reduce_min3A_175 = tpu.scan <min>, %select_n3A_172 masked %reduce_min3A_174 : vector<16xf32>, vector<16xi1> -> vector<16xf32>
        %reduce_min3A_176 = vector.extract %reduce_min3A_175[15] : f32 from vector<16xf32>
        %eq3A_177 = vector.broadcast %reduce_min3A_176 : f32 to vector<16xf32>
        %eq3A_178 = arith.cmpf oeq, %select_n3A_172, %eq3A_177 : vector<16xf32>
        %jit3A_179 = arith.constant 99 : i32
        %broadcast_in_dim3A_180 = vector.broadcast %jit3A_179 : i32 to vector<16xi32>
        %select_n3A_181 = arith.select %eq3A_178, %select_n3A_173, %broadcast_in_dim3A_180 : vector<16xi1>, vector<16xi32>
        %reduce_min3A_182 = arith.constant true
        %reduce_min3A_183 = vector.broadcast %reduce_min3A_182 : i1 to vector<16xi1>
        %reduce_min3A_184 = arith.constant -2147483648 : i32
        %reduce_min3A_185 = vector.broadcast %reduce_min3A_184 : i32 to vector<16xi32>
        %reduce_min3A_186 = arith.xori %select_n3A_181, %reduce_min3A_185 : vector<16xi32>
        %reduce_min3A_187 = tpu.scan <min>, %reduce_min3A_186 masked %reduce_min3A_183 : vector<16xi32>, vector<16xi1> -> vector<16xi32>
        %reduce_min3A_188 = arith.xori %reduce_min3A_187, %reduce_min3A_185 : vector<16xi32>
        %reduce_min3A_189 = vector.extract %reduce_min3A_188[15] : i32 from vector<16xi32>
        %lt3A_190 = arith.cmpf olt, %reduce_min3A_176, %scan3A_147 : f32
        %jit3A_191 = arith.constant 99 : i32
        %select_n3A_192 = arith.select %lt3A_190, %reduce_min3A_189, %jit3A_191 : i32
        %eq3A_193 = vector.broadcast %scan3A_154 : i32 to vector<16xi32>
        %eq3A_194 = arith.cmpi eq, %iota3A, %eq3A_193 : vector<16xi32>
        %lt3A_195 = arith.constant 16 : i32
        %lt3A_196 = arith.cmpi slt, %scan3A_154, %lt3A_195 : i32
        %and3A_197 = vector.broadcast %lt3A_196 : i1 to vector<16xi1>
        %and3A_198 = arith.andi %eq3A_194, %and3A_197 : vector<16xi1>
        %broadcast_in_dim3A_199 = vector.broadcast %select_n3A_192 : i32 to vector<16xi32>
        %select_n3A_200 = arith.select %and3A_198, %broadcast_in_dim3A_199, %scan3A_152#4 : vector<16xi1>, vector<16xi32>
        %eq3A_201 = arith.constant 16 : i32
        %eq3A_202 = arith.cmpi eq, %scan3A_154, %eq3A_201 : i32
        %broadcast_in_dim3A_203 = vector.broadcast %select_n3A_192 : i32 to vector<16xi32>
        %select_n3A_204 = arith.select %eq3A_202, %broadcast_in_dim3A_203, %scan3A_152#5 : vector<16xi32>
        %eq3A_205 = vector.broadcast %select_n3A_192 : i32 to vector<16xi32>
        %eq3A_206 = arith.cmpi eq, %add3A_86, %eq3A_205 : vector<16xi32>
        %broadcast_in_dim3A_207 = vector.broadcast %scan3A_147 : f32 to vector<16xf32>
        %select_n3A_208 = arith.select %eq3A_206, %broadcast_in_dim3A_207, %scan3A_152#0 : vector<16xi1>, vector<16xf32>
        %eq3A_209 = vector.broadcast %select_n3A_192 : i32 to vector<16xi32>
        %eq3A_210 = arith.cmpi eq, %add3A_89, %eq3A_209 : vector<16xi32>
        %broadcast_in_dim3A_211 = vector.broadcast %scan3A_147 : f32 to vector<16xf32>
        %select_n3A_212 = arith.select %eq3A_210, %broadcast_in_dim3A_211, %scan3A_152#1 : vector<16xi1>, vector<16xf32>
        %eq3A_213 = vector.broadcast %select_n3A_192 : i32 to vector<16xi32>
        %eq3A_214 = arith.cmpi eq, %add3A_92, %eq3A_213 : vector<16xi32>
        %broadcast_in_dim3A_215 = vector.broadcast %scan3A_147 : f32 to vector<16xf32>
        %select_n3A_216 = arith.select %eq3A_214, %broadcast_in_dim3A_215, %scan3A_152#2 : vector<16xi1>, vector<16xf32>
        %eq3A_217 = vector.broadcast %select_n3A_192 : i32 to vector<16xi32>
        %eq3A_218 = arith.cmpi eq, %add3A_95, %eq3A_217 : vector<16xi32>
        %broadcast_in_dim3A_219 = vector.broadcast %scan3A_147 : f32 to vector<16xf32>
        %select_n3A_220 = arith.select %eq3A_218, %broadcast_in_dim3A_219, %scan3A_152#3 : vector<16xi1>, vector<16xf32>
        %scan3A_221 = arith.constant 17 : i32
        %scan3A_222 = arith.constant 0 : i32
        %scan3A_223 = arith.constant 0 : i32
        %scan3A_224 = arith.constant 4 : i32
        %scan3A_225 = arith.addi %scan3A_223, %scan3A_224 : i32
        %scan3A_226 = arith.constant 1 : i32
        %scan3A_227 = scf.for %scan3A_229 = %scan3A_223 to %scan3A_225 step %scan3A_226 iter_args(%scan3A_230 = %scan3A_222) -> (i32)  : i32 {
          %mul3A_231 = arith.constant 16 : i32
          %mul3A_232 = arith.muli %scan3A_229, %mul3A_231 : i32
          %get3A_233 = arith.index_cast %scan3A_27 : i32 to index
          %get3A_234 = arith.index_cast %mul3A_232 : i32 to index
          %get3A_235 = tpu.vector_load %arg7[%get3A_233, %get3A_234] {strides = array<i32>} : memref<8x64xi32, #tpu.memory_space<vmem>>, vector<16xi32>,
          %and3A_236 = arith.constant 1 : i32
          %and3A_237 = vector.broadcast %and3A_236 : i32 to vector<16xi32>
          %and3A_238 = arith.andi %get3A_235, %and3A_237 : vector<16xi32>
          %eq3A_239 = arith.constant 1 : i32
          %eq3A_240 = vector.broadcast %eq3A_239 : i32 to vector<16xi32>
          %eq3A_241 = arith.cmpi eq, %and3A_238, %eq3A_240 : vector<16xi32>
          %all_reduce_population_count3A_242 = tpu.all_reduce %eq3A_241 {dim = 0 : i64, kind = #tpu.reduction_kind<sum>} : vector<16xi1> -> vector<16xi32>
          %reduce_max3A_243 = arith.constant true
          %reduce_max3A_244 = vector.broadcast %reduce_max3A_243 : i1 to vector<16xi1>
          %reduce_max3A_245 = arith.constant -2147483648 : i32
          %reduce_max3A_246 = vector.broadcast %reduce_max3A_245 : i32 to vector<16xi32>
          %reduce_max3A_247 = arith.xori %all_reduce_population_count3A_242, %reduce_max3A_246 : vector<16xi32>
          %reduce_max3A_248 = tpu.scan <max>, %reduce_max3A_247 masked %reduce_max3A_244 : vector<16xi32>, vector<16xi1> -> vector<16xi32>
          %reduce_max3A_249 = arith.xori %reduce_max3A_248, %reduce_max3A_246 : vector<16xi32>
          %reduce_max3A_250 = vector.extract %reduce_max3A_249[15] : i32 from vector<16xi32>
          %gt3A = arith.constant 0 : i32
          %gt3A_251 = arith.cmpi sgt, %reduce_max3A_250, %gt3A : i32
          %convert_element_type3A_252 = arith.extui %gt3A_251 : i1 to i32
          %cond3A_253 = arith.constant 0 : i32
          %cond3A_254 = arith.cmpi ne, %convert_element_type3A_252, %cond3A_253 : i32
          scf.if %cond3A_254 {
            %mul3A_256 = arith.constant 16 : i32
            %mul3A_257 = arith.muli %scan3A_229, %mul3A_256 : i32
            %add3A_258 = vector.broadcast %mul3A_257 : i32 to vector<16xi32>
            %add3A_259 = arith.addi %iota3A, %add3A_258 : vector<16xi32>
            %broadcast_in_dim3A_260 = arith.constant 0 : i32
            %broadcast_in_dim3A_261 = vector.broadcast %broadcast_in_dim3A_260 : i32 to vector<16xi32>
            %lt3A_262 = arith.constant 0 : i32
            %lt3A_263 = vector.broadcast %lt3A_262 : i32 to vector<16xi32>
            %lt3A_264 = arith.cmpi slt, %broadcast_in_dim3A_261, %lt3A_263 : vector<16xi32>
            %add3A_265 = arith.constant 16 : i32
            %add3A_266 = vector.broadcast %add3A_265 : i32 to vector<16xi32>
            %add3A_267 = arith.addi %broadcast_in_dim3A_261, %add3A_266 : vector<16xi32>
            %select_n3A_268 = arith.select %lt3A_264, %add3A_267, %broadcast_in_dim3A_261 : vector<16xi1>, vector<16xi32>
            %reshape3A = vector.shape_cast %select_n3A_268 : vector<16xi32> to vector<16x1xi32>
            %gather3A = vector.shape_cast %reshape3A : vector<16x1xi32> to vector<16xi32>
            %gather3A_269 = tpu.dynamic_gather %scan3A_129#4[%gather3A] in [0] : vector<16xi32>, vector<16xi32> -> vector<16xi32>
            %gather3A_270 = tpu.vector_load_idx %arg8[%add3A_259, %gather3A_269] : memref<64x64xf32, #tpu.memory_space<vmem>>[vector<16xi32>, vector<16xi32>], vector<16xf32>,
            %broadcast_in_dim3A_271 = arith.constant 0 : i32
            %broadcast_in_dim3A_272 = vector.broadcast %broadcast_in_dim3A_271 : i32 to vector<16xi32>
            %lt3A_273 = arith.cmpi slt, %broadcast_in_dim3A_272, %min3A_111 : vector<16xi32>
            %jit3A_274 = arith.constant 3.000000e+38 : f32
            %broadcast_in_dim3A_275 = vector.broadcast %jit3A_274 : f32 to vector<16xf32>
            %select_n3A_276 = arith.select %lt3A_273, %gather3A_270, %broadcast_in_dim3A_275 : vector<16xi1>, vector<16xf32>
            %broadcast_in_dim3A_277 = arith.constant 1 : i32
            %broadcast_in_dim3A_278 = vector.broadcast %broadcast_in_dim3A_277 : i32 to vector<16xi32>
            %lt3A_279 = arith.constant 0 : i32
            %lt3A_280 = vector.broadcast %lt3A_279 : i32 to vector<16xi32>
            %lt3A_281 = arith.cmpi slt, %broadcast_in_dim3A_278, %lt3A_280 : vector<16xi32>
            %add3A_282 = arith.constant 16 : i32
            %add3A_283 = vector.broadcast %add3A_282 : i32 to vector<16xi32>
            %add3A_284 = arith.addi %broadcast_in_dim3A_278, %add3A_283 : vector<16xi32>
            %select_n3A_285 = arith.select %lt3A_281, %add3A_284, %broadcast_in_dim3A_278 : vector<16xi1>, vector<16xi32>
            %reshape3A_286 = vector.shape_cast %select_n3A_285 : vector<16xi32> to vector<16x1xi32>
            %gather3A_287 = vector.shape_cast %reshape3A_286 : vector<16x1xi32> to vector<16xi32>
            %gather3A_288 = tpu.dynamic_gather %scan3A_129#4[%gather3A_287] in [0] : vector<16xi32>, vector<16xi32> -> vector<16xi32>
            %gather3A_289 = tpu.vector_load_idx %arg8[%add3A_259, %gather3A_288] : memref<64x64xf32, #tpu.memory_space<vmem>>[vector<16xi32>, vector<16xi32>], vector<16xf32>,
            %broadcast_in_dim3A_290 = arith.constant 1 : i32
            %broadcast_in_dim3A_291 = vector.broadcast %broadcast_in_dim3A_290 : i32 to vector<16xi32>
            %lt3A_292 = arith.cmpi slt, %broadcast_in_dim3A_291, %min3A_111 : vector<16xi32>
            %jit3A_293 = arith.constant 3.000000e+38 : f32
            %broadcast_in_dim3A_294 = vector.broadcast %jit3A_293 : f32 to vector<16xf32>
            %select_n3A_295 = arith.select %lt3A_292, %gather3A_289, %broadcast_in_dim3A_294 : vector<16xi1>, vector<16xf32>
            %broadcast_in_dim3A_296 = arith.constant 2 : i32
            %broadcast_in_dim3A_297 = vector.broadcast %broadcast_in_dim3A_296 : i32 to vector<16xi32>
            %lt3A_298 = arith.constant 0 : i32
            %lt3A_299 = vector.broadcast %lt3A_298 : i32 to vector<16xi32>
            %lt3A_300 = arith.cmpi slt, %broadcast_in_dim3A_297, %lt3A_299 : vector<16xi32>
            %add3A_301 = arith.constant 16 : i32
            %add3A_302 = vector.broadcast %add3A_301 : i32 to vector<16xi32>
            %add3A_303 = arith.addi %broadcast_in_dim3A_297, %add3A_302 : vector<16xi32>
            %select_n3A_304 = arith.select %lt3A_300, %add3A_303, %broadcast_in_dim3A_297 : vector<16xi1>, vector<16xi32>
            %reshape3A_305 = vector.shape_cast %select_n3A_304 : vector<16xi32> to vector<16x1xi32>
            %gather3A_306 = vector.shape_cast %reshape3A_305 : vector<16x1xi32> to vector<16xi32>
            %gather3A_307 = tpu.dynamic_gather %scan3A_129#4[%gather3A_306] in [0] : vector<16xi32>, vector<16xi32> -> vector<16xi32>
            %gather3A_308 = tpu.vector_load_idx %arg8[%add3A_259, %gather3A_307] : memref<64x64xf32, #tpu.memory_space<vmem>>[vector<16xi32>, vector<16xi32>], vector<16xf32>,
            %broadcast_in_dim3A_309 = arith.constant 2 : i32
            %broadcast_in_dim3A_310 = vector.broadcast %broadcast_in_dim3A_309 : i32 to vector<16xi32>
            %lt3A_311 = arith.cmpi slt, %broadcast_in_dim3A_310, %min3A_111 : vector<16xi32>
            %jit3A_312 = arith.constant 3.000000e+38 : f32
            %broadcast_in_dim3A_313 = vector.broadcast %jit3A_312 : f32 to vector<16xf32>
            %select_n3A_314 = arith.select %lt3A_311, %gather3A_308, %broadcast_in_dim3A_313 : vector<16xi1>, vector<16xf32>
            %broadcast_in_dim3A_315 = arith.constant 3 : i32
            %broadcast_in_dim3A_316 = vector.broadcast %broadcast_in_dim3A_315 : i32 to vector<16xi32>
            %lt3A_317 = arith.constant 0 : i32
            %lt3A_318 = vector.broadcast %lt3A_317 : i32 to vector<16xi32>
            %lt3A_319 = arith.cmpi slt, %broadcast_in_dim3A_316, %lt3A_318 : vector<16xi32>
            %add3A_320 = arith.constant 16 : i32
            %add3A_321 = vector.broadcast %add3A_320 : i32 to vector<16xi32>
            %add3A_322 = arith.addi %broadcast_in_dim3A_316, %add3A_321 : vector<16xi32>
            %select_n3A_323 = arith.select %lt3A_319, %add3A_322, %broadcast_in_dim3A_316 : vector<16xi1>, vector<16xi32>
            %reshape3A_324 = vector.shape_cast %select_n3A_323 : vector<16xi32> to vector<16x1xi32>
            %gather3A_325 = vector.shape_cast %reshape3A_324 : vector<16x1xi32> to vector<16xi32>
            %gather3A_326 = tpu.dynamic_gather %scan3A_129#4[%gather3A_325] in [0] : vector<16xi32>, vector<16xi32> -> vector<16xi32>
            %gather3A_327 = tpu.vector_load_idx %arg8[%add3A_259, %gather3A_326] : memref<64x64xf32, #tpu.memory_space<vmem>>[vector<16xi32>, vector<16xi32>], vector<16xf32>,
            %broadcast_in_dim3A_328 = arith.constant 3 : i32
            %broadcast_in_dim3A_329 = vector.broadcast %broadcast_in_dim3A_328 : i32 to vector<16xi32>
            %lt3A_330 = arith.cmpi slt, %broadcast_in_dim3A_329, %min3A_111 : vector<16xi32>
            %jit3A_331 = arith.constant 3.000000e+38 : f32
            %broadcast_in_dim3A_332 = vector.broadcast %jit3A_331 : f32 to vector<16xf32>
            %select_n3A_333 = arith.select %lt3A_330, %gather3A_327, %broadcast_in_dim3A_332 : vector<16xi1>, vector<16xf32>
            %broadcast_in_dim3A_334 = arith.constant 4 : i32
            %broadcast_in_dim3A_335 = vector.broadcast %broadcast_in_dim3A_334 : i32 to vector<16xi32>
            %lt3A_336 = arith.constant 0 : i32
            %lt3A_337 = vector.broadcast %lt3A_336 : i32 to vector<16xi32>
            %lt3A_338 = arith.cmpi slt, %broadcast_in_dim3A_335, %lt3A_337 : vector<16xi32>
            %add3A_339 = arith.constant 16 : i32
            %add3A_340 = vector.broadcast %add3A_339 : i32 to vector<16xi32>
            %add3A_341 = arith.addi %broadcast_in_dim3A_335, %add3A_340 : vector<16xi32>
            %select_n3A_342 = arith.select %lt3A_338, %add3A_341, %broadcast_in_dim3A_335 : vector<16xi1>, vector<16xi32>
            %reshape3A_343 = vector.shape_cast %select_n3A_342 : vector<16xi32> to vector<16x1xi32>
            %gather3A_344 = vector.shape_cast %reshape3A_343 : vector<16x1xi32> to vector<16xi32>
            %gather3A_345 = tpu.dynamic_gather %scan3A_129#4[%gather3A_344] in [0] : vector<16xi32>, vector<16xi32> -> vector<16xi32>
            %gather3A_346 = tpu.vector_load_idx %arg8[%add3A_259, %gather3A_345] : memref<64x64xf32, #tpu.memory_space<vmem>>[vector<16xi32>, vector<16xi32>], vector<16xf32>,
            %broadcast_in_dim3A_347 = arith.constant 4 : i32
            %broadcast_in_dim3A_348 = vector.broadcast %broadcast_in_dim3A_347 : i32 to vector<16xi32>
            %lt3A_349 = arith.cmpi slt, %broadcast_in_dim3A_348, %min3A_111 : vector<16xi32>
            %jit3A_350 = arith.constant 3.000000e+38 : f32
            %broadcast_in_dim3A_351 = vector.broadcast %jit3A_350 : f32 to vector<16xf32>
            %select_n3A_352 = arith.select %lt3A_349, %gather3A_346, %broadcast_in_dim3A_351 : vector<16xi1>, vector<16xf32>
            %broadcast_in_dim3A_353 = arith.constant 5 : i32
            %broadcast_in_dim3A_354 = vector.broadcast %broadcast_in_dim3A_353 : i32 to vector<16xi32>
            %lt3A_355 = arith.constant 0 : i32
            %lt3A_356 = vector.broadcast %lt3A_355 : i32 to vector<16xi32>
            %lt3A_357 = arith.cmpi slt, %broadcast_in_dim3A_354, %lt3A_356 : vector<16xi32>
            %add3A_358 = arith.constant 16 : i32
            %add3A_359 = vector.broadcast %add3A_358 : i32 to vector<16xi32>
            %add3A_360 = arith.addi %broadcast_in_dim3A_354, %add3A_359 : vector<16xi32>
            %select_n3A_361 = arith.select %lt3A_357, %add3A_360, %broadcast_in_dim3A_354 : vector<16xi1>, vector<16xi32>
            %reshape3A_362 = vector.shape_cast %select_n3A_361 : vector<16xi32> to vector<16x1xi32>
            %gather3A_363 = vector.shape_cast %reshape3A_362 : vector<16x1xi32> to vector<16xi32>
            %gather3A_364 = tpu.dynamic_gather %scan3A_129#4[%gather3A_363] in [0] : vector<16xi32>, vector<16xi32> -> vector<16xi32>
            %gather3A_365 = tpu.vector_load_idx %arg8[%add3A_259, %gather3A_364] : memref<64x64xf32, #tpu.memory_space<vmem>>[vector<16xi32>, vector<16xi32>], vector<16xf32>,
            %broadcast_in_dim3A_366 = arith.constant 5 : i32
            %broadcast_in_dim3A_367 = vector.broadcast %broadcast_in_dim3A_366 : i32 to vector<16xi32>
            %lt3A_368 = arith.cmpi slt, %broadcast_in_dim3A_367, %min3A_111 : vector<16xi32>
            %jit3A_369 = arith.constant 3.000000e+38 : f32
            %broadcast_in_dim3A_370 = vector.broadcast %jit3A_369 : f32 to vector<16xf32>
            %select_n3A_371 = arith.select %lt3A_368, %gather3A_365, %broadcast_in_dim3A_370 : vector<16xi1>, vector<16xf32>
            %broadcast_in_dim3A_372 = arith.constant 6 : i32
            %broadcast_in_dim3A_373 = vector.broadcast %broadcast_in_dim3A_372 : i32 to vector<16xi32>
            %lt3A_374 = arith.constant 0 : i32
            %lt3A_375 = vector.broadcast %lt3A_374 : i32 to vector<16xi32>
            %lt3A_376 = arith.cmpi slt, %broadcast_in_dim3A_373, %lt3A_375 : vector<16xi32>
            %add3A_377 = arith.constant 16 : i32
            %add3A_378 = vector.broadcast %add3A_377 : i32 to vector<16xi32>
            %add3A_379 = arith.addi %broadcast_in_dim3A_373, %add3A_378 : vector<16xi32>
            %select_n3A_380 = arith.select %lt3A_376, %add3A_379, %broadcast_in_dim3A_373 : vector<16xi1>, vector<16xi32>
            %reshape3A_381 = vector.shape_cast %select_n3A_380 : vector<16xi32> to vector<16x1xi32>
            %gather3A_382 = vector.shape_cast %reshape3A_381 : vector<16x1xi32> to vector<16xi32>
            %gather3A_383 = tpu.dynamic_gather %scan3A_129#4[%gather3A_382] in [0] : vector<16xi32>, vector<16xi32> -> vector<16xi32>
            %gather3A_384 = tpu.vector_load_idx %arg8[%add3A_259, %gather3A_383] : memref<64x64xf32, #tpu.memory_space<vmem>>[vector<16xi32>, vector<16xi32>], vector<16xf32>,
            %broadcast_in_dim3A_385 = arith.constant 6 : i32
            %broadcast_in_dim3A_386 = vector.broadcast %broadcast_in_dim3A_385 : i32 to vector<16xi32>
            %lt3A_387 = arith.cmpi slt, %broadcast_in_dim3A_386, %min3A_111 : vector<16xi32>
            %jit3A_388 = arith.constant 3.000000e+38 : f32
            %broadcast_in_dim3A_389 = vector.broadcast %jit3A_388 : f32 to vector<16xf32>
            %select_n3A_390 = arith.select %lt3A_387, %gather3A_384, %broadcast_in_dim3A_389 : vector<16xi1>, vector<16xf32>
            %broadcast_in_dim3A_391 = arith.constant 7 : i32
            %broadcast_in_dim3A_392 = vector.broadcast %broadcast_in_dim3A_391 : i32 to vector<16xi32>
            %lt3A_393 = arith.constant 0 : i32
            %lt3A_394 = vector.broadcast %lt3A_393 : i32 to vector<16xi32>
            %lt3A_395 = arith.cmpi slt, %broadcast_in_dim3A_392, %lt3A_394 : vector<16xi32>
            %add3A_396 = arith.constant 16 : i32
            %add3A_397 = vector.broadcast %add3A_396 : i32 to vector<16xi32>
            %add3A_398 = arith.addi %broadcast_in_dim3A_392, %add3A_397 : vector<16xi32>
            %select_n3A_399 = arith.select %lt3A_395, %add3A_398, %broadcast_in_dim3A_392 : vector<16xi1>, vector<16xi32>
            %reshape3A_400 = vector.shape_cast %select_n3A_399 : vector<16xi32> to vector<16x1xi32>
            %gather3A_401 = vector.shape_cast %reshape3A_400 : vector<16x1xi32> to vector<16xi32>
            %gather3A_402 = tpu.dynamic_gather %scan3A_129#4[%gather3A_401] in [0] : vector<16xi32>, vector<16xi32> -> vector<16xi32>
            %gather3A_403 = tpu.vector_load_idx %arg8[%add3A_259, %gather3A_402] : memref<64x64xf32, #tpu.memory_space<vmem>>[vector<16xi32>, vector<16xi32>], vector<16xf32>,
            %broadcast_in_dim3A_404 = arith.constant 7 : i32
            %broadcast_in_dim3A_405 = vector.broadcast %broadcast_in_dim3A_404 : i32 to vector<16xi32>
            %lt3A_406 = arith.cmpi slt, %broadcast_in_dim3A_405, %min3A_111 : vector<16xi32>
            %jit3A_407 = arith.constant 3.000000e+38 : f32
            %broadcast_in_dim3A_408 = vector.broadcast %jit3A_407 : f32 to vector<16xf32>
            %select_n3A_409 = arith.select %lt3A_406, %gather3A_403, %broadcast_in_dim3A_408 : vector<16xi1>, vector<16xf32>
            %broadcast_in_dim3A_410 = arith.constant 8 : i32
            %broadcast_in_dim3A_411 = vector.broadcast %broadcast_in_dim3A_410 : i32 to vector<16xi32>
            %lt3A_412 = arith.constant 0 : i32
            %lt3A_413 = vector.broadcast %lt3A_412 : i32 to vector<16xi32>
            %lt3A_414 = arith.cmpi slt, %broadcast_in_dim3A_411, %lt3A_413 : vector<16xi32>
            %add3A_415 = arith.constant 16 : i32
            %add3A_416 = vector.broadcast %add3A_415 : i32 to vector<16xi32>
            %add3A_417 = arith.addi %broadcast_in_dim3A_411, %add3A_416 : vector<16xi32>
            %select_n3A_418 = arith.select %lt3A_414, %add3A_417, %broadcast_in_dim3A_411 : vector<16xi1>, vector<16xi32>
            %reshape3A_419 = vector.shape_cast %select_n3A_418 : vector<16xi32> to vector<16x1xi32>
            %gather3A_420 = vector.shape_cast %reshape3A_419 : vector<16x1xi32> to vector<16xi32>
            %gather3A_421 = tpu.dynamic_gather %scan3A_129#4[%gather3A_420] in [0] : vector<16xi32>, vector<16xi32> -> vector<16xi32>
            %gather3A_422 = tpu.vector_load_idx %arg8[%add3A_259, %gather3A_421] : memref<64x64xf32, #tpu.memory_space<vmem>>[vector<16xi32>, vector<16xi32>], vector<16xf32>,
            %broadcast_in_dim3A_423 = arith.constant 8 : i32
            %broadcast_in_dim3A_424 = vector.broadcast %broadcast_in_dim3A_423 : i32 to vector<16xi32>
            %lt3A_425 = arith.cmpi slt, %broadcast_in_dim3A_424, %min3A_111 : vector<16xi32>
            %jit3A_426 = arith.constant 3.000000e+38 : f32
            %broadcast_in_dim3A_427 = vector.broadcast %jit3A_426 : f32 to vector<16xf32>
            %select_n3A_428 = arith.select %lt3A_425, %gather3A_422, %broadcast_in_dim3A_427 : vector<16xi1>, vector<16xf32>
            %broadcast_in_dim3A_429 = arith.constant 9 : i32
            %broadcast_in_dim3A_430 = vector.broadcast %broadcast_in_dim3A_429 : i32 to vector<16xi32>
            %lt3A_431 = arith.constant 0 : i32
            %lt3A_432 = vector.broadcast %lt3A_431 : i32 to vector<16xi32>
            %lt3A_433 = arith.cmpi slt, %broadcast_in_dim3A_430, %lt3A_432 : vector<16xi32>
            %add3A_434 = arith.constant 16 : i32
            %add3A_435 = vector.broadcast %add3A_434 : i32 to vector<16xi32>
            %add3A_436 = arith.addi %broadcast_in_dim3A_430, %add3A_435 : vector<16xi32>
            %select_n3A_437 = arith.select %lt3A_433, %add3A_436, %broadcast_in_dim3A_430 : vector<16xi1>, vector<16xi32>
            %reshape3A_438 = vector.shape_cast %select_n3A_437 : vector<16xi32> to vector<16x1xi32>
            %gather3A_439 = vector.shape_cast %reshape3A_438 : vector<16x1xi32> to vector<16xi32>
            %gather3A_440 = tpu.dynamic_gather %scan3A_129#4[%gather3A_439] in [0] : vector<16xi32>, vector<16xi32> -> vector<16xi32>
            %gather3A_441 = tpu.vector_load_idx %arg8[%add3A_259, %gather3A_440] : memref<64x64xf32, #tpu.memory_space<vmem>>[vector<16xi32>, vector<16xi32>], vector<16xf32>,
            %broadcast_in_dim3A_442 = arith.constant 9 : i32
            %broadcast_in_dim3A_443 = vector.broadcast %broadcast_in_dim3A_442 : i32 to vector<16xi32>
            %lt3A_444 = arith.cmpi slt, %broadcast_in_dim3A_443, %min3A_111 : vector<16xi32>
            %jit3A_445 = arith.constant 3.000000e+38 : f32
            %broadcast_in_dim3A_446 = vector.broadcast %jit3A_445 : f32 to vector<16xf32>
            %select_n3A_447 = arith.select %lt3A_444, %gather3A_441, %broadcast_in_dim3A_446 : vector<16xi1>, vector<16xf32>
            %broadcast_in_dim3A_448 = arith.constant 10 : i32
            %broadcast_in_dim3A_449 = vector.broadcast %broadcast_in_dim3A_448 : i32 to vector<16xi32>
            %lt3A_450 = arith.constant 0 : i32
            %lt3A_451 = vector.broadcast %lt3A_450 : i32 to vector<16xi32>
            %lt3A_452 = arith.cmpi slt, %broadcast_in_dim3A_449, %lt3A_451 : vector<16xi32>
            %add3A_453 = arith.constant 16 : i32
            %add3A_454 = vector.broadcast %add3A_453 : i32 to vector<16xi32>
            %add3A_455 = arith.addi %broadcast_in_dim3A_449, %add3A_454 : vector<16xi32>
            %select_n3A_456 = arith.select %lt3A_452, %add3A_455, %broadcast_in_dim3A_449 : vector<16xi1>, vector<16xi32>
            %reshape3A_457 = vector.shape_cast %select_n3A_456 : vector<16xi32> to vector<16x1xi32>
            %gather3A_458 = vector.shape_cast %reshape3A_457 : vector<16x1xi32> to vector<16xi32>
            %gather3A_459 = tpu.dynamic_gather %scan3A_129#4[%gather3A_458] in [0] : vector<16xi32>, vector<16xi32> -> vector<16xi32>
            %gather3A_460 = tpu.vector_load_idx %arg8[%add3A_259, %gather3A_459] : memref<64x64xf32, #tpu.memory_space<vmem>>[vector<16xi32>, vector<16xi32>], vector<16xf32>,
            %broadcast_in_dim3A_461 = arith.constant 10 : i32
            %broadcast_in_dim3A_462 = vector.broadcast %broadcast_in_dim3A_461 : i32 to vector<16xi32>
            %lt3A_463 = arith.cmpi slt, %broadcast_in_dim3A_462, %min3A_111 : vector<16xi32>
            %jit3A_464 = arith.constant 3.000000e+38 : f32
            %broadcast_in_dim3A_465 = vector.broadcast %jit3A_464 : f32 to vector<16xf32>
            %select_n3A_466 = arith.select %lt3A_463, %gather3A_460, %broadcast_in_dim3A_465 : vector<16xi1>, vector<16xf32>
            %broadcast_in_dim3A_467 = arith.constant 11 : i32
            %broadcast_in_dim3A_468 = vector.broadcast %broadcast_in_dim3A_467 : i32 to vector<16xi32>
            %lt3A_469 = arith.constant 0 : i32
            %lt3A_470 = vector.broadcast %lt3A_469 : i32 to vector<16xi32>
            %lt3A_471 = arith.cmpi slt, %broadcast_in_dim3A_468, %lt3A_470 : vector<16xi32>
            %add3A_472 = arith.constant 16 : i32
            %add3A_473 = vector.broadcast %add3A_472 : i32 to vector<16xi32>
            %add3A_474 = arith.addi %broadcast_in_dim3A_468, %add3A_473 : vector<16xi32>
            %select_n3A_475 = arith.select %lt3A_471, %add3A_474, %broadcast_in_dim3A_468 : vector<16xi1>, vector<16xi32>
            %reshape3A_476 = vector.shape_cast %select_n3A_475 : vector<16xi32> to vector<16x1xi32>
            %gather3A_477 = vector.shape_cast %reshape3A_476 : vector<16x1xi32> to vector<16xi32>
            %gather3A_478 = tpu.dynamic_gather %scan3A_129#4[%gather3A_477] in [0] : vector<16xi32>, vector<16xi32> -> vector<16xi32>
            %gather3A_479 = tpu.vector_load_idx %arg8[%add3A_259, %gather3A_478] : memref<64x64xf32, #tpu.memory_space<vmem>>[vector<16xi32>, vector<16xi32>], vector<16xf32>,
            %broadcast_in_dim3A_480 = arith.constant 11 : i32
            %broadcast_in_dim3A_481 = vector.broadcast %broadcast_in_dim3A_480 : i32 to vector<16xi32>
            %lt3A_482 = arith.cmpi slt, %broadcast_in_dim3A_481, %min3A_111 : vector<16xi32>
            %jit3A_483 = arith.constant 3.000000e+38 : f32
            %broadcast_in_dim3A_484 = vector.broadcast %jit3A_483 : f32 to vector<16xf32>
            %select_n3A_485 = arith.select %lt3A_482, %gather3A_479, %broadcast_in_dim3A_484 : vector<16xi1>, vector<16xf32>
            %broadcast_in_dim3A_486 = arith.constant 12 : i32
            %broadcast_in_dim3A_487 = vector.broadcast %broadcast_in_dim3A_486 : i32 to vector<16xi32>
            %lt3A_488 = arith.constant 0 : i32
            %lt3A_489 = vector.broadcast %lt3A_488 : i32 to vector<16xi32>
            %lt3A_490 = arith.cmpi slt, %broadcast_in_dim3A_487, %lt3A_489 : vector<16xi32>
            %add3A_491 = arith.constant 16 : i32
            %add3A_492 = vector.broadcast %add3A_491 : i32 to vector<16xi32>
            %add3A_493 = arith.addi %broadcast_in_dim3A_487, %add3A_492 : vector<16xi32>
            %select_n3A_494 = arith.select %lt3A_490, %add3A_493, %broadcast_in_dim3A_487 : vector<16xi1>, vector<16xi32>
            %reshape3A_495 = vector.shape_cast %select_n3A_494 : vector<16xi32> to vector<16x1xi32>
            %gather3A_496 = vector.shape_cast %reshape3A_495 : vector<16x1xi32> to vector<16xi32>
            %gather3A_497 = tpu.dynamic_gather %scan3A_129#4[%gather3A_496] in [0] : vector<16xi32>, vector<16xi32> -> vector<16xi32>
            %gather3A_498 = tpu.vector_load_idx %arg8[%add3A_259, %gather3A_497] : memref<64x64xf32, #tpu.memory_space<vmem>>[vector<16xi32>, vector<16xi32>], vector<16xf32>,
            %broadcast_in_dim3A_499 = arith.constant 12 : i32
            %broadcast_in_dim3A_500 = vector.broadcast %broadcast_in_dim3A_499 : i32 to vector<16xi32>
            %lt3A_501 = arith.cmpi slt, %broadcast_in_dim3A_500, %min3A_111 : vector<16xi32>
            %jit3A_502 = arith.constant 3.000000e+38 : f32
            %broadcast_in_dim3A_503 = vector.broadcast %jit3A_502 : f32 to vector<16xf32>
            %select_n3A_504 = arith.select %lt3A_501, %gather3A_498, %broadcast_in_dim3A_503 : vector<16xi1>, vector<16xf32>
            %broadcast_in_dim3A_505 = arith.constant 13 : i32
            %broadcast_in_dim3A_506 = vector.broadcast %broadcast_in_dim3A_505 : i32 to vector<16xi32>
            %lt3A_507 = arith.constant 0 : i32
            %lt3A_508 = vector.broadcast %lt3A_507 : i32 to vector<16xi32>
            %lt3A_509 = arith.cmpi slt, %broadcast_in_dim3A_506, %lt3A_508 : vector<16xi32>
            %add3A_510 = arith.constant 16 : i32
            %add3A_511 = vector.broadcast %add3A_510 : i32 to vector<16xi32>
            %add3A_512 = arith.addi %broadcast_in_dim3A_506, %add3A_511 : vector<16xi32>
            %select_n3A_513 = arith.select %lt3A_509, %add3A_512, %broadcast_in_dim3A_506 : vector<16xi1>, vector<16xi32>
            %reshape3A_514 = vector.shape_cast %select_n3A_513 : vector<16xi32> to vector<16x1xi32>
            %gather3A_515 = vector.shape_cast %reshape3A_514 : vector<16x1xi32> to vector<16xi32>
            %gather3A_516 = tpu.dynamic_gather %scan3A_129#4[%gather3A_515] in [0] : vector<16xi32>, vector<16xi32> -> vector<16xi32>
            %gather3A_517 = tpu.vector_load_idx %arg8[%add3A_259, %gather3A_516] : memref<64x64xf32, #tpu.memory_space<vmem>>[vector<16xi32>, vector<16xi32>], vector<16xf32>,
            %broadcast_in_dim3A_518 = arith.constant 13 : i32
            %broadcast_in_dim3A_519 = vector.broadcast %broadcast_in_dim3A_518 : i32 to vector<16xi32>
            %lt3A_520 = arith.cmpi slt, %broadcast_in_dim3A_519, %min3A_111 : vector<16xi32>
            %jit3A_521 = arith.constant 3.000000e+38 : f32
            %broadcast_in_dim3A_522 = vector.broadcast %jit3A_521 : f32 to vector<16xf32>
            %select_n3A_523 = arith.select %lt3A_520, %gather3A_517, %broadcast_in_dim3A_522 : vector<16xi1>, vector<16xf32>
            %broadcast_in_dim3A_524 = arith.constant 14 : i32
            %broadcast_in_dim3A_525 = vector.broadcast %broadcast_in_dim3A_524 : i32 to vector<16xi32>
            %lt3A_526 = arith.constant 0 : i32
            %lt3A_527 = vector.broadcast %lt3A_526 : i32 to vector<16xi32>
            %lt3A_528 = arith.cmpi slt, %broadcast_in_dim3A_525, %lt3A_527 : vector<16xi32>
            %add3A_529 = arith.constant 16 : i32
            %add3A_530 = vector.broadcast %add3A_529 : i32 to vector<16xi32>
            %add3A_531 = arith.addi %broadcast_in_dim3A_525, %add3A_530 : vector<16xi32>
            %select_n3A_532 = arith.select %lt3A_528, %add3A_531, %broadcast_in_dim3A_525 : vector<16xi1>, vector<16xi32>
            %reshape3A_533 = vector.shape_cast %select_n3A_532 : vector<16xi32> to vector<16x1xi32>
            %gather3A_534 = vector.shape_cast %reshape3A_533 : vector<16x1xi32> to vector<16xi32>
            %gather3A_535 = tpu.dynamic_gather %scan3A_129#4[%gather3A_534] in [0] : vector<16xi32>, vector<16xi32> -> vector<16xi32>
            %gather3A_536 = tpu.vector_load_idx %arg8[%add3A_259, %gather3A_535] : memref<64x64xf32, #tpu.memory_space<vmem>>[vector<16xi32>, vector<16xi32>], vector<16xf32>,
            %broadcast_in_dim3A_537 = arith.constant 14 : i32
            %broadcast_in_dim3A_538 = vector.broadcast %broadcast_in_dim3A_537 : i32 to vector<16xi32>
            %lt3A_539 = arith.cmpi slt, %broadcast_in_dim3A_538, %min3A_111 : vector<16xi32>
            %jit3A_540 = arith.constant 3.000000e+38 : f32
            %broadcast_in_dim3A_541 = vector.broadcast %jit3A_540 : f32 to vector<16xf32>
            %select_n3A_542 = arith.select %lt3A_539, %gather3A_536, %broadcast_in_dim3A_541 : vector<16xi1>, vector<16xf32>
            %broadcast_in_dim3A_543 = arith.constant 15 : i32
            %broadcast_in_dim3A_544 = vector.broadcast %broadcast_in_dim3A_543 : i32 to vector<16xi32>
            %lt3A_545 = arith.constant 0 : i32
            %lt3A_546 = vector.broadcast %lt3A_545 : i32 to vector<16xi32>
            %lt3A_547 = arith.cmpi slt, %broadcast_in_dim3A_544, %lt3A_546 : vector<16xi32>
            %add3A_548 = arith.constant 16 : i32
            %add3A_549 = vector.broadcast %add3A_548 : i32 to vector<16xi32>
            %add3A_550 = arith.addi %broadcast_in_dim3A_544, %add3A_549 : vector<16xi32>
            %select_n3A_551 = arith.select %lt3A_547, %add3A_550, %broadcast_in_dim3A_544 : vector<16xi1>, vector<16xi32>
            %reshape3A_552 = vector.shape_cast %select_n3A_551 : vector<16xi32> to vector<16x1xi32>
            %gather3A_553 = vector.shape_cast %reshape3A_552 : vector<16x1xi32> to vector<16xi32>
            %gather3A_554 = tpu.dynamic_gather %scan3A_129#4[%gather3A_553] in [0] : vector<16xi32>, vector<16xi32> -> vector<16xi32>
            %gather3A_555 = tpu.vector_load_idx %arg8[%add3A_259, %gather3A_554] : memref<64x64xf32, #tpu.memory_space<vmem>>[vector<16xi32>, vector<16xi32>], vector<16xf32>,
            %broadcast_in_dim3A_556 = arith.constant 15 : i32
            %broadcast_in_dim3A_557 = vector.broadcast %broadcast_in_dim3A_556 : i32 to vector<16xi32>
            %lt3A_558 = arith.cmpi slt, %broadcast_in_dim3A_557, %min3A_111 : vector<16xi32>
            %jit3A_559 = arith.constant 3.000000e+38 : f32
            %broadcast_in_dim3A_560 = vector.broadcast %jit3A_559 : f32 to vector<16xf32>
            %select_n3A_561 = arith.select %lt3A_558, %gather3A_555, %broadcast_in_dim3A_560 : vector<16xi1>, vector<16xf32>
            %broadcast_in_dim3A_562 = arith.constant 0 : i32
            %broadcast_in_dim3A_563 = vector.broadcast %broadcast_in_dim3A_562 : i32 to vector<16xi32>
            %scan3A_564 = arith.constant 0 : i32
            %scan3A_565 = arith.constant 16 : i32
            %scan3A_566 = arith.addi %scan3A_564, %scan3A_565 : i32
            %scan3A_567 = arith.constant 4 : i32
            %scan3A_568 = scf.for %scan3A_740 = %scan3A_564 to %scan3A_566 step %scan3A_567 iter_args(%scan3A_741 = %broadcast_in_dim3A_563) -> (vector<16xi32>)  : i32 {
              %min3A_742 = arith.constant 15 : i32
              %min3A_743 = arith.minsi %scan3A_740, %min3A_742 : i32
              %broadcast_in_dim3A_744 = vector.broadcast %scan3A_740 : i32 to vector<16xi32>
              %lt3A_745 = arith.constant 16 : i32
              %lt3A_746 = vector.broadcast %lt3A_745 : i32 to vector<16xi32>
              %lt3A_747 = arith.cmpi slt, %broadcast_in_dim3A_744, %lt3A_746 : vector<16xi32>
              %broadcast_in_dim3A_748 = vector.broadcast %min3A_743 : i32 to vector<16xi32>
              %lt3A_749 = arith.constant 0 : i32
              %lt3A_750 = vector.broadcast %lt3A_749 : i32 to vector<16xi32>
              %lt3A_751 = arith.cmpi slt, %broadcast_in_dim3A_748, %lt3A_750 : vector<16xi32>
              %add3A_752 = arith.constant 16 : i32
              %add3A_753 = vector.broadcast %add3A_752 : i32 to vector<16xi32>
              %add3A_754 = arith.addi %broadcast_in_dim3A_748, %add3A_753 : vector<16xi32>
              %select_n3A_755 = arith.select %lt3A_751, %add3A_754, %broadcast_in_dim3A_748 : vector<16xi1>, vector<16xi32>
              %reshape3A_756 = vector.shape_cast %select_n3A_755 : vector<16xi32> to vector<16x1xi32>
              %gather3A_757 = vector.shape_cast %reshape3A_756 : vector<16x1xi32> to vector<16xi32>
              %gather3A_758 = tpu.dynamic_gather %select_n3A_200[%gather3A_757] in [0] : vector<16xi32>, vector<16xi32> -> vector<16xi32>
              %select_n3A_759 = arith.select %lt3A_747, %gather3A_758, %select_n3A_204 : vector<16xi1>, vector<16xi32>
              %min3A_760 = arith.constant 63 : i32
              %min3A_761 = vector.broadcast %min3A_760 : i32 to vector<16xi32>
              %min3A_762 = arith.minsi %select_n3A_759, %min3A_761 : vector<16xi32>
              %gather3A_763 = tpu.vector_load_idx %arg8[%add3A_259, %min3A_762] : memref<64x64xf32, #tpu.memory_space<vmem>>[vector<16xi32>, vector<16xi32>], vector<16xf32>,
              %eq3A_764 = arith.cmpi eq, %select_n3A_759, %add3A_259 : vector<16xi32>
              %not3A_765 = arith.constant dense<true> : vector<16xi1>
              %not3A_766 = arith.xori %eq3A_764, %not3A_765 : vector<16xi1>
              %and3A_767 = arith.andi %eq3A_241, %not3A_766 : vector<16xi1>
              %broadcast_in_dim3A_768 = vector.broadcast %scan3A_740 : i32 to vector<16xi32>
              %sub3A_769 = arith.subi %broadcast_in_dim3A_768, %scan3A_741 : vector<16xi32>
              %lt3A_770 = arith.cmpi slt, %sub3A_769, %min3A_105 : vector<16xi32>
              %and3A_771 = arith.andi %and3A_767, %lt3A_770 : vector<16xi1>
              %broadcast_in_dim3A_772 = arith.constant 0.000000e+00 : f32
              %broadcast_in_dim3A_773 = vector.broadcast %broadcast_in_dim3A_772 : f32 to vector<16xf32>
              %sub3A_774 = arith.subf %gather3A_763, %select_n3A_276 : vector<16xf32>
              %add3A_775 = arith.constant 5.000000e-01 : f32
              %add3A_776 = vector.broadcast %add3A_775 : f32 to vector<16xf32>
              %add3A_777 = arith.addf %sub3A_774, %add3A_776 : vector<16xf32>
              %max3A_778 = arith.constant 0.000000e+00 : f32
              %max3A_779 = vector.broadcast %max3A_778 : f32 to vector<16xf32>
              %max3A_780 = arith.maximumf %add3A_777, %max3A_779 : vector<16xf32>
              %add3A_781 = arith.addf %broadcast_in_dim3A_773, %max3A_780 : vector<16xf32>
              %sub3A_782 = arith.subf %gather3A_763, %select_n3A_295 : vector<16xf32>
              %add3A_783 = arith.constant 5.000000e-01 : f32
              %add3A_784 = vector.broadcast %add3A_783 : f32 to vector<16xf32>
              %add3A_785 = arith.addf %sub3A_782, %add3A_784 : vector<16xf32>
              %max3A_786 = arith.constant 0.000000e+00 : f32
              %max3A_787 = vector.broadcast %max3A_786 : f32 to vector<16xf32>
              %max3A_788 = arith.maximumf %add3A_785, %max3A_787 : vector<16xf32>
              %add3A_789 = arith.addf %add3A_781, %max3A_788 : vector<16xf32>
              %sub3A_790 = arith.subf %gather3A_763, %select_n3A_314 : vector<16xf32>
              %add3A_791 = arith.constant 5.000000e-01 : f32
              %add3A_792 = vector.broadcast %add3A_791 : f32 to vector<16xf32>
              %add3A_793 = arith.addf %sub3A_790, %add3A_792 : vector<16xf32>
              %max3A_794 = arith.constant 0.000000e+00 : f32
              %max3A_795 = vector.broadcast %max3A_794 : f32 to vector<16xf32>
              %max3A_796 = arith.maximumf %add3A_793, %max3A_795 : vector<16xf32>
              %add3A_797 = arith.addf %add3A_789, %max3A_796 : vector<16xf32>
              %sub3A_798 = arith.subf %gather3A_763, %select_n3A_333 : vector<16xf32>
              %add3A_799 = arith.constant 5.000000e-01 : f32
              %add3A_800 = vector.broadcast %add3A_799 : f32 to vector<16xf32>
              %add3A_801 = arith.addf %sub3A_798, %add3A_800 : vector<16xf32>
              %max3A_802 = arith.constant 0.000000e+00 : f32
              %max3A_803 = vector.broadcast %max3A_802 : f32 to vector<16xf32>
              %max3A_804 = arith.maximumf %add3A_801, %max3A_803 : vector<16xf32>
              %add3A_805 = arith.addf %add3A_797, %max3A_804 : vector<16xf32>
              %sub3A_806 = arith.subf %gather3A_763, %select_n3A_352 : vector<16xf32>
              %add3A_807 = arith.constant 5.000000e-01 : f32
              %add3A_808 = vector.broadcast %add3A_807 : f32 to vector<16xf32>
              %add3A_809 = arith.addf %sub3A_806, %add3A_808 : vector<16xf32>
              %max3A_810 = arith.constant 0.000000e+00 : f32
              %max3A_811 = vector.broadcast %max3A_810 : f32 to vector<16xf32>
              %max3A_812 = arith.maximumf %add3A_809, %max3A_811 : vector<16xf32>
              %add3A_813 = arith.addf %add3A_805, %max3A_812 : vector<16xf32>
              %sub3A_814 = arith.subf %gather3A_763, %select_n3A_371 : vector<16xf32>
              %add3A_815 = arith.constant 5.000000e-01 : f32
              %add3A_816 = vector.broadcast %add3A_815 : f32 to vector<16xf32>
              %add3A_817 = arith.addf %sub3A_814, %add3A_816 : vector<16xf32>
              %max3A_818 = arith.constant 0.000000e+00 : f32
              %max3A_819 = vector.broadcast %max3A_818 : f32 to vector<16xf32>
              %max3A_820 = arith.maximumf %add3A_817, %max3A_819 : vector<16xf32>
              %add3A_821 = arith.addf %add3A_813, %max3A_820 : vector<16xf32>
              %sub3A_822 = arith.subf %gather3A_763, %select_n3A_390 : vector<16xf32>
              %add3A_823 = arith.constant 5.000000e-01 : f32
              %add3A_824 = vector.broadcast %add3A_823 : f32 to vector<16xf32>
              %add3A_825 = arith.addf %sub3A_822, %add3A_824 : vector<16xf32>
              %max3A_826 = arith.constant 0.000000e+00 : f32
              %max3A_827 = vector.broadcast %max3A_826 : f32 to vector<16xf32>
              %max3A_828 = arith.maximumf %add3A_825, %max3A_827 : vector<16xf32>
              %add3A_829 = arith.addf %add3A_821, %max3A_828 : vector<16xf32>
              %sub3A_830 = arith.subf %gather3A_763, %select_n3A_409 : vector<16xf32>
              %add3A_831 = arith.constant 5.000000e-01 : f32
              %add3A_832 = vector.broadcast %add3A_831 : f32 to vector<16xf32>
              %add3A_833 = arith.addf %sub3A_830, %add3A_832 : vector<16xf32>
              %max3A_834 = arith.constant 0.000000e+00 : f32
              %max3A_835 = vector.broadcast %max3A_834 : f32 to vector<16xf32>
              %max3A_836 = arith.maximumf %add3A_833, %max3A_835 : vector<16xf32>
              %add3A_837 = arith.addf %add3A_829, %max3A_836 : vector<16xf32>
              %sub3A_838 = arith.subf %gather3A_763, %select_n3A_428 : vector<16xf32>
              %add3A_839 = arith.constant 5.000000e-01 : f32
              %add3A_840 = vector.broadcast %add3A_839 : f32 to vector<16xf32>
              %add3A_841 = arith.addf %sub3A_838, %add3A_840 : vector<16xf32>
              %max3A_842 = arith.constant 0.000000e+00 : f32
              %max3A_843 = vector.broadcast %max3A_842 : f32 to vector<16xf32>
              %max3A_844 = arith.maximumf %add3A_841, %max3A_843 : vector<16xf32>
              %add3A_845 = arith.addf %add3A_837, %max3A_844 : vector<16xf32>
              %sub3A_846 = arith.subf %gather3A_763, %select_n3A_447 : vector<16xf32>
              %add3A_847 = arith.constant 5.000000e-01 : f32
              %add3A_848 = vector.broadcast %add3A_847 : f32 to vector<16xf32>
              %add3A_849 = arith.addf %sub3A_846, %add3A_848 : vector<16xf32>
              %max3A_850 = arith.constant 0.000000e+00 : f32
              %max3A_851 = vector.broadcast %max3A_850 : f32 to vector<16xf32>
              %max3A_852 = arith.maximumf %add3A_849, %max3A_851 : vector<16xf32>
              %add3A_853 = arith.addf %add3A_845, %max3A_852 : vector<16xf32>
              %sub3A_854 = arith.subf %gather3A_763, %select_n3A_466 : vector<16xf32>
              %add3A_855 = arith.constant 5.000000e-01 : f32
              %add3A_856 = vector.broadcast %add3A_855 : f32 to vector<16xf32>
              %add3A_857 = arith.addf %sub3A_854, %add3A_856 : vector<16xf32>
              %max3A_858 = arith.constant 0.000000e+00 : f32
              %max3A_859 = vector.broadcast %max3A_858 : f32 to vector<16xf32>
              %max3A_860 = arith.maximumf %add3A_857, %max3A_859 : vector<16xf32>
              %add3A_861 = arith.addf %add3A_853, %max3A_860 : vector<16xf32>
              %sub3A_862 = arith.subf %gather3A_763, %select_n3A_485 : vector<16xf32>
              %add3A_863 = arith.constant 5.000000e-01 : f32
              %add3A_864 = vector.broadcast %add3A_863 : f32 to vector<16xf32>
              %add3A_865 = arith.addf %sub3A_862, %add3A_864 : vector<16xf32>
              %max3A_866 = arith.constant 0.000000e+00 : f32
              %max3A_867 = vector.broadcast %max3A_866 : f32 to vector<16xf32>
              %max3A_868 = arith.maximumf %add3A_865, %max3A_867 : vector<16xf32>
              %add3A_869 = arith.addf %add3A_861, %max3A_868 : vector<16xf32>
              %sub3A_870 = arith.subf %gather3A_763, %select_n3A_504 : vector<16xf32>
              %add3A_871 = arith.constant 5.000000e-01 : f32
              %add3A_872 = vector.broadcast %add3A_871 : f32 to vector<16xf32>
              %add3A_873 = arith.addf %sub3A_870, %add3A_872 : vector<16xf32>
              %max3A_874 = arith.constant 0.000000e+00 : f32
              %max3A_875 = vector.broadcast %max3A_874 : f32 to vector<16xf32>
              %max3A_876 = arith.maximumf %add3A_873, %max3A_875 : vector<16xf32>
              %add3A_877 = arith.addf %add3A_869, %max3A_876 : vector<16xf32>
              %sub3A_878 = arith.subf %gather3A_763, %select_n3A_523 : vector<16xf32>
              %add3A_879 = arith.constant 5.000000e-01 : f32
              %add3A_880 = vector.broadcast %add3A_879 : f32 to vector<16xf32>
              %add3A_881 = arith.addf %sub3A_878, %add3A_880 : vector<16xf32>
              %max3A_882 = arith.constant 0.000000e+00 : f32
              %max3A_883 = vector.broadcast %max3A_882 : f32 to vector<16xf32>
              %max3A_884 = arith.maximumf %add3A_881, %max3A_883 : vector<16xf32>
              %add3A_885 = arith.addf %add3A_877, %max3A_884 : vector<16xf32>
              %sub3A_886 = arith.subf %gather3A_763, %select_n3A_542 : vector<16xf32>
              %add3A_887 = arith.constant 5.000000e-01 : f32
              %add3A_888 = vector.broadcast %add3A_887 : f32 to vector<16xf32>
              %add3A_889 = arith.addf %sub3A_886, %add3A_888 : vector<16xf32>
              %max3A_890 = arith.constant 0.000000e+00 : f32
              %max3A_891 = vector.broadcast %max3A_890 : f32 to vector<16xf32>
              %max3A_892 = arith.maximumf %add3A_889, %max3A_891 : vector<16xf32>
              %add3A_893 = arith.addf %add3A_885, %max3A_892 : vector<16xf32>
              %sub3A_894 = arith.subf %gather3A_763, %select_n3A_561 : vector<16xf32>
              %add3A_895 = arith.constant 5.000000e-01 : f32
              %add3A_896 = vector.broadcast %add3A_895 : f32 to vector<16xf32>
              %add3A_897 = arith.addf %sub3A_894, %add3A_896 : vector<16xf32>
              %max3A_898 = arith.constant 0.000000e+00 : f32
              %max3A_899 = vector.broadcast %max3A_898 : f32 to vector<16xf32>
              %max3A_900 = arith.maximumf %add3A_897, %max3A_899 : vector<16xf32>
              %add3A_901 = arith.addf %add3A_893, %max3A_900 : vector<16xf32>
              %get3A_902 = arith.constant 0 : index
              %get3A_903 = tpu.vector_load %arg9[%get3A_902] {strides = array<i32>} : memref<16xf32, #tpu.memory_space<vmem>>, vector<16xf32>,
              %jit3A_904 = arith.constant 0.000000e+00 : f32
              %broadcast_in_dim3A_905 = vector.broadcast %jit3A_904 : f32 to vector<16xf32>
              %select_n3A_906 = arith.select %and3A_771, %add3A_901, %broadcast_in_dim3A_905 : vector<16xi1>, vector<16xf32>
              %add3A_907 = arith.addf %get3A_903, %select_n3A_906 : vector<16xf32>
              %swap3A_908 = arith.constant 0 : index
              %swap3A_909 = tpu.vector_load %arg9[%swap3A_908] {strides = array<i32>} : memref<16xf32, #tpu.memory_space<vmem>>, vector<16xf32>,
              tpu.vector_store %arg9[%swap3A_908], %add3A_907 {strides = array<i32>} : memref<16xf32, #tpu.memory_space<vmem>>, vector<16xf32>,
              %convert_element_type3A_910 = arith.extui %eq3A_764 : vector<16xi1> to vector<16xi32>
              %add3A_911 = arith.addi %scan3A_741, %convert_element_type3A_910 : vector<16xi32>
              %scan3A_912 = arith.constant 1 : i32
              %scan3A_913 = arith.addi %scan3A_740, %scan3A_912 : i32
              %min3A_914 = arith.constant 15 : i32
              %min3A_915 = arith.minsi %scan3A_913, %min3A_914 : i32
              %broadcast_in_dim3A_916 = vector.broadcast %scan3A_913 : i32 to vector<16xi32>
              %lt3A_917 = arith.constant 16 : i32
              %lt3A_918 = vector.broadcast %lt3A_917 : i32 to vector<16xi32>
              %lt3A_919 = arith.cmpi slt, %broadcast_in_dim3A_916, %lt3A_918 : vector<16xi32>
              %broadcast_in_dim3A_920 = vector.broadcast %min3A_915 : i32 to vector<16xi32>
              %lt3A_921 = arith.constant 0 : i32
              %lt3A_922 = vector.broadcast %lt3A_921 : i32 to vector<16xi32>
              %lt3A_923 = arith.cmpi slt, %broadcast_in_dim3A_920, %lt3A_922 : vector<16xi32>
              %add3A_924 = arith.constant 16 : i32
              %add3A_925 = vector.broadcast %add3A_924 : i32 to vector<16xi32>
              %add3A_926 = arith.addi %broadcast_in_dim3A_920, %add3A_925 : vector<16xi32>
              %select_n3A_927 = arith.select %lt3A_923, %add3A_926, %broadcast_in_dim3A_920 : vector<16xi1>, vector<16xi32>
              %reshape3A_928 = vector.shape_cast %select_n3A_927 : vector<16xi32> to vector<16x1xi32>
              %gather3A_929 = vector.shape_cast %reshape3A_928 : vector<16x1xi32> to vector<16xi32>
              %gather3A_930 = tpu.dynamic_gather %select_n3A_200[%gather3A_929] in [0] : vector<16xi32>, vector<16xi32> -> vector<16xi32>
              %select_n3A_931 = arith.select %lt3A_919, %gather3A_930, %select_n3A_204 : vector<16xi1>, vector<16xi32>
              %min3A_932 = arith.constant 63 : i32
              %min3A_933 = vector.broadcast %min3A_932 : i32 to vector<16xi32>
              %min3A_934 = arith.minsi %select_n3A_931, %min3A_933 : vector<16xi32>
              %gather3A_935 = tpu.vector_load_idx %arg8[%add3A_259, %min3A_934] : memref<64x64xf32, #tpu.memory_space<vmem>>[vector<16xi32>, vector<16xi32>], vector<16xf32>,
              %eq3A_936 = arith.cmpi eq, %select_n3A_931, %add3A_259 : vector<16xi32>
              %not3A_937 = arith.constant dense<true> : vector<16xi1>
              %not3A_938 = arith.xori %eq3A_936, %not3A_937 : vector<16xi1>
              %and3A_939 = arith.andi %eq3A_241, %not3A_938 : vector<16xi1>
              %broadcast_in_dim3A_940 = vector.broadcast %scan3A_913 : i32 to vector<16xi32>
              %sub3A_941 = arith.subi %broadcast_in_dim3A_940, %add3A_911 : vector<16xi32>
              %lt3A_942 = arith.cmpi slt, %sub3A_941, %min3A_105 : vector<16xi32>
              %and3A_943 = arith.andi %and3A_939, %lt3A_942 : vector<16xi1>
              %broadcast_in_dim3A_944 = arith.constant 0.000000e+00 : f32
              %broadcast_in_dim3A_945 = vector.broadcast %broadcast_in_dim3A_944 : f32 to vector<16xf32>
              %sub3A_946 = arith.subf %gather3A_935, %select_n3A_276 : vector<16xf32>
              %add3A_947 = arith.constant 5.000000e-01 : f32
              %add3A_948 = vector.broadcast %add3A_947 : f32 to vector<16xf32>
              %add3A_949 = arith.addf %sub3A_946, %add3A_948 : vector<16xf32>
              %max3A_950 = arith.constant 0.000000e+00 : f32
              %max3A_951 = vector.broadcast %max3A_950 : f32 to vector<16xf32>
              %max3A_952 = arith.maximumf %add3A_949, %max3A_951 : vector<16xf32>
              %add3A_953 = arith.addf %broadcast_in_dim3A_945, %max3A_952 : vector<16xf32>
              %sub3A_954 = arith.subf %gather3A_935, %select_n3A_295 : vector<16xf32>
              %add3A_955 = arith.constant 5.000000e-01 : f32
              %add3A_956 = vector.broadcast %add3A_955 : f32 to vector<16xf32>
              %add3A_957 = arith.addf %sub3A_954, %add3A_956 : vector<16xf32>
              %max3A_958 = arith.constant 0.000000e+00 : f32
              %max3A_959 = vector.broadcast %max3A_958 : f32 to vector<16xf32>
              %max3A_960 = arith.maximumf %add3A_957, %max3A_959 : vector<16xf32>
              %add3A_961 = arith.addf %add3A_953, %max3A_960 : vector<16xf32>
              %sub3A_962 = arith.subf %gather3A_935, %select_n3A_314 : vector<16xf32>
              %add3A_963 = arith.constant 5.000000e-01 : f32
              %add3A_964 = vector.broadcast %add3A_963 : f32 to vector<16xf32>
              %add3A_965 = arith.addf %sub3A_962, %add3A_964 : vector<16xf32>
              %max3A_966 = arith.constant 0.000000e+00 : f32
              %max3A_967 = vector.broadcast %max3A_966 : f32 to vector<16xf32>
              %max3A_968 = arith.maximumf %add3A_965, %max3A_967 : vector<16xf32>
              %add3A_969 = arith.addf %add3A_961, %max3A_968 : vector<16xf32>
              %sub3A_970 = arith.subf %gather3A_935, %select_n3A_333 : vector<16xf32>
              %add3A_971 = arith.constant 5.000000e-01 : f32
              %add3A_972 = vector.broadcast %add3A_971 : f32 to vector<16xf32>
              %add3A_973 = arith.addf %sub3A_970, %add3A_972 : vector<16xf32>
              %max3A_974 = arith.constant 0.000000e+00 : f32
              %max3A_975 = vector.broadcast %max3A_974 : f32 to vector<16xf32>
              %max3A_976 = arith.maximumf %add3A_973, %max3A_975 : vector<16xf32>
              %add3A_977 = arith.addf %add3A_969, %max3A_976 : vector<16xf32>
              %sub3A_978 = arith.subf %gather3A_935, %select_n3A_352 : vector<16xf32>
              %add3A_979 = arith.constant 5.000000e-01 : f32
              %add3A_980 = vector.broadcast %add3A_979 : f32 to vector<16xf32>
              %add3A_981 = arith.addf %sub3A_978, %add3A_980 : vector<16xf32>
              %max3A_982 = arith.constant 0.000000e+00 : f32
              %max3A_983 = vector.broadcast %max3A_982 : f32 to vector<16xf32>
              %max3A_984 = arith.maximumf %add3A_981, %max3A_983 : vector<16xf32>
              %add3A_985 = arith.addf %add3A_977, %max3A_984 : vector<16xf32>
              %sub3A_986 = arith.subf %gather3A_935, %select_n3A_371 : vector<16xf32>
              %add3A_987 = arith.constant 5.000000e-01 : f32
              %add3A_988 = vector.broadcast %add3A_987 : f32 to vector<16xf32>
              %add3A_989 = arith.addf %sub3A_986, %add3A_988 : vector<16xf32>
              %max3A_990 = arith.constant 0.000000e+00 : f32
              %max3A_991 = vector.broadcast %max3A_990 : f32 to vector<16xf32>
              %max3A_992 = arith.maximumf %add3A_989, %max3A_991 : vector<16xf32>
              %add3A_993 = arith.addf %add3A_985, %max3A_992 : vector<16xf32>
              %sub3A_994 = arith.subf %gather3A_935, %select_n3A_390 : vector<16xf32>
              %add3A_995 = arith.constant 5.000000e-01 : f32
              %add3A_996 = vector.broadcast %add3A_995 : f32 to vector<16xf32>
              %add3A_997 = arith.addf %sub3A_994, %add3A_996 : vector<16xf32>
              %max3A_998 = arith.constant 0.000000e+00 : f32
              %max3A_999 = vector.broadcast %max3A_998 : f32 to vector<16xf32>
              %max3A_1000 = arith.maximumf %add3A_997, %max3A_999 : vector<16xf32>
              %add3A_1001 = arith.addf %add3A_993, %max3A_1000 : vector<16xf32>
              %sub3A_1002 = arith.subf %gather3A_935, %select_n3A_409 : vector<16xf32>
              %add3A_1003 = arith.constant 5.000000e-01 : f32
              %add3A_1004 = vector.broadcast %add3A_1003 : f32 to vector<16xf32>
              %add3A_1005 = arith.addf %sub3A_1002, %add3A_1004 : vector<16xf32>
              %max3A_1006 = arith.constant 0.000000e+00 : f32
              %max3A_1007 = vector.broadcast %max3A_1006 : f32 to vector<16xf32>
              %max3A_1008 = arith.maximumf %add3A_1005, %max3A_1007 : vector<16xf32>
              %add3A_1009 = arith.addf %add3A_1001, %max3A_1008 : vector<16xf32>
              %sub3A_1010 = arith.subf %gather3A_935, %select_n3A_428 : vector<16xf32>
              %add3A_1011 = arith.constant 5.000000e-01 : f32
              %add3A_1012 = vector.broadcast %add3A_1011 : f32 to vector<16xf32>
              %add3A_1013 = arith.addf %sub3A_1010, %add3A_1012 : vector<16xf32>
              %max3A_1014 = arith.constant 0.000000e+00 : f32
              %max3A_1015 = vector.broadcast %max3A_1014 : f32 to vector<16xf32>
              %max3A_1016 = arith.maximumf %add3A_1013, %max3A_1015 : vector<16xf32>
              %add3A_1017 = arith.addf %add3A_1009, %max3A_1016 : vector<16xf32>
              %sub3A_1018 = arith.subf %gather3A_935, %select_n3A_447 : vector<16xf32>
              %add3A_1019 = arith.constant 5.000000e-01 : f32
              %add3A_1020 = vector.broadcast %add3A_1019 : f32 to vector<16xf32>
              %add3A_1021 = arith.addf %sub3A_1018, %add3A_1020 : vector<16xf32>
              %max3A_1022 = arith.constant 0.000000e+00 : f32
              %max3A_1023 = vector.broadcast %max3A_1022 : f32 to vector<16xf32>
              %max3A_1024 = arith.maximumf %add3A_1021, %max3A_1023 : vector<16xf32>
              %add3A_1025 = arith.addf %add3A_1017, %max3A_1024 : vector<16xf32>
              %sub3A_1026 = arith.subf %gather3A_935, %select_n3A_466 : vector<16xf32>
              %add3A_1027 = arith.constant 5.000000e-01 : f32
              %add3A_1028 = vector.broadcast %add3A_1027 : f32 to vector<16xf32>
              %add3A_1029 = arith.addf %sub3A_1026, %add3A_1028 : vector<16xf32>
              %max3A_1030 = arith.constant 0.000000e+00 : f32
              %max3A_1031 = vector.broadcast %max3A_1030 : f32 to vector<16xf32>
              %max3A_1032 = arith.maximumf %add3A_1029, %max3A_1031 : vector<16xf32>
              %add3A_1033 = arith.addf %add3A_1025, %max3A_1032 : vector<16xf32>
              %sub3A_1034 = arith.subf %gather3A_935, %select_n3A_485 : vector<16xf32>
              %add3A_1035 = arith.constant 5.000000e-01 : f32
              %add3A_1036 = vector.broadcast %add3A_1035 : f32 to vector<16xf32>
              %add3A_1037 = arith.addf %sub3A_1034, %add3A_1036 : vector<16xf32>
              %max3A_1038 = arith.constant 0.000000e+00 : f32
              %max3A_1039 = vector.broadcast %max3A_1038 : f32 to vector<16xf32>
              %max3A_1040 = arith.maximumf %add3A_1037, %max3A_1039 : vector<16xf32>
              %add3A_1041 = arith.addf %add3A_1033, %max3A_1040 : vector<16xf32>
              %sub3A_1042 = arith.subf %gather3A_935, %select_n3A_504 : vector<16xf32>
              %add3A_1043 = arith.constant 5.000000e-01 : f32
              %add3A_1044 = vector.broadcast %add3A_1043 : f32 to vector<16xf32>
              %add3A_1045 = arith.addf %sub3A_1042, %add3A_1044 : vector<16xf32>
              %max3A_1046 = arith.constant 0.000000e+00 : f32
              %max3A_1047 = vector.broadcast %max3A_1046 : f32 to vector<16xf32>
              %max3A_1048 = arith.maximumf %add3A_1045, %max3A_1047 : vector<16xf32>
              %add3A_1049 = arith.addf %add3A_1041, %max3A_1048 : vector<16xf32>
              %sub3A_1050 = arith.subf %gather3A_935, %select_n3A_523 : vector<16xf32>
              %add3A_1051 = arith.constant 5.000000e-01 : f32
              %add3A_1052 = vector.broadcast %add3A_1051 : f32 to vector<16xf32>
              %add3A_1053 = arith.addf %sub3A_1050, %add3A_1052 : vector<16xf32>
              %max3A_1054 = arith.constant 0.000000e+00 : f32
              %max3A_1055 = vector.broadcast %max3A_1054 : f32 to vector<16xf32>
              %max3A_1056 = arith.maximumf %add3A_1053, %max3A_1055 : vector<16xf32>
              %add3A_1057 = arith.addf %add3A_1049, %max3A_1056 : vector<16xf32>
              %sub3A_1058 = arith.subf %gather3A_935, %select_n3A_542 : vector<16xf32>
              %add3A_1059 = arith.constant 5.000000e-01 : f32
              %add3A_1060 = vector.broadcast %add3A_1059 : f32 to vector<16xf32>
              %add3A_1061 = arith.addf %sub3A_1058, %add3A_1060 : vector<16xf32>
              %max3A_1062 = arith.constant 0.000000e+00 : f32
              %max3A_1063 = vector.broadcast %max3A_1062 : f32 to vector<16xf32>
              %max3A_1064 = arith.maximumf %add3A_1061, %max3A_1063 : vector<16xf32>
              %add3A_1065 = arith.addf %add3A_1057, %max3A_1064 : vector<16xf32>
              %sub3A_1066 = arith.subf %gather3A_935, %select_n3A_561 : vector<16xf32>
              %add3A_1067 = arith.constant 5.000000e-01 : f32
              %add3A_1068 = vector.broadcast %add3A_1067 : f32 to vector<16xf32>
              %add3A_1069 = arith.addf %sub3A_1066, %add3A_1068 : vector<16xf32>
              %max3A_1070 = arith.constant 0.000000e+00 : f32
              %max3A_1071 = vector.broadcast %max3A_1070 : f32 to vector<16xf32>
              %max3A_1072 = arith.maximumf %add3A_1069, %max3A_1071 : vector<16xf32>
              %add3A_1073 = arith.addf %add3A_1065, %max3A_1072 : vector<16xf32>
              %get3A_1074 = arith.constant 0 : index
              %get3A_1075 = tpu.vector_load %arg9[%get3A_1074] {strides = array<i32>} : memref<16xf32, #tpu.memory_space<vmem>>, vector<16xf32>,
              %jit3A_1076 = arith.constant 0.000000e+00 : f32
              %broadcast_in_dim3A_1077 = vector.broadcast %jit3A_1076 : f32 to vector<16xf32>
              %select_n3A_1078 = arith.select %and3A_943, %add3A_1073, %broadcast_in_dim3A_1077 : vector<16xi1>, vector<16xf32>
              %add3A_1079 = arith.addf %get3A_1075, %select_n3A_1078 : vector<16xf32>
              %swap3A_1080 = arith.constant 0 : index
              %swap3A_1081 = tpu.vector_load %arg9[%swap3A_1080] {strides = array<i32>} : memref<16xf32, #tpu.memory_space<vmem>>, vector<16xf32>,
              tpu.vector_store %arg9[%swap3A_1080], %add3A_1079 {strides = array<i32>} : memref<16xf32, #tpu.memory_space<vmem>>, vector<16xf32>,
              %convert_element_type3A_1082 = arith.extui %eq3A_936 : vector<16xi1> to vector<16xi32>
              %add3A_1083 = arith.addi %add3A_911, %convert_element_type3A_1082 : vector<16xi32>
              %scan3A_1084 = arith.constant 2 : i32
              %scan3A_1085 = arith.addi %scan3A_740, %scan3A_1084 : i32
              %min3A_1086 = arith.constant 15 : i32
              %min3A_1087 = arith.minsi %scan3A_1085, %min3A_1086 : i32
              %broadcast_in_dim3A_1088 = vector.broadcast %scan3A_1085 : i32 to vector<16xi32>
              %lt3A_1089 = arith.constant 16 : i32
              %lt3A_1090 = vector.broadcast %lt3A_1089 : i32 to vector<16xi32>
              %lt3A_1091 = arith.cmpi slt, %broadcast_in_dim3A_1088, %lt3A_1090 : vector<16xi32>
              %broadcast_in_dim3A_1092 = vector.broadcast %min3A_1087 : i32 to vector<16xi32>
              %lt3A_1093 = arith.constant 0 : i32
              %lt3A_1094 = vector.broadcast %lt3A_1093 : i32 to vector<16xi32>
              %lt3A_1095 = arith.cmpi slt, %broadcast_in_dim3A_1092, %lt3A_1094 : vector<16xi32>
              %add3A_1096 = arith.constant 16 : i32
              %add3A_1097 = vector.broadcast %add3A_1096 : i32 to vector<16xi32>
              %add3A_1098 = arith.addi %broadcast_in_dim3A_1092, %add3A_1097 : vector<16xi32>
              %select_n3A_1099 = arith.select %lt3A_1095, %add3A_1098, %broadcast_in_dim3A_1092 : vector<16xi1>, vector<16xi32>
              %reshape3A_1100 = vector.shape_cast %select_n3A_1099 : vector<16xi32> to vector<16x1xi32>
              %gather3A_1101 = vector.shape_cast %reshape3A_1100 : vector<16x1xi32> to vector<16xi32>
              %gather3A_1102 = tpu.dynamic_gather %select_n3A_200[%gather3A_1101] in [0] : vector<16xi32>, vector<16xi32> -> vector<16xi32>
              %select_n3A_1103 = arith.select %lt3A_1091, %gather3A_1102, %select_n3A_204 : vector<16xi1>, vector<16xi32>
              %min3A_1104 = arith.constant 63 : i32
              %min3A_1105 = vector.broadcast %min3A_1104 : i32 to vector<16xi32>
              %min3A_1106 = arith.minsi %select_n3A_1103, %min3A_1105 : vector<16xi32>
              %gather3A_1107 = tpu.vector_load_idx %arg8[%add3A_259, %min3A_1106] : memref<64x64xf32, #tpu.memory_space<vmem>>[vector<16xi32>, vector<16xi32>], vector<16xf32>,
              %eq3A_1108 = arith.cmpi eq, %select_n3A_1103, %add3A_259 : vector<16xi32>
              %not3A_1109 = arith.constant dense<true> : vector<16xi1>
              %not3A_1110 = arith.xori %eq3A_1108, %not3A_1109 : vector<16xi1>
              %and3A_1111 = arith.andi %eq3A_241, %not3A_1110 : vector<16xi1>
              %broadcast_in_dim3A_1112 = vector.broadcast %scan3A_1085 : i32 to vector<16xi32>
              %sub3A_1113 = arith.subi %broadcast_in_dim3A_1112, %add3A_1083 : vector<16xi32>
              %lt3A_1114 = arith.cmpi slt, %sub3A_1113, %min3A_105 : vector<16xi32>
              %and3A_1115 = arith.andi %and3A_1111, %lt3A_1114 : vector<16xi1>
              %broadcast_in_dim3A_1116 = arith.constant 0.000000e+00 : f32
              %broadcast_in_dim3A_1117 = vector.broadcast %broadcast_in_dim3A_1116 : f32 to vector<16xf32>
              %sub3A_1118 = arith.subf %gather3A_1107, %select_n3A_276 : vector<16xf32>
              %add3A_1119 = arith.constant 5.000000e-01 : f32
              %add3A_1120 = vector.broadcast %add3A_1119 : f32 to vector<16xf32>
              %add3A_1121 = arith.addf %sub3A_1118, %add3A_1120 : vector<16xf32>
              %max3A_1122 = arith.constant 0.000000e+00 : f32
              %max3A_1123 = vector.broadcast %max3A_1122 : f32 to vector<16xf32>
              %max3A_1124 = arith.maximumf %add3A_1121, %max3A_1123 : vector<16xf32>
              %add3A_1125 = arith.addf %broadcast_in_dim3A_1117, %max3A_1124 : vector<16xf32>
              %sub3A_1126 = arith.subf %gather3A_1107, %select_n3A_295 : vector<16xf32>
              %add3A_1127 = arith.constant 5.000000e-01 : f32
              %add3A_1128 = vector.broadcast %add3A_1127 : f32 to vector<16xf32>
              %add3A_1129 = arith.addf %sub3A_1126, %add3A_1128 : vector<16xf32>
              %max3A_1130 = arith.constant 0.000000e+00 : f32
              %max3A_1131 = vector.broadcast %max3A_1130 : f32 to vector<16xf32>
              %max3A_1132 = arith.maximumf %add3A_1129, %max3A_1131 : vector<16xf32>
              %add3A_1133 = arith.addf %add3A_1125, %max3A_1132 : vector<16xf32>
              %sub3A_1134 = arith.subf %gather3A_1107, %select_n3A_314 : vector<16xf32>
              %add3A_1135 = arith.constant 5.000000e-01 : f32
              %add3A_1136 = vector.broadcast %add3A_1135 : f32 to vector<16xf32>
              %add3A_1137 = arith.addf %sub3A_1134, %add3A_1136 : vector<16xf32>
              %max3A_1138 = arith.constant 0.000000e+00 : f32
              %max3A_1139 = vector.broadcast %max3A_1138 : f32 to vector<16xf32>
              %max3A_1140 = arith.maximumf %add3A_1137, %max3A_1139 : vector<16xf32>
              %add3A_1141 = arith.addf %add3A_1133, %max3A_1140 : vector<16xf32>
              %sub3A_1142 = arith.subf %gather3A_1107, %select_n3A_333 : vector<16xf32>
              %add3A_1143 = arith.constant 5.000000e-01 : f32
              %add3A_1144 = vector.broadcast %add3A_1143 : f32 to vector<16xf32>
              %add3A_1145 = arith.addf %sub3A_1142, %add3A_1144 : vector<16xf32>
              %max3A_1146 = arith.constant 0.000000e+00 : f32
              %max3A_1147 = vector.broadcast %max3A_1146 : f32 to vector<16xf32>
              %max3A_1148 = arith.maximumf %add3A_1145, %max3A_1147 : vector<16xf32>
              %add3A_1149 = arith.addf %add3A_1141, %max3A_1148 : vector<16xf32>
              %sub3A_1150 = arith.subf %gather3A_1107, %select_n3A_352 : vector<16xf32>
              %add3A_1151 = arith.constant 5.000000e-01 : f32
              %add3A_1152 = vector.broadcast %add3A_1151 : f32 to vector<16xf32>
              %add3A_1153 = arith.addf %sub3A_1150, %add3A_1152 : vector<16xf32>
              %max3A_1154 = arith.constant 0.000000e+00 : f32
              %max3A_1155 = vector.broadcast %max3A_1154 : f32 to vector<16xf32>
              %max3A_1156 = arith.maximumf %add3A_1153, %max3A_1155 : vector<16xf32>
              %add3A_1157 = arith.addf %add3A_1149, %max3A_1156 : vector<16xf32>
              %sub3A_1158 = arith.subf %gather3A_1107, %select_n3A_371 : vector<16xf32>
              %add3A_1159 = arith.constant 5.000000e-01 : f32
              %add3A_1160 = vector.broadcast %add3A_1159 : f32 to vector<16xf32>
              %add3A_1161 = arith.addf %sub3A_1158, %add3A_1160 : vector<16xf32>
              %max3A_1162 = arith.constant 0.000000e+00 : f32
              %max3A_1163 = vector.broadcast %max3A_1162 : f32 to vector<16xf32>
              %max3A_1164 = arith.maximumf %add3A_1161, %max3A_1163 : vector<16xf32>
              %add3A_1165 = arith.addf %add3A_1157, %max3A_1164 : vector<16xf32>
              %sub3A_1166 = arith.subf %gather3A_1107, %select_n3A_390 : vector<16xf32>
              %add3A_1167 = arith.constant 5.000000e-01 : f32
              %add3A_1168 = vector.broadcast %add3A_1167 : f32 to vector<16xf32>
              %add3A_1169 = arith.addf %sub3A_1166, %add3A_1168 : vector<16xf32>
              %max3A_1170 = arith.constant 0.000000e+00 : f32
              %max3A_1171 = vector.broadcast %max3A_1170 : f32 to vector<16xf32>
              %max3A_1172 = arith.maximumf %add3A_1169, %max3A_1171 : vector<16xf32>
              %add3A_1173 = arith.addf %add3A_1165, %max3A_1172 : vector<16xf32>
              %sub3A_1174 = arith.subf %gather3A_1107, %select_n3A_409 : vector<16xf32>
              %add3A_1175 = arith.constant 5.000000e-01 : f32
              %add3A_1176 = vector.broadcast %add3A_1175 : f32 to vector<16xf32>
              %add3A_1177 = arith.addf %sub3A_1174, %add3A_1176 : vector<16xf32>
              %max3A_1178 = arith.constant 0.000000e+00 : f32
              %max3A_1179 = vector.broadcast %max3A_1178 : f32 to vector<16xf32>
              %max3A_1180 = arith.maximumf %add3A_1177, %max3A_1179 : vector<16xf32>
              %add3A_1181 = arith.addf %add3A_1173, %max3A_1180 : vector<16xf32>
              %sub3A_1182 = arith.subf %gather3A_1107, %select_n3A_428 : vector<16xf32>
              %add3A_1183 = arith.constant 5.000000e-01 : f32
              %add3A_1184 = vector.broadcast %add3A_1183 : f32 to vector<16xf32>
              %add3A_1185 = arith.addf %sub3A_1182, %add3A_1184 : vector<16xf32>
              %max3A_1186 = arith.constant 0.000000e+00 : f32
              %max3A_1187 = vector.broadcast %max3A_1186 : f32 to vector<16xf32>
              %max3A_1188 = arith.maximumf %add3A_1185, %max3A_1187 : vector<16xf32>
              %add3A_1189 = arith.addf %add3A_1181, %max3A_1188 : vector<16xf32>
              %sub3A_1190 = arith.subf %gather3A_1107, %select_n3A_447 : vector<16xf32>
              %add3A_1191 = arith.constant 5.000000e-01 : f32
              %add3A_1192 = vector.broadcast %add3A_1191 : f32 to vector<16xf32>
              %add3A_1193 = arith.addf %sub3A_1190, %add3A_1192 : vector<16xf32>
              %max3A_1194 = arith.constant 0.000000e+00 : f32
              %max3A_1195 = vector.broadcast %max3A_1194 : f32 to vector<16xf32>
              %max3A_1196 = arith.maximumf %add3A_1193, %max3A_1195 : vector<16xf32>
              %add3A_1197 = arith.addf %add3A_1189, %max3A_1196 : vector<16xf32>
              %sub3A_1198 = arith.subf %gather3A_1107, %select_n3A_466 : vector<16xf32>
              %add3A_1199 = arith.constant 5.000000e-01 : f32
              %add3A_1200 = vector.broadcast %add3A_1199 : f32 to vector<16xf32>
              %add3A_1201 = arith.addf %sub3A_1198, %add3A_1200 : vector<16xf32>
              %max3A_1202 = arith.constant 0.000000e+00 : f32
              %max3A_1203 = vector.broadcast %max3A_1202 : f32 to vector<16xf32>
              %max3A_1204 = arith.maximumf %add3A_1201, %max3A_1203 : vector<16xf32>
              %add3A_1205 = arith.addf %add3A_1197, %max3A_1204 : vector<16xf32>
              %sub3A_1206 = arith.subf %gather3A_1107, %select_n3A_485 : vector<16xf32>
              %add3A_1207 = arith.constant 5.000000e-01 : f32
              %add3A_1208 = vector.broadcast %add3A_1207 : f32 to vector<16xf32>
              %add3A_1209 = arith.addf %sub3A_1206, %add3A_1208 : vector<16xf32>
              %max3A_1210 = arith.constant 0.000000e+00 : f32
              %max3A_1211 = vector.broadcast %max3A_1210 : f32 to vector<16xf32>
              %max3A_1212 = arith.maximumf %add3A_1209, %max3A_1211 : vector<16xf32>
              %add3A_1213 = arith.addf %add3A_1205, %max3A_1212 : vector<16xf32>
              %sub3A_1214 = arith.subf %gather3A_1107, %select_n3A_504 : vector<16xf32>
              %add3A_1215 = arith.constant 5.000000e-01 : f32
              %add3A_1216 = vector.broadcast %add3A_1215 : f32 to vector<16xf32>
              %add3A_1217 = arith.addf %sub3A_1214, %add3A_1216 : vector<16xf32>
              %max3A_1218 = arith.constant 0.000000e+00 : f32
              %max3A_1219 = vector.broadcast %max3A_1218 : f32 to vector<16xf32>
              %max3A_1220 = arith.maximumf %add3A_1217, %max3A_1219 : vector<16xf32>
              %add3A_1221 = arith.addf %add3A_1213, %max3A_1220 : vector<16xf32>
              %sub3A_1222 = arith.subf %gather3A_1107, %select_n3A_523 : vector<16xf32>
              %add3A_1223 = arith.constant 5.000000e-01 : f32
              %add3A_1224 = vector.broadcast %add3A_1223 : f32 to vector<16xf32>
              %add3A_1225 = arith.addf %sub3A_1222, %add3A_1224 : vector<16xf32>
              %max3A_1226 = arith.constant 0.000000e+00 : f32
              %max3A_1227 = vector.broadcast %max3A_1226 : f32 to vector<16xf32>
              %max3A_1228 = arith.maximumf %add3A_1225, %max3A_1227 : vector<16xf32>
              %add3A_1229 = arith.addf %add3A_1221, %max3A_1228 : vector<16xf32>
              %sub3A_1230 = arith.subf %gather3A_1107, %select_n3A_542 : vector<16xf32>
              %add3A_1231 = arith.constant 5.000000e-01 : f32
              %add3A_1232 = vector.broadcast %add3A_1231 : f32 to vector<16xf32>
              %add3A_1233 = arith.addf %sub3A_1230, %add3A_1232 : vector<16xf32>
              %max3A_1234 = arith.constant 0.000000e+00 : f32
              %max3A_1235 = vector.broadcast %max3A_1234 : f32 to vector<16xf32>
              %max3A_1236 = arith.maximumf %add3A_1233, %max3A_1235 : vector<16xf32>
              %add3A_1237 = arith.addf %add3A_1229, %max3A_1236 : vector<16xf32>
              %sub3A_1238 = arith.subf %gather3A_1107, %select_n3A_561 : vector<16xf32>
              %add3A_1239 = arith.constant 5.000000e-01 : f32
              %add3A_1240 = vector.broadcast %add3A_1239 : f32 to vector<16xf32>
              %add3A_1241 = arith.addf %sub3A_1238, %add3A_1240 : vector<16xf32>
              %max3A_1242 = arith.constant 0.000000e+00 : f32
              %max3A_1243 = vector.broadcast %max3A_1242 : f32 to vector<16xf32>
              %max3A_1244 = arith.maximumf %add3A_1241, %max3A_1243 : vector<16xf32>
              %add3A_1245 = arith.addf %add3A_1237, %max3A_1244 : vector<16xf32>
              %get3A_1246 = arith.constant 0 : index
              %get3A_1247 = tpu.vector_load %arg9[%get3A_1246] {strides = array<i32>} : memref<16xf32, #tpu.memory_space<vmem>>, vector<16xf32>,
              %jit3A_1248 = arith.constant 0.000000e+00 : f32
              %broadcast_in_dim3A_1249 = vector.broadcast %jit3A_1248 : f32 to vector<16xf32>
              %select_n3A_1250 = arith.select %and3A_1115, %add3A_1245, %broadcast_in_dim3A_1249 : vector<16xi1>, vector<16xf32>
              %add3A_1251 = arith.addf %get3A_1247, %select_n3A_1250 : vector<16xf32>
              %swap3A_1252 = arith.constant 0 : index
              %swap3A_1253 = tpu.vector_load %arg9[%swap3A_1252] {strides = array<i32>} : memref<16xf32, #tpu.memory_space<vmem>>, vector<16xf32>,
              tpu.vector_store %arg9[%swap3A_1252], %add3A_1251 {strides = array<i32>} : memref<16xf32, #tpu.memory_space<vmem>>, vector<16xf32>,
              %convert_element_type3A_1254 = arith.extui %eq3A_1108 : vector<16xi1> to vector<16xi32>
              %add3A_1255 = arith.addi %add3A_1083, %convert_element_type3A_1254 : vector<16xi32>
              %scan3A_1256 = arith.constant 3 : i32
              %scan3A_1257 = arith.addi %scan3A_740, %scan3A_1256 : i32
              %min3A_1258 = arith.constant 15 : i32
              %min3A_1259 = arith.minsi %scan3A_1257, %min3A_1258 : i32
              %broadcast_in_dim3A_1260 = vector.broadcast %scan3A_1257 : i32 to vector<16xi32>
              %lt3A_1261 = arith.constant 16 : i32
              %lt3A_1262 = vector.broadcast %lt3A_1261 : i32 to vector<16xi32>
              %lt3A_1263 = arith.cmpi slt, %broadcast_in_dim3A_1260, %lt3A_1262 : vector<16xi32>
              %broadcast_in_dim3A_1264 = vector.broadcast %min3A_1259 : i32 to vector<16xi32>
              %lt3A_1265 = arith.constant 0 : i32
              %lt3A_1266 = vector.broadcast %lt3A_1265 : i32 to vector<16xi32>
              %lt3A_1267 = arith.cmpi slt, %broadcast_in_dim3A_1264, %lt3A_1266 : vector<16xi32>
              %add3A_1268 = arith.constant 16 : i32
              %add3A_1269 = vector.broadcast %add3A_1268 : i32 to vector<16xi32>
              %add3A_1270 = arith.addi %broadcast_in_dim3A_1264, %add3A_1269 : vector<16xi32>
              %select_n3A_1271 = arith.select %lt3A_1267, %add3A_1270, %broadcast_in_dim3A_1264 : vector<16xi1>, vector<16xi32>
              %reshape3A_1272 = vector.shape_cast %select_n3A_1271 : vector<16xi32> to vector<16x1xi32>
              %gather3A_1273 = vector.shape_cast %reshape3A_1272 : vector<16x1xi32> to vector<16xi32>
              %gather3A_1274 = tpu.dynamic_gather %select_n3A_200[%gather3A_1273] in [0] : vector<16xi32>, vector<16xi32> -> vector<16xi32>
              %select_n3A_1275 = arith.select %lt3A_1263, %gather3A_1274, %select_n3A_204 : vector<16xi1>, vector<16xi32>
              %min3A_1276 = arith.constant 63 : i32
              %min3A_1277 = vector.broadcast %min3A_1276 : i32 to vector<16xi32>
              %min3A_1278 = arith.minsi %select_n3A_1275, %min3A_1277 : vector<16xi32>
              %gather3A_1279 = tpu.vector_load_idx %arg8[%add3A_259, %min3A_1278] : memref<64x64xf32, #tpu.memory_space<vmem>>[vector<16xi32>, vector<16xi32>], vector<16xf32>,
              %eq3A_1280 = arith.cmpi eq, %select_n3A_1275, %add3A_259 : vector<16xi32>
              %not3A_1281 = arith.constant dense<true> : vector<16xi1>
              %not3A_1282 = arith.xori %eq3A_1280, %not3A_1281 : vector<16xi1>
              %and3A_1283 = arith.andi %eq3A_241, %not3A_1282 : vector<16xi1>
              %broadcast_in_dim3A_1284 = vector.broadcast %scan3A_1257 : i32 to vector<16xi32>
              %sub3A_1285 = arith.subi %broadcast_in_dim3A_1284, %add3A_1255 : vector<16xi32>
              %lt3A_1286 = arith.cmpi slt, %sub3A_1285, %min3A_105 : vector<16xi32>
              %and3A_1287 = arith.andi %and3A_1283, %lt3A_1286 : vector<16xi1>
              %broadcast_in_dim3A_1288 = arith.constant 0.000000e+00 : f32
              %broadcast_in_dim3A_1289 = vector.broadcast %broadcast_in_dim3A_1288 : f32 to vector<16xf32>
              %sub3A_1290 = arith.subf %gather3A_1279, %select_n3A_276 : vector<16xf32>
              %add3A_1291 = arith.constant 5.000000e-01 : f32
              %add3A_1292 = vector.broadcast %add3A_1291 : f32 to vector<16xf32>
              %add3A_1293 = arith.addf %sub3A_1290, %add3A_1292 : vector<16xf32>
              %max3A_1294 = arith.constant 0.000000e+00 : f32
              %max3A_1295 = vector.broadcast %max3A_1294 : f32 to vector<16xf32>
              %max3A_1296 = arith.maximumf %add3A_1293, %max3A_1295 : vector<16xf32>
              %add3A_1297 = arith.addf %broadcast_in_dim3A_1289, %max3A_1296 : vector<16xf32>
              %sub3A_1298 = arith.subf %gather3A_1279, %select_n3A_295 : vector<16xf32>
              %add3A_1299 = arith.constant 5.000000e-01 : f32
              %add3A_1300 = vector.broadcast %add3A_1299 : f32 to vector<16xf32>
              %add3A_1301 = arith.addf %sub3A_1298, %add3A_1300 : vector<16xf32>
              %max3A_1302 = arith.constant 0.000000e+00 : f32
              %max3A_1303 = vector.broadcast %max3A_1302 : f32 to vector<16xf32>
              %max3A_1304 = arith.maximumf %add3A_1301, %max3A_1303 : vector<16xf32>
              %add3A_1305 = arith.addf %add3A_1297, %max3A_1304 : vector<16xf32>
              %sub3A_1306 = arith.subf %gather3A_1279, %select_n3A_314 : vector<16xf32>
              %add3A_1307 = arith.constant 5.000000e-01 : f32
              %add3A_1308 = vector.broadcast %add3A_1307 : f32 to vector<16xf32>
              %add3A_1309 = arith.addf %sub3A_1306, %add3A_1308 : vector<16xf32>
              %max3A_1310 = arith.constant 0.000000e+00 : f32
              %max3A_1311 = vector.broadcast %max3A_1310 : f32 to vector<16xf32>
              %max3A_1312 = arith.maximumf %add3A_1309, %max3A_1311 : vector<16xf32>
              %add3A_1313 = arith.addf %add3A_1305, %max3A_1312 : vector<16xf32>
              %sub3A_1314 = arith.subf %gather3A_1279, %select_n3A_333 : vector<16xf32>
              %add3A_1315 = arith.constant 5.000000e-01 : f32
              %add3A_1316 = vector.broadcast %add3A_1315 : f32 to vector<16xf32>
              %add3A_1317 = arith.addf %sub3A_1314, %add3A_1316 : vector<16xf32>
              %max3A_1318 = arith.constant 0.000000e+00 : f32
              %max3A_1319 = vector.broadcast %max3A_1318 : f32 to vector<16xf32>
              %max3A_1320 = arith.maximumf %add3A_1317, %max3A_1319 : vector<16xf32>
              %add3A_1321 = arith.addf %add3A_1313, %max3A_1320 : vector<16xf32>
              %sub3A_1322 = arith.subf %gather3A_1279, %select_n3A_352 : vector<16xf32>
              %add3A_1323 = arith.constant 5.000000e-01 : f32
              %add3A_1324 = vector.broadcast %add3A_1323 : f32 to vector<16xf32>
              %add3A_1325 = arith.addf %sub3A_1322, %add3A_1324 : vector<16xf32>
              %max3A_1326 = arith.constant 0.000000e+00 : f32
              %max3A_1327 = vector.broadcast %max3A_1326 : f32 to vector<16xf32>
              %max3A_1328 = arith.maximumf %add3A_1325, %max3A_1327 : vector<16xf32>
              %add3A_1329 = arith.addf %add3A_1321, %max3A_1328 : vector<16xf32>
              %sub3A_1330 = arith.subf %gather3A_1279, %select_n3A_371 : vector<16xf32>
              %add3A_1331 = arith.constant 5.000000e-01 : f32
              %add3A_1332 = vector.broadcast %add3A_1331 : f32 to vector<16xf32>
              %add3A_1333 = arith.addf %sub3A_1330, %add3A_1332 : vector<16xf32>
              %max3A_1334 = arith.constant 0.000000e+00 : f32
              %max3A_1335 = vector.broadcast %max3A_1334 : f32 to vector<16xf32>
              %max3A_1336 = arith.maximumf %add3A_1333, %max3A_1335 : vector<16xf32>
              %add3A_1337 = arith.addf %add3A_1329, %max3A_1336 : vector<16xf32>
              %sub3A_1338 = arith.subf %gather3A_1279, %select_n3A_390 : vector<16xf32>
              %add3A_1339 = arith.constant 5.000000e-01 : f32
              %add3A_1340 = vector.broadcast %add3A_1339 : f32 to vector<16xf32>
              %add3A_1341 = arith.addf %sub3A_1338, %add3A_1340 : vector<16xf32>
              %max3A_1342 = arith.constant 0.000000e+00 : f32
              %max3A_1343 = vector.broadcast %max3A_1342 : f32 to vector<16xf32>
              %max3A_1344 = arith.maximumf %add3A_1341, %max3A_1343 : vector<16xf32>
              %add3A_1345 = arith.addf %add3A_1337, %max3A_1344 : vector<16xf32>
              %sub3A_1346 = arith.subf %gather3A_1279, %select_n3A_409 : vector<16xf32>
              %add3A_1347 = arith.constant 5.000000e-01 : f32
              %add3A_1348 = vector.broadcast %add3A_1347 : f32 to vector<16xf32>
              %add3A_1349 = arith.addf %sub3A_1346, %add3A_1348 : vector<16xf32>
              %max3A_1350 = arith.constant 0.000000e+00 : f32
              %max3A_1351 = vector.broadcast %max3A_1350 : f32 to vector<16xf32>
              %max3A_1352 = arith.maximumf %add3A_1349, %max3A_1351 : vector<16xf32>
              %add3A_1353 = arith.addf %add3A_1345, %max3A_1352 : vector<16xf32>
              %sub3A_1354 = arith.subf %gather3A_1279, %select_n3A_428 : vector<16xf32>
              %add3A_1355 = arith.constant 5.000000e-01 : f32
              %add3A_1356 = vector.broadcast %add3A_1355 : f32 to vector<16xf32>
              %add3A_1357 = arith.addf %sub3A_1354, %add3A_1356 : vector<16xf32>
              %max3A_1358 = arith.constant 0.000000e+00 : f32
              %max3A_1359 = vector.broadcast %max3A_1358 : f32 to vector<16xf32>
              %max3A_1360 = arith.maximumf %add3A_1357, %max3A_1359 : vector<16xf32>
              %add3A_1361 = arith.addf %add3A_1353, %max3A_1360 : vector<16xf32>
              %sub3A_1362 = arith.subf %gather3A_1279, %select_n3A_447 : vector<16xf32>
              %add3A_1363 = arith.constant 5.000000e-01 : f32
              %add3A_1364 = vector.broadcast %add3A_1363 : f32 to vector<16xf32>
              %add3A_1365 = arith.addf %sub3A_1362, %add3A_1364 : vector<16xf32>
              %max3A_1366 = arith.constant 0.000000e+00 : f32
              %max3A_1367 = vector.broadcast %max3A_1366 : f32 to vector<16xf32>
              %max3A_1368 = arith.maximumf %add3A_1365, %max3A_1367 : vector<16xf32>
              %add3A_1369 = arith.addf %add3A_1361, %max3A_1368 : vector<16xf32>
              %sub3A_1370 = arith.subf %gather3A_1279, %select_n3A_466 : vector<16xf32>
              %add3A_1371 = arith.constant 5.000000e-01 : f32
              %add3A_1372 = vector.broadcast %add3A_1371 : f32 to vector<16xf32>
              %add3A_1373 = arith.addf %sub3A_1370, %add3A_1372 : vector<16xf32>
              %max3A_1374 = arith.constant 0.000000e+00 : f32
              %max3A_1375 = vector.broadcast %max3A_1374 : f32 to vector<16xf32>
              %max3A_1376 = arith.maximumf %add3A_1373, %max3A_1375 : vector<16xf32>
              %add3A_1377 = arith.addf %add3A_1369, %max3A_1376 : vector<16xf32>
              %sub3A_1378 = arith.subf %gather3A_1279, %select_n3A_485 : vector<16xf32>
              %add3A_1379 = arith.constant 5.000000e-01 : f32
              %add3A_1380 = vector.broadcast %add3A_1379 : f32 to vector<16xf32>
              %add3A_1381 = arith.addf %sub3A_1378, %add3A_1380 : vector<16xf32>
              %max3A_1382 = arith.constant 0.000000e+00 : f32
              %max3A_1383 = vector.broadcast %max3A_1382 : f32 to vector<16xf32>
              %max3A_1384 = arith.maximumf %add3A_1381, %max3A_1383 : vector<16xf32>
              %add3A_1385 = arith.addf %add3A_1377, %max3A_1384 : vector<16xf32>
              %sub3A_1386 = arith.subf %gather3A_1279, %select_n3A_504 : vector<16xf32>
              %add3A_1387 = arith.constant 5.000000e-01 : f32
              %add3A_1388 = vector.broadcast %add3A_1387 : f32 to vector<16xf32>
              %add3A_1389 = arith.addf %sub3A_1386, %add3A_1388 : vector<16xf32>
              %max3A_1390 = arith.constant 0.000000e+00 : f32
              %max3A_1391 = vector.broadcast %max3A_1390 : f32 to vector<16xf32>
              %max3A_1392 = arith.maximumf %add3A_1389, %max3A_1391 : vector<16xf32>
              %add3A_1393 = arith.addf %add3A_1385, %max3A_1392 : vector<16xf32>
              %sub3A_1394 = arith.subf %gather3A_1279, %select_n3A_523 : vector<16xf32>
              %add3A_1395 = arith.constant 5.000000e-01 : f32
              %add3A_1396 = vector.broadcast %add3A_1395 : f32 to vector<16xf32>
              %add3A_1397 = arith.addf %sub3A_1394, %add3A_1396 : vector<16xf32>
              %max3A_1398 = arith.constant 0.000000e+00 : f32
              %max3A_1399 = vector.broadcast %max3A_1398 : f32 to vector<16xf32>
              %max3A_1400 = arith.maximumf %add3A_1397, %max3A_1399 : vector<16xf32>
              %add3A_1401 = arith.addf %add3A_1393, %max3A_1400 : vector<16xf32>
              %sub3A_1402 = arith.subf %gather3A_1279, %select_n3A_542 : vector<16xf32>
              %add3A_1403 = arith.constant 5.000000e-01 : f32
              %add3A_1404 = vector.broadcast %add3A_1403 : f32 to vector<16xf32>
              %add3A_1405 = arith.addf %sub3A_1402, %add3A_1404 : vector<16xf32>
              %max3A_1406 = arith.constant 0.000000e+00 : f32
              %max3A_1407 = vector.broadcast %max3A_1406 : f32 to vector<16xf32>
              %max3A_1408 = arith.maximumf %add3A_1405, %max3A_1407 : vector<16xf32>
              %add3A_1409 = arith.addf %add3A_1401, %max3A_1408 : vector<16xf32>
              %sub3A_1410 = arith.subf %gather3A_1279, %select_n3A_561 : vector<16xf32>
              %add3A_1411 = arith.constant 5.000000e-01 : f32
              %add3A_1412 = vector.broadcast %add3A_1411 : f32 to vector<16xf32>
              %add3A_1413 = arith.addf %sub3A_1410, %add3A_1412 : vector<16xf32>
              %max3A_1414 = arith.constant 0.000000e+00 : f32
              %max3A_1415 = vector.broadcast %max3A_1414 : f32 to vector<16xf32>
              %max3A_1416 = arith.maximumf %add3A_1413, %max3A_1415 : vector<16xf32>
              %add3A_1417 = arith.addf %add3A_1409, %max3A_1416 : vector<16xf32>
              %get3A_1418 = arith.constant 0 : index
              %get3A_1419 = tpu.vector_load %arg9[%get3A_1418] {strides = array<i32>} : memref<16xf32, #tpu.memory_space<vmem>>, vector<16xf32>,
              %jit3A_1420 = arith.constant 0.000000e+00 : f32
              %broadcast_in_dim3A_1421 = vector.broadcast %jit3A_1420 : f32 to vector<16xf32>
              %select_n3A_1422 = arith.select %and3A_1287, %add3A_1417, %broadcast_in_dim3A_1421 : vector<16xi1>, vector<16xf32>
              %add3A_1423 = arith.addf %get3A_1419, %select_n3A_1422 : vector<16xf32>
              %swap3A_1424 = arith.constant 0 : index
              %swap3A_1425 = tpu.vector_load %arg9[%swap3A_1424] {strides = array<i32>} : memref<16xf32, #tpu.memory_space<vmem>>, vector<16xf32>,
              tpu.vector_store %arg9[%swap3A_1424], %add3A_1423 {strides = array<i32>} : memref<16xf32, #tpu.memory_space<vmem>>, vector<16xf32>,
              %convert_element_type3A_1426 = arith.extui %eq3A_1280 : vector<16xi1> to vector<16xi32>
              %add3A_1427 = arith.addi %add3A_1255, %convert_element_type3A_1426 : vector<16xi32>
              scf.yield %add3A_1427 : vector<16xi32>
            }
            %scan3A_569 = arith.constant 16 : i32
            %scan3A_570 = arith.addi %scan3A_564, %scan3A_569 : i32
            %min3A_571 = arith.constant 15 : i32
            %min3A_572 = arith.minsi %scan3A_570, %min3A_571 : i32
            %broadcast_in_dim3A_573 = vector.broadcast %scan3A_570 : i32 to vector<16xi32>
            %lt3A_574 = arith.constant 16 : i32
            %lt3A_575 = vector.broadcast %lt3A_574 : i32 to vector<16xi32>
            %lt3A_576 = arith.cmpi slt, %broadcast_in_dim3A_573, %lt3A_575 : vector<16xi32>
            %broadcast_in_dim3A_577 = vector.broadcast %min3A_572 : i32 to vector<16xi32>
            %lt3A_578 = arith.constant 0 : i32
            %lt3A_579 = vector.broadcast %lt3A_578 : i32 to vector<16xi32>
            %lt3A_580 = arith.cmpi slt, %broadcast_in_dim3A_577, %lt3A_579 : vector<16xi32>
            %add3A_581 = arith.constant 16 : i32
            %add3A_582 = vector.broadcast %add3A_581 : i32 to vector<16xi32>
            %add3A_583 = arith.addi %broadcast_in_dim3A_577, %add3A_582 : vector<16xi32>
            %select_n3A_584 = arith.select %lt3A_580, %add3A_583, %broadcast_in_dim3A_577 : vector<16xi1>, vector<16xi32>
            %reshape3A_585 = vector.shape_cast %select_n3A_584 : vector<16xi32> to vector<16x1xi32>
            %gather3A_586 = vector.shape_cast %reshape3A_585 : vector<16x1xi32> to vector<16xi32>
            %gather3A_587 = tpu.dynamic_gather %select_n3A_200[%gather3A_586] in [0] : vector<16xi32>, vector<16xi32> -> vector<16xi32>
            %select_n3A_588 = arith.select %lt3A_576, %gather3A_587, %select_n3A_204 : vector<16xi1>, vector<16xi32>
            %min3A_589 = arith.constant 63 : i32
            %min3A_590 = vector.broadcast %min3A_589 : i32 to vector<16xi32>
            %min3A_591 = arith.minsi %select_n3A_588, %min3A_590 : vector<16xi32>
            %gather3A_592 = tpu.vector_load_idx %arg8[%add3A_259, %min3A_591] : memref<64x64xf32, #tpu.memory_space<vmem>>[vector<16xi32>, vector<16xi32>], vector<16xf32>,
            %eq3A_593 = arith.cmpi eq, %select_n3A_588, %add3A_259 : vector<16xi32>
            %not3A = arith.constant dense<true> : vector<16xi1>
            %not3A_594 = arith.xori %eq3A_593, %not3A : vector<16xi1>
            %and3A_595 = arith.andi %eq3A_241, %not3A_594 : vector<16xi1>
            %broadcast_in_dim3A_596 = vector.broadcast %scan3A_570 : i32 to vector<16xi32>
            %sub3A_597 = arith.subi %broadcast_in_dim3A_596, %scan3A_568 : vector<16xi32>
            %lt3A_598 = arith.cmpi slt, %sub3A_597, %min3A_105 : vector<16xi32>
            %and3A_599 = arith.andi %and3A_595, %lt3A_598 : vector<16xi1>
            %broadcast_in_dim3A_600 = arith.constant 0.000000e+00 : f32
            %broadcast_in_dim3A_601 = vector.broadcast %broadcast_in_dim3A_600 : f32 to vector<16xf32>
            %sub3A_602 = arith.subf %gather3A_592, %select_n3A_276 : vector<16xf32>
            %add3A_603 = arith.constant 5.000000e-01 : f32
            %add3A_604 = vector.broadcast %add3A_603 : f32 to vector<16xf32>
            %add3A_605 = arith.addf %sub3A_602, %add3A_604 : vector<16xf32>
            %max3A = arith.constant 0.000000e+00 : f32
            %max3A_606 = vector.broadcast %max3A : f32 to vector<16xf32>
            %max3A_607 = arith.maximumf %add3A_605, %max3A_606 : vector<16xf32>
            %add3A_608 = arith.addf %broadcast_in_dim3A_601, %max3A_607 : vector<16xf32>
            %sub3A_609 = arith.subf %gather3A_592, %select_n3A_295 : vector<16xf32>
            %add3A_610 = arith.constant 5.000000e-01 : f32
            %add3A_611 = vector.broadcast %add3A_610 : f32 to vector<16xf32>
            %add3A_612 = arith.addf %sub3A_609, %add3A_611 : vector<16xf32>
            %max3A_613 = arith.constant 0.000000e+00 : f32
            %max3A_614 = vector.broadcast %max3A_613 : f32 to vector<16xf32>
            %max3A_615 = arith.maximumf %add3A_612, %max3A_614 : vector<16xf32>
            %add3A_616 = arith.addf %add3A_608, %max3A_615 : vector<16xf32>
            %sub3A_617 = arith.subf %gather3A_592, %select_n3A_314 : vector<16xf32>
            %add3A_618 = arith.constant 5.000000e-01 : f32
            %add3A_619 = vector.broadcast %add3A_618 : f32 to vector<16xf32>
            %add3A_620 = arith.addf %sub3A_617, %add3A_619 : vector<16xf32>
            %max3A_621 = arith.constant 0.000000e+00 : f32
            %max3A_622 = vector.broadcast %max3A_621 : f32 to vector<16xf32>
            %max3A_623 = arith.maximumf %add3A_620, %max3A_622 : vector<16xf32>
            %add3A_624 = arith.addf %add3A_616, %max3A_623 : vector<16xf32>
            %sub3A_625 = arith.subf %gather3A_592, %select_n3A_333 : vector<16xf32>
            %add3A_626 = arith.constant 5.000000e-01 : f32
            %add3A_627 = vector.broadcast %add3A_626 : f32 to vector<16xf32>
            %add3A_628 = arith.addf %sub3A_625, %add3A_627 : vector<16xf32>
            %max3A_629 = arith.constant 0.000000e+00 : f32
            %max3A_630 = vector.broadcast %max3A_629 : f32 to vector<16xf32>
            %max3A_631 = arith.maximumf %add3A_628, %max3A_630 : vector<16xf32>
            %add3A_632 = arith.addf %add3A_624, %max3A_631 : vector<16xf32>
            %sub3A_633 = arith.subf %gather3A_592, %select_n3A_352 : vector<16xf32>
            %add3A_634 = arith.constant 5.000000e-01 : f32
            %add3A_635 = vector.broadcast %add3A_634 : f32 to vector<16xf32>
            %add3A_636 = arith.addf %sub3A_633, %add3A_635 : vector<16xf32>
            %max3A_637 = arith.constant 0.000000e+00 : f32
            %max3A_638 = vector.broadcast %max3A_637 : f32 to vector<16xf32>
            %max3A_639 = arith.maximumf %add3A_636, %max3A_638 : vector<16xf32>
            %add3A_640 = arith.addf %add3A_632, %max3A_639 : vector<16xf32>
            %sub3A_641 = arith.subf %gather3A_592, %select_n3A_371 : vector<16xf32>
            %add3A_642 = arith.constant 5.000000e-01 : f32
            %add3A_643 = vector.broadcast %add3A_642 : f32 to vector<16xf32>
            %add3A_644 = arith.addf %sub3A_641, %add3A_643 : vector<16xf32>
            %max3A_645 = arith.constant 0.000000e+00 : f32
            %max3A_646 = vector.broadcast %max3A_645 : f32 to vector<16xf32>
            %max3A_647 = arith.maximumf %add3A_644, %max3A_646 : vector<16xf32>
            %add3A_648 = arith.addf %add3A_640, %max3A_647 : vector<16xf32>
            %sub3A_649 = arith.subf %gather3A_592, %select_n3A_390 : vector<16xf32>
            %add3A_650 = arith.constant 5.000000e-01 : f32
            %add3A_651 = vector.broadcast %add3A_650 : f32 to vector<16xf32>
            %add3A_652 = arith.addf %sub3A_649, %add3A_651 : vector<16xf32>
            %max3A_653 = arith.constant 0.000000e+00 : f32
            %max3A_654 = vector.broadcast %max3A_653 : f32 to vector<16xf32>
            %max3A_655 = arith.maximumf %add3A_652, %max3A_654 : vector<16xf32>
            %add3A_656 = arith.addf %add3A_648, %max3A_655 : vector<16xf32>
            %sub3A_657 = arith.subf %gather3A_592, %select_n3A_409 : vector<16xf32>
            %add3A_658 = arith.constant 5.000000e-01 : f32
            %add3A_659 = vector.broadcast %add3A_658 : f32 to vector<16xf32>
            %add3A_660 = arith.addf %sub3A_657, %add3A_659 : vector<16xf32>
            %max3A_661 = arith.constant 0.000000e+00 : f32
            %max3A_662 = vector.broadcast %max3A_661 : f32 to vector<16xf32>
            %max3A_663 = arith.maximumf %add3A_660, %max3A_662 : vector<16xf32>
            %add3A_664 = arith.addf %add3A_656, %max3A_663 : vector<16xf32>
            %sub3A_665 = arith.subf %gather3A_592, %select_n3A_428 : vector<16xf32>
            %add3A_666 = arith.constant 5.000000e-01 : f32
            %add3A_667 = vector.broadcast %add3A_666 : f32 to vector<16xf32>
            %add3A_668 = arith.addf %sub3A_665, %add3A_667 : vector<16xf32>
            %max3A_669 = arith.constant 0.000000e+00 : f32
            %max3A_670 = vector.broadcast %max3A_669 : f32 to vector<16xf32>
            %max3A_671 = arith.maximumf %add3A_668, %max3A_670 : vector<16xf32>
            %add3A_672 = arith.addf %add3A_664, %max3A_671 : vector<16xf32>
            %sub3A_673 = arith.subf %gather3A_592, %select_n3A_447 : vector<16xf32>
            %add3A_674 = arith.constant 5.000000e-01 : f32
            %add3A_675 = vector.broadcast %add3A_674 : f32 to vector<16xf32>
            %add3A_676 = arith.addf %sub3A_673, %add3A_675 : vector<16xf32>
            %max3A_677 = arith.constant 0.000000e+00 : f32
            %max3A_678 = vector.broadcast %max3A_677 : f32 to vector<16xf32>
            %max3A_679 = arith.maximumf %add3A_676, %max3A_678 : vector<16xf32>
            %add3A_680 = arith.addf %add3A_672, %max3A_679 : vector<16xf32>
            %sub3A_681 = arith.subf %gather3A_592, %select_n3A_466 : vector<16xf32>
            %add3A_682 = arith.constant 5.000000e-01 : f32
            %add3A_683 = vector.broadcast %add3A_682 : f32 to vector<16xf32>
            %add3A_684 = arith.addf %sub3A_681, %add3A_683 : vector<16xf32>
            %max3A_685 = arith.constant 0.000000e+00 : f32
            %max3A_686 = vector.broadcast %max3A_685 : f32 to vector<16xf32>
            %max3A_687 = arith.maximumf %add3A_684, %max3A_686 : vector<16xf32>
            %add3A_688 = arith.addf %add3A_680, %max3A_687 : vector<16xf32>
            %sub3A_689 = arith.subf %gather3A_592, %select_n3A_485 : vector<16xf32>
            %add3A_690 = arith.constant 5.000000e-01 : f32
            %add3A_691 = vector.broadcast %add3A_690 : f32 to vector<16xf32>
            %add3A_692 = arith.addf %sub3A_689, %add3A_691 : vector<16xf32>
            %max3A_693 = arith.constant 0.000000e+00 : f32
            %max3A_694 = vector.broadcast %max3A_693 : f32 to vector<16xf32>
            %max3A_695 = arith.maximumf %add3A_692, %max3A_694 : vector<16xf32>
            %add3A_696 = arith.addf %add3A_688, %max3A_695 : vector<16xf32>
            %sub3A_697 = arith.subf %gather3A_592, %select_n3A_504 : vector<16xf32>
            %add3A_698 = arith.constant 5.000000e-01 : f32
            %add3A_699 = vector.broadcast %add3A_698 : f32 to vector<16xf32>
            %add3A_700 = arith.addf %sub3A_697, %add3A_699 : vector<16xf32>
            %max3A_701 = arith.constant 0.000000e+00 : f32
            %max3A_702 = vector.broadcast %max3A_701 : f32 to vector<16xf32>
            %max3A_703 = arith.maximumf %add3A_700, %max3A_702 : vector<16xf32>
            %add3A_704 = arith.addf %add3A_696, %max3A_703 : vector<16xf32>
            %sub3A_705 = arith.subf %gather3A_592, %select_n3A_523 : vector<16xf32>
            %add3A_706 = arith.constant 5.000000e-01 : f32
            %add3A_707 = vector.broadcast %add3A_706 : f32 to vector<16xf32>
            %add3A_708 = arith.addf %sub3A_705, %add3A_707 : vector<16xf32>
            %max3A_709 = arith.constant 0.000000e+00 : f32
            %max3A_710 = vector.broadcast %max3A_709 : f32 to vector<16xf32>
            %max3A_711 = arith.maximumf %add3A_708, %max3A_710 : vector<16xf32>
            %add3A_712 = arith.addf %add3A_704, %max3A_711 : vector<16xf32>
            %sub3A_713 = arith.subf %gather3A_592, %select_n3A_542 : vector<16xf32>
            %add3A_714 = arith.constant 5.000000e-01 : f32
            %add3A_715 = vector.broadcast %add3A_714 : f32 to vector<16xf32>
            %add3A_716 = arith.addf %sub3A_713, %add3A_715 : vector<16xf32>
            %max3A_717 = arith.constant 0.000000e+00 : f32
            %max3A_718 = vector.broadcast %max3A_717 : f32 to vector<16xf32>
            %max3A_719 = arith.maximumf %add3A_716, %max3A_718 : vector<16xf32>
            %add3A_720 = arith.addf %add3A_712, %max3A_719 : vector<16xf32>
            %sub3A_721 = arith.subf %gather3A_592, %select_n3A_561 : vector<16xf32>
            %add3A_722 = arith.constant 5.000000e-01 : f32
            %add3A_723 = vector.broadcast %add3A_722 : f32 to vector<16xf32>
            %add3A_724 = arith.addf %sub3A_721, %add3A_723 : vector<16xf32>
            %max3A_725 = arith.constant 0.000000e+00 : f32
            %max3A_726 = vector.broadcast %max3A_725 : f32 to vector<16xf32>
            %max3A_727 = arith.maximumf %add3A_724, %max3A_726 : vector<16xf32>
            %add3A_728 = arith.addf %add3A_720, %max3A_727 : vector<16xf32>
            %get3A_729 = arith.constant 0 : index
            %get3A_730 = tpu.vector_load %arg9[%get3A_729] {strides = array<i32>} : memref<16xf32, #tpu.memory_space<vmem>>, vector<16xf32>,
            %jit3A_731 = arith.constant 0.000000e+00 : f32
            %broadcast_in_dim3A_732 = vector.broadcast %jit3A_731 : f32 to vector<16xf32>
            %select_n3A_733 = arith.select %and3A_599, %add3A_728, %broadcast_in_dim3A_732 : vector<16xi1>, vector<16xf32>
            %add3A_734 = arith.addf %get3A_730, %select_n3A_733 : vector<16xf32>
            %swap3A_735 = arith.constant 0 : index
            %swap3A_736 = tpu.vector_load %arg9[%swap3A_735] {strides = array<i32>} : memref<16xf32, #tpu.memory_space<vmem>>, vector<16xf32>,
            tpu.vector_store %arg9[%swap3A_735], %add3A_734 {strides = array<i32>} : memref<16xf32, #tpu.memory_space<vmem>>, vector<16xf32>,
            %convert_element_type3A_737 = arith.extui %eq3A_593 : vector<16xi1> to vector<16xi32>
            %add3A_738 = arith.addi %scan3A_568, %convert_element_type3A_737 : vector<16xi32>
            %scan3A_739 = arith.constant 17 : i32
          } else {
          }
          %scan3A_255 = arith.constant 0 : i32
          scf.yield %scan3A_255 : i32
        }
        %scan3A_228 = arith.constant 4 : i32
      } else {
      }
      %scan3A_49 = arith.constant 0 : i32
      scf.yield %scan3A_49 : i32
    }
    %scan3A_26 = arith.constant 8 : i32
    "tpu.region"() ({
      %run_scoped3A = tpu.sem_alloc : memref<!tpu.dma_semaphore, #tpu.memory_space<semaphore_mem>>
      %dma_start3A_27 = arith.constant 0 : i32
      %dma_start3A_28 = tpu.memref_slice %arg5[%add3A, %dma_start3A_27] : memref<32x16xf32, #tpu.memory_space<hbm>> -> memref<1x16xf32, #tpu.memory_space<hbm>>
      %dma_start3A_29 = tpu.memref_squeeze %dma_start3A_28 : memref<1x16xf32, #tpu.memory_space<hbm>> -> memref<16xf32, #tpu.memory_space<hbm>>
      %dma_start3A_30 = arith.constant 0 : i32
      %dma_start3A_31 = tpu.memref_slice %arg5[%add3A, %dma_start3A_30] : memref<32x16xf32, #tpu.memory_space<hbm>> -> memref<1x16xf32, #tpu.memory_space<hbm>>
      %dma_start3A_32 = tpu.memref_squeeze %dma_start3A_31 : memref<1x16xf32, #tpu.memory_space<hbm>> -> memref<16xf32, #tpu.memory_space<hbm>>
      tpu.enqueue_dma source(%arg9 : memref<16xf32, #tpu.memory_space<vmem>>) target(%dma_start3A_32 : memref<16xf32, #tpu.memory_space<hbm>>) target_semaphore(%run_scoped3A : memref<!tpu.dma_semaphore, #tpu.memory_space<semaphore_mem>>)
      %dma_wait3A_33 = arith.constant 0 : i32
      %dma_wait3A_34 = tpu.memref_slice %arg5[%add3A, %dma_wait3A_33] : memref<32x16xf32, #tpu.memory_space<hbm>> -> memref<1x16xf32, #tpu.memory_space<hbm>>
      %dma_wait3A_35 = tpu.memref_squeeze %dma_wait3A_34 : memref<1x16xf32, #tpu.memory_space<hbm>> -> memref<16xf32, #tpu.memory_space<hbm>>
      %dma_wait3A_36 = arith.constant 0 : i32
      %dma_wait3A_37 = tpu.memref_slice %arg5[%add3A, %dma_wait3A_36] : memref<32x16xf32, #tpu.memory_space<hbm>> -> memref<1x16xf32, #tpu.memory_space<hbm>>
      %dma_wait3A_38 = tpu.memref_squeeze %dma_wait3A_37 : memref<1x16xf32, #tpu.memory_space<hbm>> -> memref<16xf32, #tpu.memory_space<hbm>>
      tpu.wait_dma2 semaphore(%run_scoped3A : memref<!tpu.dma_semaphore, #tpu.memory_space<semaphore_mem>>) src(%arg9 : memref<16xf32, #tpu.memory_space<vmem>>) dst(%dma_wait3A_38 : memref<16xf32, #tpu.memory_space<hbm>>)
      tpu.yield
    }) : () -> ()
    return
  }
}

module attributes {stable_mosaic.version = 14 : i64} {
  func.func @_tc_body(%arg0: memref<64x256xf32, #tpu.memory_space<vmem>>, %arg1: memref<64x256xi32, #tpu.memory_space<vmem>>, %arg2: memref<64x4096xf32, #tpu.memory_space<vmem>>, %arg3: memref<64x64xf32, #tpu.memory_space<vmem>>, %arg4: memref<256x64xf32, #tpu.memory_space<vmem>>, %arg5: memref<256x64xi32, #tpu.memory_space<vmem>>, %arg6: memref<1x1xf32, #tpu.memory_space<vmem>>, %arg7: memref<64x4096xbf16, #tpu.memory_space<vmem>>) attributes {dimension_semantics = [], scalar_prefetch = 0 : i64, scratch_operands = 1 : i64, tpu.core_type = #tpu.core_type<tc>} {
    %get3A = arith.constant 0 : index
    %get3A_0 = arith.constant 0 : index
    %get3A_1 = vector.load %arg1[%get3A, %get3A_0] : memref<64x256xi32, #tpu.memory_space<vmem>>, vector<64x256xi32>
    %get3A_2 = arith.constant 0 : index
    %get3A_3 = arith.constant 0 : index
    %get3A_4 = vector.load %arg0[%get3A_2, %get3A_3] : memref<64x256xf32, #tpu.memory_space<vmem>>, vector<64x256xf32>
    %iota3A = tpu.iota {dimensions = array<i32: 0>} : vector<256x256xi32>
    %iota3A_5 = tpu.iota {dimensions = array<i32: 1>} : vector<256x256xi32>
    %iota3A_6 = tpu.iota {dimensions = array<i32: 0>} : vector<64x64xi32>
    %iota3A_7 = tpu.iota {dimensions = array<i32: 1>} : vector<64x64xi32>
    %eq3A = arith.cmpi eq, %iota3A_6, %iota3A_7 : vector<64x64xi32>
    %convert_element_type3A = arith.extui %eq3A : vector<64x64xi1> to vector<64x64xi32>
    %convert_element_type3A_8 = arith.sitofp %convert_element_type3A : vector<64x64xi32> to vector<64x64xf32>
    %convert_element_type3A_9 = arith.sitofp %get3A_1 : vector<64x256xi32> to vector<64x256xf32>
    %reduce_sum3A = arith.constant dense<0.000000e+00> : vector<256xf32>
    %reduce_sum3A_10 = vector.multi_reduction <add>, %convert_element_type3A_9, %reduce_sum3A [0] : vector<64x256xf32> to vector<256xf32>
    %broadcast_in_dim3A = vector.shape_cast %reduce_sum3A_10 : vector<256xf32> to vector<1x256xf32>
    %broadcast_in_dim3A_11 = arith.constant 1.000000e+00 : f32
    %broadcast_in_dim3A_12 = vector.broadcast %broadcast_in_dim3A_11 : f32 to vector<64x1xf32>
    %dot_general3A = arith.constant dense<0.000000e+00> : vector<256x1xf32>
    %dot_general3A_13 = tpu.matmul %convert_element_type3A_9, %broadcast_in_dim3A_12, %dot_general3A {dimension_numbers = #tpu.dot_dimension_numbers<[0], [0], [1], [1], [0, 1, 1, 1], [], []>, transpose_lhs_hint = false} : vector<64x256xf32>, vector<64x1xf32>, vector<256x1xf32> -> vector<256x1xf32>
    %lt3A = vector.broadcast %broadcast_in_dim3A : vector<1x256xf32> to vector<256x256xf32>
    %lt3A_14 = vector.broadcast %dot_general3A_13 : vector<256x1xf32> to vector<256x256xf32>
    %lt3A_15 = arith.cmpf olt, %lt3A, %lt3A_14 : vector<256x256xf32>
    %eq3A_16 = vector.broadcast %broadcast_in_dim3A : vector<1x256xf32> to vector<256x256xf32>
    %eq3A_17 = vector.broadcast %dot_general3A_13 : vector<256x1xf32> to vector<256x256xf32>
    %eq3A_18 = arith.cmpf oeq, %eq3A_16, %eq3A_17 : vector<256x256xf32>
    %le3A = arith.cmpi sle, %iota3A_5, %iota3A : vector<256x256xi32>
    %and3A = arith.andi %eq3A_18, %le3A : vector<256x256xi1>
    %or3A = arith.ori %lt3A_15, %and3A : vector<256x256xi1>
    %convert_element_type3A_19 = arith.extui %or3A : vector<256x256xi1> to vector<256x256xi32>
    %convert_element_type3A_20 = arith.sitofp %convert_element_type3A_19 : vector<256x256xi32> to vector<256x256xf32>
    %mul3A = vector.broadcast %broadcast_in_dim3A : vector<1x256xf32> to vector<256x256xf32>
    %mul3A_21 = arith.mulf %mul3A, %convert_element_type3A_20 : vector<256x256xf32>
    %reduce_sum3A_22 = arith.constant dense<0.000000e+00> : vector<256xf32>
    %reduce_sum3A_23 = vector.multi_reduction <add>, %mul3A_21, %reduce_sum3A_22 [1] : vector<256x256xf32> to vector<256xf32>
    %broadcast_in_dim3A_24 = vector.shape_cast %reduce_sum3A_23 : vector<256xf32> to vector<256x1xf32>
    %le3A_25 = arith.constant 1.280000e+02 : f32
    %le3A_26 = vector.broadcast %le3A_25 : f32 to vector<256x1xf32>
    %le3A_27 = arith.cmpf ole, %broadcast_in_dim3A_24, %le3A_26 : vector<256x1xf32>
    %gt3A = arith.constant 1.000000e+00 : f32
    %gt3A_28 = vector.broadcast %gt3A : f32 to vector<256x1xf32>
    %gt3A_29 = arith.cmpf ogt, %dot_general3A_13, %gt3A_28 : vector<256x1xf32>
    %and3A_30 = arith.andi %le3A_27, %gt3A_29 : vector<256x1xi1>
    %sub3A = arith.constant 1.000000e+00 : f32
    %sub3A_31 = vector.broadcast %sub3A : f32 to vector<256x1xf32>
    %sub3A_32 = arith.subf %dot_general3A_13, %sub3A_31 : vector<256x1xf32>
    %min3A = arith.constant 1.600000e+01 : f32
    %min3A_33 = vector.broadcast %min3A : f32 to vector<256x1xf32>
    %min3A_34 = arith.minimumf %sub3A_32, %min3A_33 : vector<256x1xf32>
    %sub3A_35 = arith.constant 6.400000e+01 : f32
    %sub3A_36 = vector.broadcast %sub3A_35 : f32 to vector<256x1xf32>
    %sub3A_37 = arith.subf %sub3A_36, %dot_general3A_13 : vector<256x1xf32>
    %min3A_38 = arith.constant 1.600000e+01 : f32
    %min3A_39 = vector.broadcast %min3A_38 : f32 to vector<256x1xf32>
    %min3A_40 = arith.minimumf %sub3A_37, %min3A_39 : vector<256x1xf32>
    %lt3A_41 = arith.constant 6.400000e+01 : f32
    %lt3A_42 = vector.broadcast %lt3A_41 : f32 to vector<256x1xf32>
    %lt3A_43 = arith.cmpf olt, %dot_general3A_13, %lt3A_42 : vector<256x1xf32>
    %and3A_44 = arith.andi %and3A_30, %lt3A_43 : vector<256x1xi1>
    %mul3A_45 = arith.mulf %dot_general3A_13, %min3A_34 : vector<256x1xf32>
    %mul3A_46 = arith.mulf %mul3A_45, %min3A_40 : vector<256x1xf32>
    %jit3A = arith.constant 0.000000e+00 : f32
    %broadcast_in_dim3A_47 = vector.broadcast %jit3A : f32 to vector<256x1xf32>
    %select_n3A = arith.select %and3A_44, %mul3A_46, %broadcast_in_dim3A_47 : vector<256x1xi1>, vector<256x1xf32>
    %reduce_sum3A_48 = vector.shape_cast %select_n3A : vector<256x1xf32> to vector<1x256x1xf32>
    %reduce_sum3A_49 = arith.constant dense<0.000000e+00> : vector<1xf32>
    %reduce_sum3A_50 = vector.multi_reduction <add>, %reduce_sum3A_48, %reduce_sum3A_49 [1, 2] : vector<1x256x1xf32> to vector<1xf32>
    %reduce_sum3A_51 = vector.shape_cast %reduce_sum3A_50 : vector<1xf32> to vector<1x1x1xf32>
    %reduce_sum3A_52 = vector.extract %reduce_sum3A_51[0, 0, 0] : f32 from vector<1x1x1xf32>
    %broadcast_in_dim3A_53 = vector.broadcast %reduce_sum3A_52 : f32 to vector<1x1xf32>
    %swap3A = arith.constant 0 : index
    %swap3A_54 = arith.constant 0 : index
    %swap3A_55 = vector.load %arg6[%swap3A, %swap3A_54] : memref<1x1xf32, #tpu.memory_space<vmem>>, vector<1x1xf32>
    tpu.vector_store %arg6[%swap3A, %swap3A_54], %broadcast_in_dim3A_53 {strides = array<i32>} : memref<1x1xf32, #tpu.memory_space<vmem>>, vector<1x1xf32>,
    %dot_general3A_56 = arith.constant dense<0.000000e+00> : vector<256x64xf32>
    %dot_general3A_57 = tpu.matmul %get3A_4, %convert_element_type3A_8, %dot_general3A_56 {dimension_numbers = #tpu.dot_dimension_numbers<[0], [0], [1], [1], [0, 1, 1, 1], [], []>, precision = #tpu.contract_precision<fp32>, transpose_lhs_hint = false} : vector<64x256xf32>, vector<64x64xf32>, vector<256x64xf32> -> vector<256x64xf32>
    %swap3A_58 = arith.constant 0 : index
    %swap3A_59 = arith.constant 0 : index
    %swap3A_60 = vector.load %arg4[%swap3A_58, %swap3A_59] : memref<256x64xf32, #tpu.memory_space<vmem>>, vector<256x64xf32>
    tpu.vector_store %arg4[%swap3A_58, %swap3A_59], %dot_general3A_57 {strides = array<i32>} : memref<256x64xf32, #tpu.memory_space<vmem>>, vector<256x64xf32>,
    %dot_general3A_61 = arith.constant dense<0.000000e+00> : vector<256x64xf32>
    %dot_general3A_62 = tpu.matmul %convert_element_type3A_9, %convert_element_type3A_8, %dot_general3A_61 {dimension_numbers = #tpu.dot_dimension_numbers<[0], [0], [1], [1], [0, 1, 1, 1], [], []>, transpose_lhs_hint = false} : vector<64x256xf32>, vector<64x64xf32>, vector<256x64xf32> -> vector<256x64xf32>
    %convert_element_type3A_63 = arith.extui %and3A_44 : vector<256x1xi1> to vector<256x1xi32>
    %convert_element_type3A_64 = arith.sitofp %convert_element_type3A_63 : vector<256x1xi32> to vector<256x1xf32>
    %mul3A_65 = arith.constant 2.000000e+00 : f32
    %mul3A_66 = vector.broadcast %mul3A_65 : f32 to vector<256x1xf32>
    %mul3A_67 = arith.mulf %mul3A_66, %convert_element_type3A_64 : vector<256x1xf32>
    %add3A = vector.broadcast %mul3A_67 : vector<256x1xf32> to vector<256x64xf32>
    %add3A_68 = arith.addf %dot_general3A_62, %add3A : vector<256x64xf32>
    %convert_element_type3A_69 = arith.fptosi %add3A_68 : vector<256x64xf32> to vector<256x64xi32>
    %swap3A_70 = arith.constant 0 : index
    %swap3A_71 = arith.constant 0 : index
    %swap3A_72 = vector.load %arg5[%swap3A_70, %swap3A_71] : memref<256x64xi32, #tpu.memory_space<vmem>>, vector<256x64xi32>
    tpu.vector_store %arg5[%swap3A_70, %swap3A_71], %convert_element_type3A_69 {strides = array<i32>} : memref<256x64xi32, #tpu.memory_space<vmem>>, vector<256x64xi32>,
    %get3A_73 = arith.constant 0 : index
    %get3A_74 = arith.constant 0 : index
    %get3A_75 = vector.load %arg2[%get3A_73, %get3A_74] : memref<64x4096xf32, #tpu.memory_space<vmem>>, vector<64x4096xf32>
    %convert_element_type3A_76 = arith.truncf %get3A_75 : vector<64x4096xf32> to vector<64x4096xbf16>
    %swap3A_77 = arith.constant 0 : index
    %swap3A_78 = arith.constant 0 : index
    %swap3A_79 = vector.load %arg7[%swap3A_77, %swap3A_78] : memref<64x4096xbf16, #tpu.memory_space<vmem>>, vector<64x4096xbf16>
    tpu.vector_store %arg7[%swap3A_77, %swap3A_78], %convert_element_type3A_76 {strides = array<i32>} : memref<64x4096xbf16, #tpu.memory_space<vmem>>, vector<64x4096xbf16>,
    %broadcast_in_dim3A_80 = arith.constant 1.000000e+00 : bf16
    %broadcast_in_dim3A_81 = vector.broadcast %broadcast_in_dim3A_80 : bf16 to vector<1x4096xbf16>
    %scan3A = arith.constant 0 : i32
    %scan3A_82 = arith.constant 4 : i32
    %scan3A_83 = arith.addi %scan3A, %scan3A_82 : i32
    %scan3A_84 = arith.constant 1 : i32
    scf.for %scan3A_86 = %scan3A to %scan3A_83 step %scan3A_84  : i32 {
      %mul3A_87 = arith.constant 16 : i32
      %mul3A_88 = arith.muli %scan3A_86, %mul3A_87 : i32
      %get3A_89 = arith.index_cast %mul3A_88 : i32 to index
      %get3A_90 = arith.constant 0 : index
      %get3A_91 = vector.load %arg7[%get3A_89, %get3A_90] : memref<64x4096xbf16, #tpu.memory_space<vmem>>, vector<16x4096xbf16>
      %slice3A = vector.extract_strided_slice %get3A_91 {offsets = [0, 0], sizes = [1, 4096], strides = [1, 1]} : vector<16x4096xbf16> to vector<1x4096xbf16>
      %sub3A_92 = vector.broadcast %slice3A : vector<1x4096xbf16> to vector<64x4096xbf16>
      %sub3A_93 = arith.subf %convert_element_type3A_76, %sub3A_92 : vector<64x4096xbf16>
      %abs3A = math.absf %sub3A_93 : vector<64x4096xbf16>
      %dot_general3A_94 = arith.constant dense<0.000000e+00> : vector<1x64xf32>
      %dot_general3A_95 = tpu.matmul %broadcast_in_dim3A_81, %abs3A, %dot_general3A_94 {dimension_numbers = #tpu.dot_dimension_numbers<[1], [1], [0], [0], [0, 0, 1, 0], [], []>, transpose_lhs_hint = false} : vector<1x4096xbf16>, vector<64x4096xbf16>, vector<1x64xf32> -> vector<1x64xf32>
      %slice3A_96 = vector.extract_strided_slice %get3A_91 {offsets = [1, 0], sizes = [1, 4096], strides = [1, 1]} : vector<16x4096xbf16> to vector<1x4096xbf16>
      %sub3A_97 = vector.broadcast %slice3A_96 : vector<1x4096xbf16> to vector<64x4096xbf16>
      %sub3A_98 = arith.subf %convert_element_type3A_76, %sub3A_97 : vector<64x4096xbf16>
      %abs3A_99 = math.absf %sub3A_98 : vector<64x4096xbf16>
      %dot_general3A_100 = arith.constant dense<0.000000e+00> : vector<1x64xf32>
      %dot_general3A_101 = tpu.matmul %broadcast_in_dim3A_81, %abs3A_99, %dot_general3A_100 {dimension_numbers = #tpu.dot_dimension_numbers<[1], [1], [0], [0], [0, 0, 1, 0], [], []>, transpose_lhs_hint = false} : vector<1x4096xbf16>, vector<64x4096xbf16>, vector<1x64xf32> -> vector<1x64xf32>
      %slice3A_102 = vector.extract_strided_slice %get3A_91 {offsets = [2, 0], sizes = [1, 4096], strides = [1, 1]} : vector<16x4096xbf16> to vector<1x4096xbf16>
      %sub3A_103 = vector.broadcast %slice3A_102 : vector<1x4096xbf16> to vector<64x4096xbf16>
      %sub3A_104 = arith.subf %convert_element_type3A_76, %sub3A_103 : vector<64x4096xbf16>
      %abs3A_105 = math.absf %sub3A_104 : vector<64x4096xbf16>
      %dot_general3A_106 = arith.constant dense<0.000000e+00> : vector<1x64xf32>
      %dot_general3A_107 = tpu.matmul %broadcast_in_dim3A_81, %abs3A_105, %dot_general3A_106 {dimension_numbers = #tpu.dot_dimension_numbers<[1], [1], [0], [0], [0, 0, 1, 0], [], []>, transpose_lhs_hint = false} : vector<1x4096xbf16>, vector<64x4096xbf16>, vector<1x64xf32> -> vector<1x64xf32>
      %slice3A_108 = vector.extract_strided_slice %get3A_91 {offsets = [3, 0], sizes = [1, 4096], strides = [1, 1]} : vector<16x4096xbf16> to vector<1x4096xbf16>
      %sub3A_109 = vector.broadcast %slice3A_108 : vector<1x4096xbf16> to vector<64x4096xbf16>
      %sub3A_110 = arith.subf %convert_element_type3A_76, %sub3A_109 : vector<64x4096xbf16>
      %abs3A_111 = math.absf %sub3A_110 : vector<64x4096xbf16>
      %dot_general3A_112 = arith.constant dense<0.000000e+00> : vector<1x64xf32>
      %dot_general3A_113 = tpu.matmul %broadcast_in_dim3A_81, %abs3A_111, %dot_general3A_112 {dimension_numbers = #tpu.dot_dimension_numbers<[1], [1], [0], [0], [0, 0, 1, 0], [], []>, transpose_lhs_hint = false} : vector<1x4096xbf16>, vector<64x4096xbf16>, vector<1x64xf32> -> vector<1x64xf32>
      %slice3A_114 = vector.extract_strided_slice %get3A_91 {offsets = [4, 0], sizes = [1, 4096], strides = [1, 1]} : vector<16x4096xbf16> to vector<1x4096xbf16>
      %sub3A_115 = vector.broadcast %slice3A_114 : vector<1x4096xbf16> to vector<64x4096xbf16>
      %sub3A_116 = arith.subf %convert_element_type3A_76, %sub3A_115 : vector<64x4096xbf16>
      %abs3A_117 = math.absf %sub3A_116 : vector<64x4096xbf16>
      %dot_general3A_118 = arith.constant dense<0.000000e+00> : vector<1x64xf32>
      %dot_general3A_119 = tpu.matmul %broadcast_in_dim3A_81, %abs3A_117, %dot_general3A_118 {dimension_numbers = #tpu.dot_dimension_numbers<[1], [1], [0], [0], [0, 0, 1, 0], [], []>, transpose_lhs_hint = false} : vector<1x4096xbf16>, vector<64x4096xbf16>, vector<1x64xf32> -> vector<1x64xf32>
      %slice3A_120 = vector.extract_strided_slice %get3A_91 {offsets = [5, 0], sizes = [1, 4096], strides = [1, 1]} : vector<16x4096xbf16> to vector<1x4096xbf16>
      %sub3A_121 = vector.broadcast %slice3A_120 : vector<1x4096xbf16> to vector<64x4096xbf16>
      %sub3A_122 = arith.subf %convert_element_type3A_76, %sub3A_121 : vector<64x4096xbf16>
      %abs3A_123 = math.absf %sub3A_122 : vector<64x4096xbf16>
      %dot_general3A_124 = arith.constant dense<0.000000e+00> : vector<1x64xf32>
      %dot_general3A_125 = tpu.matmul %broadcast_in_dim3A_81, %abs3A_123, %dot_general3A_124 {dimension_numbers = #tpu.dot_dimension_numbers<[1], [1], [0], [0], [0, 0, 1, 0], [], []>, transpose_lhs_hint = false} : vector<1x4096xbf16>, vector<64x4096xbf16>, vector<1x64xf32> -> vector<1x64xf32>
      %slice3A_126 = vector.extract_strided_slice %get3A_91 {offsets = [6, 0], sizes = [1, 4096], strides = [1, 1]} : vector<16x4096xbf16> to vector<1x4096xbf16>
      %sub3A_127 = vector.broadcast %slice3A_126 : vector<1x4096xbf16> to vector<64x4096xbf16>
      %sub3A_128 = arith.subf %convert_element_type3A_76, %sub3A_127 : vector<64x4096xbf16>
      %abs3A_129 = math.absf %sub3A_128 : vector<64x4096xbf16>
      %dot_general3A_130 = arith.constant dense<0.000000e+00> : vector<1x64xf32>
      %dot_general3A_131 = tpu.matmul %broadcast_in_dim3A_81, %abs3A_129, %dot_general3A_130 {dimension_numbers = #tpu.dot_dimension_numbers<[1], [1], [0], [0], [0, 0, 1, 0], [], []>, transpose_lhs_hint = false} : vector<1x4096xbf16>, vector<64x4096xbf16>, vector<1x64xf32> -> vector<1x64xf32>
      %slice3A_132 = vector.extract_strided_slice %get3A_91 {offsets = [7, 0], sizes = [1, 4096], strides = [1, 1]} : vector<16x4096xbf16> to vector<1x4096xbf16>
      %sub3A_133 = vector.broadcast %slice3A_132 : vector<1x4096xbf16> to vector<64x4096xbf16>
      %sub3A_134 = arith.subf %convert_element_type3A_76, %sub3A_133 : vector<64x4096xbf16>
      %abs3A_135 = math.absf %sub3A_134 : vector<64x4096xbf16>
      %dot_general3A_136 = arith.constant dense<0.000000e+00> : vector<1x64xf32>
      %dot_general3A_137 = tpu.matmul %broadcast_in_dim3A_81, %abs3A_135, %dot_general3A_136 {dimension_numbers = #tpu.dot_dimension_numbers<[1], [1], [0], [0], [0, 0, 1, 0], [], []>, transpose_lhs_hint = false} : vector<1x4096xbf16>, vector<64x4096xbf16>, vector<1x64xf32> -> vector<1x64xf32>
      %slice3A_138 = vector.extract_strided_slice %get3A_91 {offsets = [8, 0], sizes = [1, 4096], strides = [1, 1]} : vector<16x4096xbf16> to vector<1x4096xbf16>
      %sub3A_139 = vector.broadcast %slice3A_138 : vector<1x4096xbf16> to vector<64x4096xbf16>
      %sub3A_140 = arith.subf %convert_element_type3A_76, %sub3A_139 : vector<64x4096xbf16>
      %abs3A_141 = math.absf %sub3A_140 : vector<64x4096xbf16>
      %dot_general3A_142 = arith.constant dense<0.000000e+00> : vector<1x64xf32>
      %dot_general3A_143 = tpu.matmul %broadcast_in_dim3A_81, %abs3A_141, %dot_general3A_142 {dimension_numbers = #tpu.dot_dimension_numbers<[1], [1], [0], [0], [0, 0, 1, 0], [], []>, transpose_lhs_hint = false} : vector<1x4096xbf16>, vector<64x4096xbf16>, vector<1x64xf32> -> vector<1x64xf32>
      %slice3A_144 = vector.extract_strided_slice %get3A_91 {offsets = [9, 0], sizes = [1, 4096], strides = [1, 1]} : vector<16x4096xbf16> to vector<1x4096xbf16>
      %sub3A_145 = vector.broadcast %slice3A_144 : vector<1x4096xbf16> to vector<64x4096xbf16>
      %sub3A_146 = arith.subf %convert_element_type3A_76, %sub3A_145 : vector<64x4096xbf16>
      %abs3A_147 = math.absf %sub3A_146 : vector<64x4096xbf16>
      %dot_general3A_148 = arith.constant dense<0.000000e+00> : vector<1x64xf32>
      %dot_general3A_149 = tpu.matmul %broadcast_in_dim3A_81, %abs3A_147, %dot_general3A_148 {dimension_numbers = #tpu.dot_dimension_numbers<[1], [1], [0], [0], [0, 0, 1, 0], [], []>, transpose_lhs_hint = false} : vector<1x4096xbf16>, vector<64x4096xbf16>, vector<1x64xf32> -> vector<1x64xf32>
      %slice3A_150 = vector.extract_strided_slice %get3A_91 {offsets = [10, 0], sizes = [1, 4096], strides = [1, 1]} : vector<16x4096xbf16> to vector<1x4096xbf16>
      %sub3A_151 = vector.broadcast %slice3A_150 : vector<1x4096xbf16> to vector<64x4096xbf16>
      %sub3A_152 = arith.subf %convert_element_type3A_76, %sub3A_151 : vector<64x4096xbf16>
      %abs3A_153 = math.absf %sub3A_152 : vector<64x4096xbf16>
      %dot_general3A_154 = arith.constant dense<0.000000e+00> : vector<1x64xf32>
      %dot_general3A_155 = tpu.matmul %broadcast_in_dim3A_81, %abs3A_153, %dot_general3A_154 {dimension_numbers = #tpu.dot_dimension_numbers<[1], [1], [0], [0], [0, 0, 1, 0], [], []>, transpose_lhs_hint = false} : vector<1x4096xbf16>, vector<64x4096xbf16>, vector<1x64xf32> -> vector<1x64xf32>
      %slice3A_156 = vector.extract_strided_slice %get3A_91 {offsets = [11, 0], sizes = [1, 4096], strides = [1, 1]} : vector<16x4096xbf16> to vector<1x4096xbf16>
      %sub3A_157 = vector.broadcast %slice3A_156 : vector<1x4096xbf16> to vector<64x4096xbf16>
      %sub3A_158 = arith.subf %convert_element_type3A_76, %sub3A_157 : vector<64x4096xbf16>
      %abs3A_159 = math.absf %sub3A_158 : vector<64x4096xbf16>
      %dot_general3A_160 = arith.constant dense<0.000000e+00> : vector<1x64xf32>
      %dot_general3A_161 = tpu.matmul %broadcast_in_dim3A_81, %abs3A_159, %dot_general3A_160 {dimension_numbers = #tpu.dot_dimension_numbers<[1], [1], [0], [0], [0, 0, 1, 0], [], []>, transpose_lhs_hint = false} : vector<1x4096xbf16>, vector<64x4096xbf16>, vector<1x64xf32> -> vector<1x64xf32>
      %slice3A_162 = vector.extract_strided_slice %get3A_91 {offsets = [12, 0], sizes = [1, 4096], strides = [1, 1]} : vector<16x4096xbf16> to vector<1x4096xbf16>
      %sub3A_163 = vector.broadcast %slice3A_162 : vector<1x4096xbf16> to vector<64x4096xbf16>
      %sub3A_164 = arith.subf %convert_element_type3A_76, %sub3A_163 : vector<64x4096xbf16>
      %abs3A_165 = math.absf %sub3A_164 : vector<64x4096xbf16>
      %dot_general3A_166 = arith.constant dense<0.000000e+00> : vector<1x64xf32>
      %dot_general3A_167 = tpu.matmul %broadcast_in_dim3A_81, %abs3A_165, %dot_general3A_166 {dimension_numbers = #tpu.dot_dimension_numbers<[1], [1], [0], [0], [0, 0, 1, 0], [], []>, transpose_lhs_hint = false} : vector<1x4096xbf16>, vector<64x4096xbf16>, vector<1x64xf32> -> vector<1x64xf32>
      %slice3A_168 = vector.extract_strided_slice %get3A_91 {offsets = [13, 0], sizes = [1, 4096], strides = [1, 1]} : vector<16x4096xbf16> to vector<1x4096xbf16>
      %sub3A_169 = vector.broadcast %slice3A_168 : vector<1x4096xbf16> to vector<64x4096xbf16>
      %sub3A_170 = arith.subf %convert_element_type3A_76, %sub3A_169 : vector<64x4096xbf16>
      %abs3A_171 = math.absf %sub3A_170 : vector<64x4096xbf16>
      %dot_general3A_172 = arith.constant dense<0.000000e+00> : vector<1x64xf32>
      %dot_general3A_173 = tpu.matmul %broadcast_in_dim3A_81, %abs3A_171, %dot_general3A_172 {dimension_numbers = #tpu.dot_dimension_numbers<[1], [1], [0], [0], [0, 0, 1, 0], [], []>, transpose_lhs_hint = false} : vector<1x4096xbf16>, vector<64x4096xbf16>, vector<1x64xf32> -> vector<1x64xf32>
      %slice3A_174 = vector.extract_strided_slice %get3A_91 {offsets = [14, 0], sizes = [1, 4096], strides = [1, 1]} : vector<16x4096xbf16> to vector<1x4096xbf16>
      %sub3A_175 = vector.broadcast %slice3A_174 : vector<1x4096xbf16> to vector<64x4096xbf16>
      %sub3A_176 = arith.subf %convert_element_type3A_76, %sub3A_175 : vector<64x4096xbf16>
      %abs3A_177 = math.absf %sub3A_176 : vector<64x4096xbf16>
      %dot_general3A_178 = arith.constant dense<0.000000e+00> : vector<1x64xf32>
      %dot_general3A_179 = tpu.matmul %broadcast_in_dim3A_81, %abs3A_177, %dot_general3A_178 {dimension_numbers = #tpu.dot_dimension_numbers<[1], [1], [0], [0], [0, 0, 1, 0], [], []>, transpose_lhs_hint = false} : vector<1x4096xbf16>, vector<64x4096xbf16>, vector<1x64xf32> -> vector<1x64xf32>
      %slice3A_180 = vector.extract_strided_slice %get3A_91 {offsets = [15, 0], sizes = [1, 4096], strides = [1, 1]} : vector<16x4096xbf16> to vector<1x4096xbf16>
      %sub3A_181 = vector.broadcast %slice3A_180 : vector<1x4096xbf16> to vector<64x4096xbf16>
      %sub3A_182 = arith.subf %convert_element_type3A_76, %sub3A_181 : vector<64x4096xbf16>
      %abs3A_183 = math.absf %sub3A_182 : vector<64x4096xbf16>
      %dot_general3A_184 = arith.constant dense<0.000000e+00> : vector<1x64xf32>
      %dot_general3A_185 = tpu.matmul %broadcast_in_dim3A_81, %abs3A_183, %dot_general3A_184 {dimension_numbers = #tpu.dot_dimension_numbers<[1], [1], [0], [0], [0, 0, 1, 0], [], []>, transpose_lhs_hint = false} : vector<1x4096xbf16>, vector<64x4096xbf16>, vector<1x64xf32> -> vector<1x64xf32>
      %concatenate3A = tpu.concatenate %dot_general3A_95, %dot_general3A_101, %dot_general3A_107, %dot_general3A_113, %dot_general3A_119, %dot_general3A_125, %dot_general3A_131, %dot_general3A_137, %dot_general3A_143, %dot_general3A_149, %dot_general3A_155, %dot_general3A_161, %dot_general3A_167, %dot_general3A_173, %dot_general3A_179, %dot_general3A_185 in 0 : vector<1x64xf32>, vector<1x64xf32>, vector<1x64xf32>, vector<1x64xf32>, vector<1x64xf32>, vector<1x64xf32>, vector<1x64xf32>, vector<1x64xf32>, vector<1x64xf32>, vector<1x64xf32>, vector<1x64xf32>, vector<1x64xf32>, vector<1x64xf32>, vector<1x64xf32>, vector<1x64xf32>, vector<1x64xf32> -> vector<16x64xf32>
      %mul3A_186 = arith.constant 16 : i32
      %mul3A_187 = arith.muli %scan3A_86, %mul3A_186 : i32
      %swap3A_188 = arith.index_cast %mul3A_187 : i32 to index
      %swap3A_189 = arith.constant 0 : index
      %swap3A_190 = vector.load %arg3[%swap3A_188, %swap3A_189] : memref<64x64xf32, #tpu.memory_space<vmem>>, vector<16x64xf32>
      tpu.vector_store %arg3[%swap3A_188, %swap3A_189], %concatenate3A {strides = array<i32>} : memref<64x64xf32, #tpu.memory_space<vmem>>, vector<16x64xf32>,
    }
    %scan3A_85 = arith.constant 4 : i32
    return
  }
}

</mosaic_0001>

<sc_bundles>
// kernel: kernel.4.cloned.1.call-start
scs
__scs_entry_jumppad:
0x0: {  	(pc) =	sbr.rel $0x88, $3  }
0x1: {  	(tag) =	ssettag $0x0;
	lr =	simm.s32 $0x1  }
0x2: {  	[smem:$0x3F9E] =	sst lr;
	_ =	strace $0xD0000000  }
0x3: {  	_ = 	snop  }
0x4: {  	_ = 	snop  }
0x5: {  	_ = 	snop  }
0x6: {  	_ = 	snop  }
0x7: {  	_ = 	snop  }
__scs_overlays_trampoline_lowered:
0x8: {  	[smem:$0x3FAD] =	sst s0  }
0x9: {  	[smem:$0x3FAE] =	sst s1  }
0xa: {  	[smem:$0x3FAF] =	sst s2  }
0xb: {  	[smem:$0x3FB0] =	sst s3  }
0xc: {  	[smem:$0x3FB1] =	sst s4  }
0xd: {  	[smem:$0x3FB2] =	sst s5  }
0xe: {  	[smem:$0x3FB3] =	sst s6  }
0xf: {  	[smem:$0x3FB4] =	sst s7  }
0x10: {  	[smem:$0x3FB5] =	sst s8  }
0x11: {  	[smem:$0x3FB6] =	sst s9;
	s0 =	simm.s32 @!p0 $0x0  }
0x12: {  	s1 =	sld [smem:$0x3F9C];
	s0 =	simm.s32 @p0 $0x1  }
0x13: {  	[smem:$0x3FB7] =	sst s0;
	s0 =	simm.s32 @!p1 $0x0  }
0x14: {  	s2 =	sld [smem:$0x3F9B];
	s0 =	simm.s32 @p1 $0x1  }
0x15: {  	[smem:$0x3FB8] =	sst s0;
	s0 =	simm.s32 @!p2 $0x0  }
0x16: {  	s3 =	sld [smem:$0x3FDB];
	s0 =	simm.s32 @p2 $0x1  }
0x17: {  	s4 =	simm.s32 $0x1BF5;
	[smem:$0x3FBA] =	sst s0  }
0x18: {  	s0 =	sld [smem:$0x3F9D];
	_ =	swait.ge [sflag:s4], $0x0  }
0x19: {  	s7 =	sld [smem:$0x3F9E]  }
0x1a: {  	s8 =	sadd.s32 $0xFFFFE003, lr  }
0x1b: {  	s9 =	sadd.s32 $0xFFFFFEF7, lr;
	s5 =	simm.s32 $0xFFFFFFFF;
	p2 =	slt.u32 s8, $0xFFFFF086  }
0x1c: {  	p1 =	slt.u32 s9, $0xF7A;
	s5 =	simm.s32 @!p2 $0x0  }
0x1d: {  	s5 =	simm.s32 @p1 $0x1;
	p0 =	seq.s32 s7, s2  }
0x1e: {  	s7 =	smul.u32 @!p0 $0xF7A, s2;
	p2 =	seq.s32 @!p0 s5, $0x0  }
0x1f: {  	s9 =	smul.u32 $0xF7A, s1;
	s8 =	simm.s32 @!p0 $0x1BF5;
	p2 =	por !p2, p0  }
0x20: {  	[sflag:s8] =	ssyncset.s32 @!p0 $0xFFFFF086;
	s6 =	sadd.s32 @!p0 s3, s7;
	s7 =	simm.s32 @!p0 $0x108  }
0x21: {  	s3 =	sadd.s32 s3, s9;
	s6 =	sadd.s32 @!p0 $0x88, s6;
	s7 =	simm.s32 @p2 $0x1082  }
0x22: {  	[simem:s7], [sflag:s8] =	dma.local @!p0 [hbm:s6], $0xF7A  }
0x23: {  	s9 =	sor.u32 $0xD0000000, s2;
	s6 =	simm.s32 $0x108;
	_ =	swait.ge @!p0 [sflag:s8], $0x0  }
0x24: {  	s3 =	sadd.s32 $0x88, s3;
	s6 =	simm.s32 @!p1 $0x1082;
	[sflag:s4] =	ssyncset.s32 $0xFFFFF086  }
0x25: {  	[simem:s6], [sflag:s4] =	dma.local [hbm:s3], $0xF7A  }
0x26: {  	[smem:$0x3F9E] =	sst s1;
	(tag) =	ssettag s2;
	_ =	strace s9  }
0x27: {  	s1 =	sld [smem:$0x3FAE]  }
0x28: {  	s2 =	sld [smem:$0x3FAF]  }
0x29: {  	s4 =	sld [smem:$0x3FB1]  }
0x2a: {  	p0 =	seq.s32 s5, $0x0;
	s5 =	sld [smem:$0x3FB2]  }
0x2b: {  	s6 =	sld [smem:$0x3FB3]  }
0x2c: {  	s7 =	sld [smem:$0x3FB4]  }
0x2d: {  	s3 =	simm.s32 $0x108;
	s8 =	sld [smem:$0x3FB5]  }
0x2e: {  	s3 =	simm.s32 @!p0 $0x1082;
	s9 =	sld [smem:$0x3FB6]  }
0x2f: {  	lr =	sadd.s32 s0, s3;
	s0 =	sld [smem:$0x3FAD]  }
0x30: {  	s3 =	sld [smem:$0x3FB0]  }
0x31: {  	[smem:$0x3FB9] =	sst s10  }
0x32: {  	s10 =	sld [smem:$0x3FB7];
	_ =	sdelay $0x3  }
0x33: {  	p0 =	seq.s32 s10, $0x1;
	s10 =	sld [smem:$0x3FB9];
	_ =	sdelay $0x3  }
0x34: {  	[smem:$0x3FB9] =	sst s10  }
0x35: {  	s10 =	sld [smem:$0x3FB8];
	_ =	sdelay $0x3  }
0x36: {  	p1 =	seq.s32 s10, $0x1;
	s10 =	sld [smem:$0x3FB9];
	_ =	sdelay $0x3  }
0x37: {  	[smem:$0x3FB9] =	sst s10  }
0x38: {  	s10 =	sld [smem:$0x3FBA]  }
0x39: {  	_ = 	snop;
	(pc) =	sbr.ind lr, $3  }
0x3a: {  	_ = 	snop  }
0x3b: {  	_ = 	snop  }
0x3c: {  	p2 =	seq.s32 s10, $0x1;
	s10 =	sld [smem:$0x3FB9]  }
0x3d: {  	_ =	shalt  }
0x3e: {  	_ =	shalt  }
0x3f: {  	_ =	shalt  }
0x40: {  	_ =	shalt  }
0x41: {  	_ =	shalt  }
0x42: {  	_ =	shalt  }
0x43: {  	_ =	shalt  }
0x44: {  	_ =	shalt  }
0x45: {  	_ =	shalt  }
0x46: {  	_ =	shalt  }
0x47: {  	_ =	shalt  }
0x48: {  	_ =	shalt  }
0x49: {  	_ =	shalt  }
0x4a: {  	_ =	shalt  }
0x4b: {  	_ =	shalt  }
0x4c: {  	_ =	shalt  }
0x4d: {  	_ =	shalt  }
0x4e: {  	_ =	shalt  }
0x4f: {  	_ =	shalt  }
0x50: {  	_ =	shalt  }
0x51: {  	_ =	shalt  }
0x52: {  	_ =	shalt  }
0x53: {  	_ =	shalt  }
0x54: {  	_ =	shalt  }
0x55: {  	_ =	shalt  }
0x56: {  	_ =	shalt  }
0x57: {  	_ =	shalt  }
0x58: {  	_ =	shalt  }
0x59: {  	_ =	shalt  }
0x5a: {  	_ =	shalt  }
0x5b: {  	_ =	shalt  }
0x5c: {  	_ =	shalt  }
0x5d: {  	_ =	shalt  }
0x5e: {  	_ =	shalt  }
0x5f: {  	_ =	shalt  }
0x60: {  	_ =	shalt  }
0x61: {  	_ =	shalt  }
0x62: {  	_ =	shalt  }
0x63: {  	_ =	shalt  }
0x64: {  	_ =	shalt  }
0x65: {  	_ =	shalt  }
0x66: {  	_ =	shalt  }
0x67: {  	_ =	shalt  }
0x68: {  	_ =	shalt  }
0x69: {  	_ =	shalt  }
0x6a: {  	_ =	shalt  }
0x6b: {  	_ =	shalt  }
0x6c: {  	_ =	shalt  }
0x6d: {  	_ =	shalt  }
0x6e: {  	_ =	shalt  }
0x6f: {  	_ =	shalt  }
0x70: {  	_ =	shalt  }
0x71: {  	_ =	shalt  }
0x72: {  	_ =	shalt  }
0x73: {  	_ =	shalt  }
0x74: {  	_ =	shalt  }
0x75: {  	_ =	shalt  }
0x76: {  	_ =	shalt  }
0x77: {  	_ =	shalt  }
0x78: {  	_ =	shalt  }
0x79: {  	_ =	shalt  }
0x7a: {  	_ =	shalt  }
0x7b: {  	_ =	shalt  }
0x7c: {  	_ =	shalt  }
0x7d: {  	_ =	shalt  }
0x7e: {  	_ =	shalt  }
0x7f: {  	_ =	shalt  }
0x80: {  	_ =	shalt  }
0x81: {  	_ =	shalt  }
0x82: {  	_ =	shalt  }
0x83: {  	_ =	shalt  }
0x84: {  	_ =	shalt  }
0x85: {  	_ =	shalt  }
0x86: {  	_ =	shalt  }
0x87: {  	_ =	shalt  }
.Lfunc_end0:
.L_simem_size_0:
called_computation_lowered:
.L_overlay_start_0:
0x88: {  	s2 =	sld [smem:$0x3FD9]  }
0x89: {  	s3 =	sld [smem:$0x3FFE];
	_ =	sdelay $0x1  }
0x8a: {  	s1 =	srdreg.scid  }
0x8b: {  	s0 =	sand.u32 $0x1, s1  }
0x8c: {  	s16 =	sshll.u32 s0, $0xA;
	s2 =	sadd.s32 s3, s2  }
0x8d: {  	s2 =	sadd.s32 s2, s16  }
0x8e: {  	[smem:$0x3FC5] =	sst s2  }
0x8f: {  	_ = 	snop  }
0x90: {  	(tm) =	ssettm $0x1  }
0x91: {  	s17 =	sld [smem:$0x3FFB];
	_ =	sdelay $0x3  }
0x92: {  	_ =	strace s17  }
0x93: {  	s2 =	sld [smem:$0x3FFC];
	_ =	sdelay $0x3  }
0x94: {  	_ =	strace s2  }
0x95: {  	s2 =	sld [smem:$0x3FFD];
	_ =	sdelay $0x3  }
0x96: {  	_ =	strace s2  }
0x97: {  	_ =	strace $0x8FFFFFFF  }
0x98: {  	s18 =	sld [smem:$0x3FDB];
	_ =	sdelay $0x1  }
0x99: {  	s19 =	simm.s32 $_scs_section_size  }
0x9a: {  	s4 =	simm.s32 $_size__tile_overlayer_lowered;
	s5 =	simm.s32 $_tile_overlayer_lowered  }
0x9b: {  	s22 =	simm.s32 $0x1BFF;
	s21 =	sshll.u32 s5, $0x1;
	s2 =	sadd.s32 s19, s18  }
0x9c: {  	s6 =	simm.s32 $0x0;
	s20 =	sshll.u32 s4, $0x1;
	s4 =	sadd.s32 s21, s2  }
0x9d: {  	[timem:s6], [sflag:s22] =	dma.local [hbm:s4], s20  }
0x9e: {  	_ =	swait.ge [sflag:s22], s20  }
0x9f: {  	s3 =	ssub.s32 $0x0, s20;
	[sflag:s22] =	ssyncset.done $0x0  }
0xa0: {  	[sflag:s22] =	ssyncadd.s32 s3;
	_ =	sdelay $0x1  }
0xa1: {  	s23 =	simm.s32 $0x1B8B  }
0xa2: {  	_ =	swait.ge [sflag:s23], $0x1  }
0xa3: {  	[sflag:s23] =	ssyncset.done $0x0  }
0xa4: {  	s25 =	simm.s32 $0x1B8E;
	s24 =	sld [smem:$0x3FFE];
	[sflag:s23] =	ssyncadd.s32 $0xFFFFFFFF  }
0xa5: {  	s26 =	simm.s32 $execute0_lowered;
	[smem:$0x3FD2] =	sst s25  }
0xa6: {  	s4 =	sshll.u32 s26, $0x1;
	_ =	strace $0x80000046;
	[dreg:$0x1] =	wrdreg $0xFFFFFFFF  }
0xa7: {  	s28 =	simm.s32 $_size_execute0_lowered;
	s2 =	sadd.s32 s2, s4;
	[dreg:$0x0] =	wrdreg $0x0  }
0xa8: {  	s4 =	sshll.u32 s28, $0x1;
	[dreg:$0x2] =	wrdreg s2  }
0xa9: {  	[dreg:$0x3] =	wrdreg s4  }
0xaa: {  	[dreg:$0x4] =	wrdreg $0xC0  }
0xab: {  	_ =	task [dreg:s6], $0x5FFFF  }
0xac: {  	[dreg:$0x1] =	wrdreg $0xFFFFFFFF  }
0xad: {  	[dreg:$0x0] =	wrdreg $0x60  }
0xae: {  	[dreg:$0x2] =	wrdreg s24  }
0xaf: {  	[dreg:$0x3] =	wrdreg $0x9  }
0xb0: {  	_ =	task.clear_ibuf [dreg:s6], $0x4FFFF;
	_ =	strace $0x90000046  }
0xb1: {  	s29 =	simm.s32 $0x9;
	_ =	strace $0x80000048  }
0xb2: {  	_ =	swait.ge [sflag:s29], $0x1  }
0xb3: {  	[sflag:s29] =	ssyncadd.s32 $0xFFFFFFFF  }
0xb4: {  	_ =	strace $0x90000048  }
0xb5: {  	_ =	sfence  }
0xb6: {  	s30 =	sld [smem:$0x0];
	_ =	sdelay $0x2  }
0xb7: {  	s31 =	sshll.u32 s1, $0xD;
	s1 =	sshrl.u32 s1, $0x2  }
0xb8: {  	s3 =	sand.u32 $0x4000, s31;
	s1 =	sadd.s32 s1, s30  }
0xb9: {  	s0 =	sor.u32 s3, s0;
	s1 =	sshll.u32 s1, $0x11  }
0xba: {  	s0 =	sor.u32 s1, s0  }
0xbb: {  	s0 =	sadd.s32 $0x8F2B, s0  }
0xbc: {  	[sflag:s0] =	ssyncadd.remote.s32 $0x1  }
0xbd: {  	_ =	sfence.sel $0xFFFF  }
0xbe: {  	[dreg:$0x0] =	wrdreg $0xFFFFFFFF;
	(pc) =	sbr.abs _section_cstart, $3  }
0xbf: {  	[dreg:$0x1] =	wrdreg $0xFFFFFFFF  }
0xc0: {  	_ =	task.clear_ibuf [dreg:s6], $0x2FFFF;
	_ =	strace $0x9FFFFFFF  }
0xc1: {  	(tm) =	ssettm $0x7FFFFFFF  }
tec
execute0_lowered:
.L_overlay_start_1:
0x0: {  	(tag) =	ssettag $0x1  }
0x1: {  	s4 =	rddreg [dreg:$0x0];
	s2 =	srdreg.scid  }
0x2: {  	s0 =	rddreg [dreg:$0x1];
	s1 =	stileid.u32;
	s10 =	simm.s32 $0x1  }
0x3: {  	s11 =	simm.s32 $0x2800;
	s12 =	simm.s32 $0x2;
	s13 =	simm.s32 $0x0  }
0x4: {  	s3 =	sand.u32 $0x1, s2;
	s2 =	simm.s32 $0x0;
	s5 =	sshll.u32 s1, $0x8  }
0x5: {  	s6 =	sshll.u32 s3, $0x7;
	[smem:$0x7FF] =	sst s2;
	s7 =	ssub.s32 $0x2, s3  }
.Ltmp0:
0x6: {  	s3 =	sadd.s32 $0x2E00, s4;
	s5 =	sor.u32 s6, s5;
	(pc) =	sbr.rel .LBB2_1-.Ltmp0, $4  }
0x7: {  	_ =	strace $0x80000047;
	s8 =	sshrl.u32 s7, $0x1;
	s6 =	sadd.s32 s5, s4  }
0x8: {  	s5 =	sshrl.u32 s5, $0x3;
	s7 =	ssub.s32 s7, s8;
	s8 =	simm.s32 $0x400  }
0x9: {  	v0 =	vlaneseq.u32;
	v20 =	vimm.s32 $0x0;
	s9 =	sadd.s32 s5, s4;
	s4 =	sadd.s32 $0xE00, s6;
	s5 =	sadd.s32 $0x1E00, s6  }
0xa: {  	v2 =	vor.u32 $0x10, v0;
	v3 =	vor.u32 $0x30, v0;
	v4 =	vor.u32 $0x20, v0;
	s7 =	smax.u32 s7, $0x1;
	s6 =	sadd.s32 $0x3200, s9;
	s9 =	simm.s32 $0x800  }
.LBB2_14:
0xb: {  	s13 =	sadd.s32 $0x1, s13  }
0xc: {  	p0 =	sne.s32 s13, s7  }
.Ltmp1:
0xd: {  	_ = 	snop;
	(pc) =	sbr.rel @!p0 .LBB2_15-.Ltmp1, $4  }
0xe: {  	[hbm4b:s6+s2] =	stream.linear.scatter [tilespmem:s11], [sflag:$0x2], $0x80, $0x38;
	[tilespmem:$0x2880] =	vst v63  }
0xf: {  	_ =	swait.ge [sflag:s12], $0x80  }
0x10: {  	[sflag:s12] =	ssyncset.done $0x0  }
0x11: {  	[sflag:s12] =	ssyncadd.s32 $0xFFFFFF80  }
.LBB2_1:
0x12: {  	[tilespmem:s2], [sflag:$0x1] =	stream.linear.gather [hbm4b:s4+s2], $0x400, $0x38;
	[tilespmem:$0x2880] =	vst v63  }
0x13: {  	_ = 	snop  }
0x14: {  	[tilespmem:s8], [sflag:$0x1] =	stream.linear.gather [hbm4b:s5+s2], $0x400, $0x38;
	[tilespmem:$0x2880] =	vst v63  }
0x15: {  	_ = 	snop  }
0x16: {  	[tilespmem:s9], [sflag:$0x1] =	stream.linear.gather [hbm4b:s3+s2], $0x2000, $0x38;
	[tilespmem:$0x2880] =	vst v63  }
0x17: {  	_ =	swait.ge [sflag:s10], $0x400  }
0x18: {  	[sflag:s10] =	ssyncset.done $0x0  }
0x19: {  	[sflag:s10] =	ssyncadd.s32 $0xFFFFFC00  }
0x1a: {  	_ =	swait.ge [sflag:s10], $0x400  }
0x1b: {  	[sflag:s10] =	ssyncset.done $0x0  }
.Ltmp2:
0x1c: {  	[sflag:s10] =	ssyncadd.s32 $0xFFFFFC00;
	(pc) =	sbr.rel .LBB2_2-.Ltmp2, $4  }
0x1d: {  	_ =	swait.ge [sflag:s10], $0x2000  }
0x1e: {  	[sflag:s10] =	ssyncset.done $0x0  }
0x1f: {  	v1 =	vimm.f32 $0.0e+00;
	[sflag:s10] =	ssyncadd.s32 $0xFFFFE000  }
0x20: {  	s14 =	simm.s32 $0x0;
	[tilespmem:$0x2800] =	vst v1  }
.LBB2_13:
0x21: {  	s14 =	sadd.s32 $0x1, s14  }
0x22: {  	p0 =	sne.s32 s14, $0x8  }
.Ltmp3:
0x23: {  	_ = 	snop;
	(pc) =	sbr.rel @!p0 .LBB2_14-.Ltmp3, $1  }
0x24: {  	_ =	sdelay $0x3  }
.LBB2_2:
0x25: {  	s16 =	sshll.u32 s14, $0x7  }
0x26: {  	v5 =	vld [tilespmem:s16+$0x400];
	_ =	sdelay $0x4  }
0x27: {  	v1 =	vxor.u32 $0x80000000, v5  }
0x28: {  	(xrf0) =	vmax.scan.msk.u32 $0xffff, v1;
	_ =	sdelay $0x5  }
0x29: {  	v1, _, _ =	vpop (xrf0)  }
0x2a: {  	(v2sf) =	vpush v1, $0xF;
	_ =	sdelay $0xe  }
0x2b: {  	s15 =	spop (v2sf)  }
0x2c: {  	p0 =	slt.u32 s15, $0x80000002  }
.Ltmp4:
0x2d: {  	_ = 	snop;
	(pc) =	sbr.rel @p0 .LBB2_13-.Ltmp4, $1  }
0x2e: {  	_ =	sdelay $0x3  }
0x2f: {  	v6 =	vld [tilespmem:s16+$0x430]  }
0x30: {  	v7 =	vld [tilespmem:s16+$0x420]  }
0x31: {  	v8 =	vld [tilespmem:s16+$0x410]  }
0x32: {  	s15 =	sor.u32 $0x10, s16;
	v1 =	vld [tilespmem:s16+$0x0]  }
0x33: {  	s17 =	sor.u32 $0x20, s16;
	v21 =	vld [tilespmem:s15+$0x0]  }
0x34: {  	s28 =	sor.u32 $0x30, s16;
	v26 =	vld [tilespmem:s17+$0x0]  }
0x35: {  	v27 =	vld [tilespmem:s28+$0x0]  }
0x36: {  	v5 =	vand.u32 $0x1, v5  }
0x37: {  	vm0 =	veq.s32 v5, $0x1;
	v5 =	vand.u32 $0x1, v8  }
0x38: {  	v6 =	vand.u32 $0x1, v6;
	vm1 =	veq.s32 v5, $0x1;
	v5 =	vand.u32 $0x1, v7  }
0x39: {  	vm3 =	veq.s32 v6, $0x1;
	vm2 =	veq.s32 v5, $0x1;
	v5 =	vsel vm0, $0xFF800000, v1  }
0x3a: {  	v6 =	vsel vm1, $0xFF800000, v21;
	v8 =	vsel vm3, $0xFF800000, v27;
	v7 =	vsel vm2, $0xFF800000, v26  }
0x3b: {  	vm4 =	vgt.f32 v5, v6;
	vm5 =	vgt.f32 v7, v8  }
0x3c: {  	v9 =	vsel vm4, v5, v6;
	v10 =	vsel vm5, v7, v8  }
0x3d: {  	vm6 =	vgt.f32 v9, v10  }
0x3e: {  	v9 =	vsel vm6, v9, v10  }
0x3f: {  	(xrf0) =	vmax.scan.msk.f32 $0xffff, v9;
	_ =	sdelay $0x5  }
0x40: {  	v10, _, _ =	vpop (xrf0)  }
0x41: {  	v11 =	vsel vm4, v0, v2;
	v22 =	vsel vm5, v4, v3;
	v10 =	vbroadcast v10, $0xF  }
0x42: {  	v11 =	vsel vm6, v11, v22  }
0x43: {  	vm4 =	veq.f32 v9, v10;
	v9 =	vor.u32 $0x80000000, v11  }
0x44: {  	v9 =	vnsel vm4, $0x7FFFFFFF, v9  }
0x45: {  	(xrf0) =	vmax.scan.msk.u32 $0xffff, v9;
	_ =	sdelay $0x5  }
0x46: {  	v9, _, _ =	vpop (xrf0)  }
0x47: {  	(v2sf) =	vpush v9, $0xF;
	_ =	sdelay $0xe  }
0x48: {  	s29 =	spop (v2sf)  }
0x49: {  	s18 =	sxor.u32 $0x80000000, s29  }
0x4a: {  	v9 =	vmov s18  }
0x4b: {  	vm4 =	veq.s32 v9, v0;
	vm5 =	veq.s32 v9, v2  }
0x4c: {  	vm10 =	veq.s32 v9, v4;
	v5 =	vsel vm4, $0xFF800000, v5;
	vm4 =	veq.s32 v9, v3  }
0x4d: {  	v6 =	vsel vm5, $0xFF800000, v6;
	v7 =	vsel vm10, $0xFF800000, v7;
	v8 =	vsel vm4, $0xFF800000, v8  }
0x4e: {  	vm4 =	vgt.f32 v5, v6;
	vm5 =	vgt.f32 v7, v8  }
0x4f: {  	v9 =	vsel vm4, v5, v6;
	v10 =	vsel vm5, v7, v8  }
0x50: {  	vm11 =	vgt.f32 v9, v10  }
0x51: {  	v9 =	vsel vm11, v9, v10  }
0x52: {  	(xrf0) =	vmax.scan.msk.f32 $0xffff, v9;
	_ =	sdelay $0x5  }
0x53: {  	v10, _, _ =	vpop (xrf0)  }
0x54: {  	v11 =	vsel vm4, v0, v2;
	v22 =	vsel vm5, v4, v3;
	v10 =	vbroadcast v10, $0xF  }
0x55: {  	v11 =	vsel vm11, v11, v22  }
0x56: {  	vm4 =	veq.f32 v9, v10;
	v9 =	vor.u32 $0x80000000, v11  }
0x57: {  	v9 =	vnsel vm4, $0x7FFFFFFF, v9  }
0x58: {  	(xrf0) =	vmax.scan.msk.u32 $0xffff, v9;
	_ =	sdelay $0x5  }
0x59: {  	v9, _, _ =	vpop (xrf0)  }
0x5a: {  	(v2sf) =	vpush v9, $0xF;
	_ =	sdelay $0xe  }
0x5b: {  	s30 =	spop (v2sf)  }
0x5c: {  	s17 =	sxor.u32 $0x80000000, s30  }
0x5d: {  	v9 =	vmov s17  }
0x5e: {  	vm4 =	veq.s32 v9, v0;
	vm5 =	veq.s32 v9, v2  }
0x5f: {  	vm12 =	veq.s32 v9, v4;
	v5 =	vsel vm4, $0xFF800000, v5;
	vm4 =	veq.s32 v9, v3  }
0x60: {  	v9 =	vsel vm5, $0xFF800000, v6;
	v10 =	vsel vm12, $0xFF800000, v7;
	v11 =	vsel vm4, $0xFF800000, v8  }
0x61: {  	vm4 =	vgt.f32 v5, v9;
	vm5 =	vgt.f32 v10, v11  }
0x62: {  	v6 =	vsel vm4, v5, v9;
	v7 =	vsel vm5, v10, v11  }
0x63: {  	vm13 =	vgt.f32 v6, v7  }
0x64: {  	v6 =	vsel vm13, v6, v7  }
0x65: {  	(xrf0) =	vmax.scan.msk.f32 $0xffff, v6;
	_ =	sdelay $0x5  }
0x66: {  	v7, _, _ =	vpop (xrf0)  }
0x67: {  	v8 =	vsel vm4, v0, v2;
	v22 =	vsel vm5, v4, v3;
	v7 =	vbroadcast v7, $0xF  }
0x68: {  	v8 =	vsel vm13, v8, v22  }
0x69: {  	vm4 =	veq.f32 v6, v7;
	v6 =	vor.u32 $0x80000000, v8  }
0x6a: {  	v6 =	vnsel vm4, $0x7FFFFFFF, v6  }
0x6b: {  	(xrf0) =	vmax.scan.msk.u32 $0xffff, v6;
	_ =	sdelay $0x5  }
0x6c: {  	v6, _, _ =	vpop (xrf0)  }
0x6d: {  	(v2sf) =	vpush v6, $0xF;
	_ =	sdelay $0xe  }
0x6e: {  	s31 =	spop (v2sf)  }
0x6f: {  	s19 =	sxor.u32 $0x80000000, s31  }
0x70: {  	v7 =	vmov s19  }
0x71: {  	vm4 =	veq.s32 v7, v0;
	vm5 =	veq.s32 v7, v2  }
0x72: {  	vm14 =	veq.s32 v7, v4;
	v6 =	vsel vm4, $0xFF800000, v5;
	vm4 =	veq.s32 v7, v3  }
0x73: {  	v7 =	vsel vm5, $0xFF800000, v9;
	v8 =	vsel vm14, $0xFF800000, v10;
	v9 =	vsel vm4, $0xFF800000, v11  }
0x74: {  	vm4 =	vgt.f32 v6, v7;
	vm5 =	vgt.f32 v8, v9  }
0x75: {  	v5 =	vsel vm4, v6, v7;
	v10 =	vsel vm5, v8, v9  }
0x76: {  	vm15 =	vgt.f32 v5, v10  }
0x77: {  	v5 =	vsel vm15, v5, v10  }
0x78: {  	(xrf0) =	vmax.scan.msk.f32 $0xffff, v5;
	_ =	sdelay $0x5  }
0x79: {  	v10, _, _ =	vpop (xrf0)  }
0x7a: {  	v11 =	vsel vm4, v0, v2;
	v22 =	vsel vm5, v4, v3;
	v10 =	vbroadcast v10, $0xF  }
0x7b: {  	v11 =	vsel vm15, v11, v22  }
0x7c: {  	v11 =	vor.u32 $0x80000000, v11;
	vm4 =	veq.f32 v5, v10  }
0x7d: {  	v5 =	vnsel vm4, $0x7FFFFFFF, v11  }
0x7e: {  	(xrf0) =	vmax.scan.msk.u32 $0xffff, v5;
	_ =	sdelay $0x5  }
0x7f: {  	v11, _, _ =	vpop (xrf0)  }
0x80: {  	(v2sf) =	vpush v11, $0xF;
	_ =	sdelay $0x8  }
0x81: {  	s15 =	simm.s32 $0x0  }
0x82: {  	v23 =	vmpcnt.ones.xlane vm1;
	v25 =	vmpcnt.ones.xlane vm3;
	v5 =	vmov s15  }
0x83: {  	s20 =	simm.s32 $0x1;
	v24 =	vmpcnt.ones.xlane vm2;
	v10 =	vimm.s32 $0x0;
	vm4 =	veq.s32 v5, v0  }
0x84: {  	s16 =	sadd.s32 $0x400, s16;
	v22 =	vmpcnt.ones.xlane vm0;
	v5 =	vsel vm4, s18, v10;
	s18 =	simm.s32 $0x4;
	v10 =	vmov s20;
	s20 =	simm.s32 $0x2  }
.LBB2_4:
0x85: {  	p0 =	slt.u32 s18, $0xC  }
0x86: {  	vm4 =	veq.s32 v10, v0;
	v10 =	vmov s20;
	s20 =	sadd.s32 $0x3, s15;
	s15 =	smov.u32 s18;
	s18 =	sadd.s32 $0x4, s18  }
0x87: {  	v5 =	vsel vm4, s17, v5;
	vm4 =	veq.s32 v10, v0;
	v10 =	vmov s20;
	s17 =	spop (v2sf)  }
0x88: {  	v5 =	vsel vm4, s19, v5;
	s17 =	sxor.u32 $0x80000000, s17;
	vm4 =	veq.s32 v10, v0  }
0x89: {  	v10 =	vmov s17;
	v5 =	vsel vm4, s17, v5  }
0x8a: {  	vm4 =	veq.s32 v10, v0;
	vm5 =	veq.s32 v10, v2;
	vm6 =	veq.s32 v10, v4  }
0x8b: {  	v6 =	vsel vm4, $0xFF800000, v6;
	v7 =	vsel vm5, $0xFF800000, v7;
	vm4 =	veq.s32 v10, v3  }
0x8c: {  	v8 =	vsel vm6, $0xFF800000, v8;
	vm5 =	vgt.f32 v6, v7;
	v9 =	vsel vm4, $0xFF800000, v9  }
0x8d: {  	v10 =	vsel vm5, v6, v7;
	vm4 =	vgt.f32 v8, v9  }
0x8e: {  	v11 =	vsel vm4, v8, v9  }
0x8f: {  	v28 =	vsel vm5, v0, v2;
	v29 =	vsel vm4, v4, v3;
	vm4 =	vgt.f32 v10, v11  }
0x90: {  	v10 =	vsel vm4, v10, v11;
	v11 =	vsel vm4, v28, v29  }
0x91: {  	(xrf0) =	vmax.scan.msk.f32 $0xffff, v10;
	_ =	sdelay $0x5  }
0x92: {  	v28, _, _ =	vpop (xrf0)  }
0x93: {  	v28 =	vbroadcast v28, $0xF;
	_ =	sdelay $0x1  }
0x94: {  	vm4 =	veq.f32 v10, v28;
	v10 =	vor.u32 $0x80000000, v11  }
0x95: {  	v10 =	vnsel vm4, $0x7FFFFFFF, v10  }
0x96: {  	(xrf0) =	vmax.scan.msk.u32 $0xffff, v10;
	_ =	sdelay $0x5  }
0x97: {  	v10, _, _ =	vpop (xrf0)  }
0x98: {  	(v2sf) =	vpush v10, $0xF;
	_ =	sdelay $0xe  }
0x99: {  	v10 =	vmov s15;
	s17 =	spop (v2sf)  }
0x9a: {  	vm4 =	veq.s32 v10, v0;
	s17 =	sxor.u32 $0x80000000, s17  }
0x9b: {  	v10 =	vmov s17;
	v5 =	vsel vm4, s17, v5  }
0x9c: {  	vm4 =	veq.s32 v10, v0;
	vm5 =	veq.s32 v10, v2;
	vm6 =	veq.s32 v10, v4  }
0x9d: {  	v6 =	vsel vm4, $0xFF800000, v6;
	v7 =	vsel vm5, $0xFF800000, v7;
	vm4 =	veq.s32 v10, v3  }
0x9e: {  	v8 =	vsel vm6, $0xFF800000, v8;
	v9 =	vsel vm4, $0xFF800000, v9;
	vm4 =	vgt.f32 v6, v7  }
0x9f: {  	v10 =	vsel vm4, v6, v7;
	vm5 =	vgt.f32 v8, v9  }
0xa0: {  	v11 =	vsel vm5, v8, v9  }
0xa1: {  	v28 =	vsel vm4, v0, v2;
	v29 =	vsel vm5, v4, v3;
	vm4 =	vgt.f32 v10, v11  }
0xa2: {  	v10 =	vsel vm4, v10, v11;
	v11 =	vsel vm4, v28, v29  }
0xa3: {  	(xrf0) =	vmax.scan.msk.f32 $0xffff, v10;
	_ =	sdelay $0x5  }
0xa4: {  	v28, _, _ =	vpop (xrf0)  }
0xa5: {  	v28 =	vbroadcast v28, $0xF;
	_ =	sdelay $0x1  }
0xa6: {  	vm4 =	veq.f32 v10, v28;
	v10 =	vor.u32 $0x80000000, v11  }
0xa7: {  	v10 =	vnsel vm4, $0x7FFFFFFF, v10  }
0xa8: {  	(xrf0) =	vmax.scan.msk.u32 $0xffff, v10;
	_ =	sdelay $0x5  }
0xa9: {  	v10, _, _ =	vpop (xrf0)  }
0xaa: {  	(v2sf) =	vpush v10, $0xF;
	_ =	sdelay $0xe  }
0xab: {  	s17 =	spop (v2sf)  }
0xac: {  	s17 =	sxor.u32 $0x80000000, s17  }
0xad: {  	v10 =	vmov s17  }
0xae: {  	vm4 =	veq.s32 v10, v0;
	vm5 =	veq.s32 v10, v2;
	vm6 =	veq.s32 v10, v4  }
0xaf: {  	v6 =	vsel vm4, $0xFF800000, v6;
	v7 =	vsel vm5, $0xFF800000, v7;
	vm4 =	veq.s32 v10, v3  }
0xb0: {  	v8 =	vsel vm6, $0xFF800000, v8;
	v9 =	vsel vm4, $0xFF800000, v9;
	vm4 =	vgt.f32 v6, v7  }
0xb1: {  	v10 =	vsel vm4, v6, v7;
	vm5 =	vgt.f32 v8, v9  }
0xb2: {  	v11 =	vsel vm5, v8, v9  }
0xb3: {  	v28 =	vsel vm4, v0, v2;
	v29 =	vsel vm5, v4, v3;
	vm4 =	vgt.f32 v10, v11  }
0xb4: {  	v10 =	vsel vm4, v10, v11;
	v11 =	vsel vm4, v28, v29  }
0xb5: {  	(xrf0) =	vmax.scan.msk.f32 $0xffff, v10;
	_ =	sdelay $0x5  }
0xb6: {  	v28, _, _ =	vpop (xrf0)  }
0xb7: {  	v28 =	vbroadcast v28, $0xF;
	_ =	sdelay $0x1  }
0xb8: {  	vm4 =	veq.f32 v10, v28;
	v10 =	vor.u32 $0x80000000, v11  }
0xb9: {  	v10 =	vnsel vm4, $0x7FFFFFFF, v10  }
0xba: {  	(xrf0) =	vmax.scan.msk.u32 $0xffff, v10;
	_ =	sdelay $0x5  }
0xbb: {  	v10, _, _ =	vpop (xrf0)  }
0xbc: {  	(v2sf) =	vpush v10, $0xF;
	_ =	sdelay $0xe  }
0xbd: {  	s19 =	spop (v2sf)  }
0xbe: {  	s19 =	sxor.u32 $0x80000000, s19  }
0xbf: {  	v10 =	vmov s19  }
0xc0: {  	vm4 =	veq.s32 v10, v0;
	vm5 =	veq.s32 v10, v2;
	vm6 =	veq.s32 v10, v4  }
0xc1: {  	v6 =	vsel vm4, $0xFF800000, v6;
	v7 =	vsel vm5, $0xFF800000, v7;
	vm4 =	veq.s32 v10, v3  }
0xc2: {  	v8 =	vsel vm6, $0xFF800000, v8;
	v9 =	vsel vm4, $0xFF800000, v9;
	vm4 =	vgt.f32 v6, v7  }
0xc3: {  	v10 =	vsel vm4, v6, v7;
	vm5 =	vgt.f32 v8, v9  }
0xc4: {  	v11 =	vsel vm5, v8, v9  }
0xc5: {  	v28 =	vsel vm4, v0, v2;
	v29 =	vsel vm5, v4, v3;
	vm4 =	vgt.f32 v10, v11  }
0xc6: {  	v10 =	vsel vm4, v10, v11;
	v11 =	vsel vm4, v28, v29  }
0xc7: {  	(xrf0) =	vmax.scan.msk.f32 $0xffff, v10;
	_ =	sdelay $0x5  }
0xc8: {  	v28, _, _ =	vpop (xrf0)  }
0xc9: {  	v28 =	vbroadcast v28, $0xF  }
0xca: {  	v11 =	vor.u32 $0x80000000, v11  }
0xcb: {  	vm4 =	veq.f32 v10, v28  }
0xcc: {  	v10 =	vnsel vm4, $0x7FFFFFFF, v11  }
0xcd: {  	(xrf0) =	vmax.scan.msk.u32 $0xffff, v10;
	_ =	sdelay $0x5  }
0xce: {  	v10, _, _ =	vpop (xrf0)  }
0xcf: {  	(v2sf) =	vpush v10, $0xF;
	_ =	sdelay $0x8  }
.Ltmp5:
0xd0: {  	(pc) =	sbr.rel @p0 .LBB2_4-.Ltmp5, $3  }
0xd1: {  	_ =	sdelay $0x1  }
0xd2: {  	s20 =	sadd.s32 $0x1, s15  }
0xd3: {  	v10 =	vmov s20;
	s20 =	sadd.s32 $0x2, s15  }
0xd4: {  	v1 =	vnsel vm0, $0x7F800000, v1  }
0xd5: {  	v6 =	vnsel vm1, $0x7F800000, v21;
	v7 =	vnsel vm2, $0x7F800000, v26;
	v8 =	vnsel vm3, $0x7F800000, v27  }
0xd6: {  	vm0 =	vle.f32 v1, v6;
	vm1 =	vle.f32 v7, v8  }
0xd7: {  	v9 =	vsel vm0, v1, v6;
	v11 =	vsel vm1, v7, v8  }
0xd8: {  	vm2 =	vle.f32 v9, v11  }
0xd9: {  	v9 =	vsel vm2, v9, v11  }
0xda: {  	(xrf0) =	vmin.scan.msk.f32 $0xffff, v9;
	_ =	sdelay $0x5  }
0xdb: {  	v11, _, _ =	vpop (xrf0)  }
0xdc: {  	v21 =	vsel vm0, v0, v2;
	v26 =	vsel vm1, v4, v3;
	v27 =	vbroadcast v11, $0xF  }
0xdd: {  	v21 =	vsel vm2, v21, v26  }
0xde: {  	vm0 =	veq.f32 v9, v27;
	v9 =	vor.u32 $0x80000000, v21  }
0xdf: {  	v9 =	vnsel vm0, $0x80000063, v9  }
0xe0: {  	(xrf0) =	vmin.scan.msk.u32 $0xffff, v9;
	_ =	sdelay $0x5  }
0xe1: {  	(v2sf) =	vpush v11, $0xF;
	v9, _, _ =	vpop (xrf0)  }
0xe2: {  	(v2sf) =	vpush v9, $0xF;
	_ =	sdelay $0xc  }
0xe3: {  	s18 =	spop (v2sf)  }
0xe4: {  	s21 =	spop (v2sf)  }
0xe5: {  	p0 =	slt.f32 s21, $+Inf;
	s22 =	spop (v2sf)  }
0xe6: {  	s21 =	sxor.u32 $0x80000000, s22  }
0xe7: {  	s21 =	simm.s32 @!p0 $0x63  }
0xe8: {  	v9 =	vmov s21  }
0xe9: {  	vm0 =	veq.s32 v9, v0;
	vm1 =	veq.s32 v9, v2  }
0xea: {  	vm2 =	veq.s32 v9, v4;
	v1 =	vsel vm0, $0x7F800000, v1;
	vm0 =	veq.s32 v9, v3  }
0xeb: {  	v6 =	vsel vm1, $0x7F800000, v6;
	v7 =	vsel vm2, $0x7F800000, v7;
	v8 =	vsel vm0, $0x7F800000, v8  }
0xec: {  	vm0 =	vle.f32 v1, v6;
	vm1 =	vle.f32 v7, v8  }
0xed: {  	v9 =	vsel vm0, v1, v6;
	v11 =	vsel vm1, v7, v8  }
0xee: {  	vm2 =	vle.f32 v9, v11  }
0xef: {  	v9 =	vsel vm2, v9, v11  }
0xf0: {  	(xrf0) =	vmin.scan.msk.f32 $0xffff, v9;
	_ =	sdelay $0x5  }
0xf1: {  	v11, _, _ =	vpop (xrf0)  }
0xf2: {  	v21 =	vsel vm0, v0, v2;
	v26 =	vsel vm1, v4, v3;
	v27 =	vbroadcast v11, $0xF  }
0xf3: {  	v21 =	vsel vm2, v21, v26  }
0xf4: {  	v21 =	vor.u32 $0x80000000, v21;
	vm0 =	veq.f32 v9, v27  }
0xf5: {  	v9 =	vnsel vm0, $0x80000063, v21  }
0xf6: {  	(xrf0) =	vmin.scan.msk.u32 $0xffff, v9;
	_ =	sdelay $0x5  }
0xf7: {  	(v2sf) =	vpush v11, $0xF;
	v9, _, _ =	vpop (xrf0)  }
0xf8: {  	(v2sf) =	vpush v9, $0xF;
	_ =	sdelay $0xd  }
0xf9: {  	s22 =	spop (v2sf)  }
0xfa: {  	p0 =	slt.f32 s22, $+Inf;
	s23 =	spop (v2sf)  }
0xfb: {  	s22 =	sxor.u32 $0x80000000, s23  }
0xfc: {  	s22 =	simm.s32 @!p0 $0x63  }
0xfd: {  	v9 =	vmov s22  }
0xfe: {  	vm0 =	veq.s32 v9, v0;
	vm1 =	veq.s32 v9, v2  }
0xff: {  	vm2 =	veq.s32 v9, v4;
	v1 =	vsel vm0, $0x7F800000, v1;
	vm0 =	veq.s32 v9, v3  }
0x100: {  	v6 =	vsel vm1, $0x7F800000, v6;
	v7 =	vsel vm2, $0x7F800000, v7;
	v11 =	vsel vm0, $0x7F800000, v8  }
0x101: {  	vm0 =	vle.f32 v1, v6;
	vm1 =	vle.f32 v7, v11  }
0x102: {  	v8 =	vsel vm0, v1, v6;
	v9 =	vsel vm1, v7, v11  }
0x103: {  	vm2 =	vle.f32 v8, v9  }
0x104: {  	v8 =	vsel vm2, v8, v9  }
0x105: {  	(xrf0) =	vmin.scan.msk.f32 $0xffff, v8;
	_ =	sdelay $0x5  }
0x106: {  	v9, _, _ =	vpop (xrf0)  }
0x107: {  	v21 =	vsel vm0, v0, v2;
	v26 =	vsel vm1, v4, v3;
	v27 =	vbroadcast v9, $0xF  }
0x108: {  	v21 =	vsel vm2, v21, v26  }
0x109: {  	v21 =	vor.u32 $0x80000000, v21;
	vm0 =	veq.f32 v8, v27  }
0x10a: {  	v8 =	vnsel vm0, $0x80000063, v21  }
0x10b: {  	(xrf0) =	vmin.scan.msk.u32 $0xffff, v8;
	_ =	sdelay $0x5  }
0x10c: {  	(v2sf) =	vpush v9, $0xF;
	v8, _, _ =	vpop (xrf0)  }
0x10d: {  	(v2sf) =	vpush v8, $0xF;
	_ =	sdelay $0xd  }
0x10e: {  	s23 =	spop (v2sf)  }
0x10f: {  	p0 =	slt.f32 s23, $+Inf;
	s24 =	spop (v2sf)  }
0x110: {  	s23 =	sxor.u32 $0x80000000, s24  }
0x111: {  	s23 =	simm.s32 @!p0 $0x63  }
0x112: {  	v9 =	vmov s23  }
0x113: {  	vm0 =	veq.s32 v9, v0;
	vm1 =	veq.s32 v9, v2  }
0x114: {  	vm2 =	veq.s32 v9, v4;
	v8 =	vsel vm0, $0x7F800000, v1;
	vm0 =	veq.s32 v9, v3  }
0x115: {  	v9 =	vsel vm1, $0x7F800000, v6;
	v6 =	vsel vm2, $0x7F800000, v7;
	v7 =	vsel vm0, $0x7F800000, v11  }
0x116: {  	vm0 =	vle.f32 v8, v9;
	vm1 =	vle.f32 v6, v7  }
0x117: {  	v1 =	vsel vm0, v8, v9;
	v11 =	vsel vm1, v6, v7  }
0x118: {  	vm2 =	vle.f32 v1, v11  }
0x119: {  	v1 =	vsel vm2, v1, v11  }
0x11a: {  	(xrf0) =	vmin.scan.msk.f32 $0xffff, v1;
	_ =	sdelay $0x5  }
0x11b: {  	v11, _, _ =	vpop (xrf0)  }
0x11c: {  	v21 =	vsel vm0, v0, v2;
	v26 =	vsel vm1, v4, v3;
	v27 =	vbroadcast v11, $0xF  }
0x11d: {  	v21 =	vsel vm2, v21, v26  }
0x11e: {  	v21 =	vor.u32 $0x80000000, v21;
	vm0 =	veq.f32 v1, v27  }
0x11f: {  	v1 =	vnsel vm0, $0x80000063, v21  }
0x120: {  	(xrf0) =	vmin.scan.msk.u32 $0xffff, v1;
	_ =	sdelay $0x5  }
0x121: {  	(v2sf) =	vpush v11, $0xF;
	v1, _, _ =	vpop (xrf0)  }
0x122: {  	(v2sf) =	vpush v1, $0xF;
	_ =	sdelay $0x8  }
0x123: {  	s30 =	simm.s32 $0x3  }
0x124: {  	s15 =	sadd.s32 $0x3, s15;
	v11 =	vmov s30;
	vm0 =	veq.s32 v10, v0;
	v1 =	vmov s20  }
0x125: {  	s25 =	simm.s32 $0x0;
	v5 =	vsel vm0, s17, v5;
	vm0 =	veq.s32 v1, v0;
	v1 =	vmov s15  }
0x126: {  	s26 =	simm.s32 $0x1;
	v5 =	vsel vm0, s19, v5;
	vm0 =	veq.s32 v1, v0;
	v1 =	vmov s25  }
0x127: {  	s28 =	simm.s32 $0x2;
	v10 =	vimm.s32 $0x63;
	vm1 =	veq.s32 v1, v0;
	v1 =	vmov s26  }
0x128: {  	s18 =	sxor.u32 $0x80000000, s18;
	s29 =	spop (v2sf);
	v10 =	vsel vm1, s21, v10;
	vm1 =	veq.s32 v1, v0;
	v1 =	vmov s28  }
0x129: {  	v10 =	vsel vm1, s22, v10;
	vm1 =	veq.s32 v1, v0;
	v1 =	vsel vm0, s18, v5;
	s31 =	spop (v2sf)  }
0x12a: {  	s15 =	simm.s32 $0x4;
	p1 =	slt.f32 s29, $+Inf;
	vm0 =	veq.s32 v11, v0;
	[tilespmem:$0x1FFF0] =	vst v1;
	v1 =	vsel vm1, s23, v10;
	s18 =	sxor.u32 $0x80000000, s31  }
.LBB2_6:
0x12b: {  	p0 =	slt.u32 s15, $0xC  }
0x12c: {  	s18 =	simm.s32 @!p1 $0x63;
	s17 =	smov.u32 s15;
	s15 =	sadd.s32 $0x4, s15  }
0x12d: {  	v5 =	vmov s18;
	v1 =	vsel vm0, s18, v1  }
0x12e: {  	vm0 =	veq.s32 v5, v0;
	vm1 =	veq.s32 v5, v2;
	vm2 =	veq.s32 v5, v4  }
0x12f: {  	v8 =	vsel vm0, $0x7F800000, v8;
	v9 =	vsel vm1, $0x7F800000, v9;
	vm0 =	veq.s32 v5, v3  }
0x130: {  	v5 =	vsel vm2, $0x7F800000, v6;
	vm1 =	vle.f32 v8, v9;
	v6 =	vsel vm0, $0x7F800000, v7  }
0x131: {  	vm0 =	vle.f32 v5, v6  }
0x132: {  	v7 =	vsel vm1, v8, v9;
	v10 =	vsel vm0, v5, v6  }
0x133: {  	v11 =	vsel vm1, v0, v2;
	v26 =	vsel vm0, v4, v3;
	vm0 =	vle.f32 v7, v10  }
0x134: {  	v7 =	vsel vm0, v7, v10;
	v10 =	vsel vm0, v11, v26  }
0x135: {  	(xrf0) =	vmin.scan.msk.f32 $0xffff, v7;
	_ =	sdelay $0x5  }
0x136: {  	v11, _, _ =	vpop (xrf0)  }
0x137: {  	v26 =	vbroadcast v11, $0xF;
	(v2sf) =	vpush v11, $0xF;
	_ =	sdelay $0x1  }
0x138: {  	vm0 =	veq.f32 v7, v26;
	v7 =	vor.u32 $0x80000000, v10  }
0x139: {  	v7 =	vnsel vm0, $0x80000063, v7  }
0x13a: {  	(xrf0) =	vmin.scan.msk.u32 $0xffff, v7;
	_ =	sdelay $0x5  }
0x13b: {  	v7, _, _ =	vpop (xrf0)  }
0x13c: {  	(v2sf) =	vpush v7, $0xF;
	_ =	sdelay $0x3  }
0x13d: {  	s18 =	spop (v2sf);
	_ =	sdelay $0xa  }
0x13e: {  	p1 =	slt.f32 s18, $+Inf;
	s18 =	spop (v2sf)  }
0x13f: {  	s18 =	sxor.u32 $0x80000000, s18  }
0x140: {  	s18 =	simm.s32 @!p1 $0x63  }
0x141: {  	v7 =	vmov s18  }
0x142: {  	vm0 =	veq.s32 v7, v0;
	vm1 =	veq.s32 v7, v2;
	vm2 =	veq.s32 v7, v4  }
0x143: {  	v8 =	vsel vm0, $0x7F800000, v8;
	v9 =	vsel vm1, $0x7F800000, v9;
	vm0 =	veq.s32 v7, v3  }
0x144: {  	v5 =	vsel vm2, $0x7F800000, v5;
	v6 =	vsel vm0, $0x7F800000, v6;
	vm0 =	vle.f32 v8, v9  }
0x145: {  	v7 =	vsel vm0, v8, v9;
	vm1 =	vle.f32 v5, v6  }
0x146: {  	v10 =	vsel vm1, v5, v6  }
0x147: {  	v11 =	vsel vm0, v0, v2;
	v26 =	vsel vm1, v4, v3;
	vm0 =	vle.f32 v7, v10  }
0x148: {  	v7 =	vsel vm0, v7, v10;
	v10 =	vsel vm0, v11, v26  }
0x149: {  	(xrf0) =	vmin.scan.msk.f32 $0xffff, v7;
	_ =	sdelay $0x5  }
0x14a: {  	v11, _, _ =	vpop (xrf0)  }
0x14b: {  	v26 =	vbroadcast v11, $0xF;
	(v2sf) =	vpush v11, $0xF  }
0x14c: {  	v10 =	vor.u32 $0x80000000, v10  }
0x14d: {  	vm0 =	veq.f32 v7, v26  }
0x14e: {  	v7 =	vnsel vm0, $0x80000063, v10  }
0x14f: {  	(xrf0) =	vmin.scan.msk.u32 $0xffff, v7;
	_ =	sdelay $0x5  }
0x150: {  	v7, _, _ =	vpop (xrf0)  }
0x151: {  	(v2sf) =	vpush v7, $0xF;
	_ =	sdelay $0x3  }
0x152: {  	s19 =	spop (v2sf);
	_ =	sdelay $0x9  }
0x153: {  	p1 =	slt.f32 s19, $+Inf  }
0x154: {  	s19 =	spop (v2sf)  }
0x155: {  	s19 =	sxor.u32 $0x80000000, s19  }
0x156: {  	s19 =	simm.s32 @!p1 $0x63  }
0x157: {  	v7 =	vmov s19  }
0x158: {  	vm0 =	veq.s32 v7, v0;
	vm1 =	veq.s32 v7, v2;
	vm2 =	veq.s32 v7, v4  }
0x159: {  	v8 =	vsel vm0, $0x7F800000, v8;
	v9 =	vsel vm1, $0x7F800000, v9;
	vm0 =	veq.s32 v7, v3  }
0x15a: {  	v5 =	vsel vm2, $0x7F800000, v5;
	v7 =	vsel vm0, $0x7F800000, v6;
	vm0 =	vle.f32 v8, v9  }
0x15b: {  	v6 =	vsel vm0, v8, v9;
	vm1 =	vle.f32 v5, v7  }
0x15c: {  	v10 =	vsel vm1, v5, v7  }
0x15d: {  	v11 =	vsel vm0, v0, v2;
	v26 =	vsel vm1, v4, v3;
	vm0 =	vle.f32 v6, v10  }
0x15e: {  	v6 =	vsel vm0, v6, v10;
	v10 =	vsel vm0, v11, v26  }
0x15f: {  	(xrf0) =	vmin.scan.msk.f32 $0xffff, v6;
	_ =	sdelay $0x5  }
0x160: {  	v11, _, _ =	vpop (xrf0)  }
0x161: {  	v10 =	vor.u32 $0x80000000, v10;
	v26 =	vbroadcast v11, $0xF;
	(v2sf) =	vpush v11, $0xF;
	_ =	sdelay $0x1  }
0x162: {  	vm0 =	veq.f32 v6, v26  }
0x163: {  	v6 =	vnsel vm0, $0x80000063, v10  }
0x164: {  	(xrf0) =	vmin.scan.msk.u32 $0xffff, v6;
	_ =	sdelay $0x5  }
0x165: {  	v6, _, _ =	vpop (xrf0)  }
0x166: {  	(v2sf) =	vpush v6, $0xF;
	_ =	sdelay $0x3  }
0x167: {  	s20 =	spop (v2sf);
	_ =	sdelay $0x8  }
0x168: {  	p1 =	slt.f32 s20, $+Inf;
	_ =	sdelay $0x1  }
0x169: {  	s20 =	spop (v2sf)  }
0x16a: {  	s20 =	sxor.u32 $0x80000000, s20  }
0x16b: {  	s20 =	simm.s32 @!p1 $0x63  }
0x16c: {  	v6 =	vmov s20  }
0x16d: {  	vm0 =	veq.s32 v6, v0;
	vm1 =	veq.s32 v6, v2;
	vm2 =	veq.s32 v6, v4  }
0x16e: {  	v8 =	vsel vm0, $0x7F800000, v8;
	v9 =	vsel vm1, $0x7F800000, v9;
	vm0 =	veq.s32 v6, v3  }
0x16f: {  	v6 =	vsel vm2, $0x7F800000, v5;
	v7 =	vsel vm0, $0x7F800000, v7;
	vm0 =	vle.f32 v8, v9  }
0x170: {  	v5 =	vsel vm0, v8, v9;
	vm1 =	vle.f32 v6, v7  }
0x171: {  	v10 =	vsel vm1, v6, v7  }
0x172: {  	v11 =	vsel vm0, v0, v2;
	v26 =	vsel vm1, v4, v3;
	vm0 =	vle.f32 v5, v10  }
0x173: {  	v5 =	vsel vm0, v5, v10;
	v10 =	vsel vm0, v11, v26  }
0x174: {  	(xrf0) =	vmin.scan.msk.f32 $0xffff, v5;
	_ =	sdelay $0x5  }
0x175: {  	v10 =	vor.u32 $0x80000000, v10;
	v11, _, _ =	vpop (xrf0)  }
0x176: {  	v26 =	vbroadcast v11, $0xF;
	(v2sf) =	vpush v11, $0xF;
	_ =	sdelay $0x1  }
0x177: {  	vm0 =	veq.f32 v5, v26  }
0x178: {  	v5 =	vnsel vm0, $0x80000063, v10  }
0x179: {  	(xrf0) =	vmin.scan.msk.u32 $0xffff, v5;
	_ =	sdelay $0x5  }
0x17a: {  	v5, _, _ =	vpop (xrf0)  }
0x17b: {  	(v2sf) =	vpush v5, $0xF;
	_ =	sdelay $0x3  }
0x17c: {  	s21 =	spop (v2sf);
	_ =	sdelay $0x7  }
.Ltmp6:
0x17d: {  	s22 =	sadd.s32 $0x1, s17;
	v5 =	vmov s17;
	p1 =	slt.f32 s21, $+Inf;
	(pc) =	sbr.rel @p0 .LBB2_6-.Ltmp6, $4  }
0x17e: {  	vm0 =	veq.s32 v5, v0;
	v5 =	vmov s22;
	s21 =	sadd.s32 $0x2, s17  }
0x17f: {  	v1 =	vsel vm0, s18, v1;
	vm0 =	veq.s32 v5, v0;
	s17 =	sadd.s32 $0x3, s17;
	v5 =	vmov s21  }
0x180: {  	v1 =	vsel vm0, s19, v1;
	vm0 =	veq.s32 v5, v0;
	v5 =	vmov s17;
	s17 =	spop (v2sf)  }
0x181: {  	v1 =	vsel vm0, s20, v1;
	vm0 =	veq.s32 v5, v0;
	s18 =	sxor.u32 $0x80000000, s17  }
0x182: {  	s18 =	simm.s32 @!p1 $0x63  }
0x183: {  	v5 =	vmov s18  }
0x184: {  	vm1 =	veq.s32 v5, v0;
	vm2 =	veq.s32 v5, v2  }
0x185: {  	vm3 =	veq.s32 v5, v4;
	vm9 =	veq.s32 v5, v3;
	v8 =	vsel vm1, $0x7F800000, v8  }
0x186: {  	v5 =	vsel vm2, $0x7F800000, v9;
	v6 =	vsel vm3, $0x7F800000, v6;
	v7 =	vsel vm9, $0x7F800000, v7  }
0x187: {  	vm10 =	vle.f32 v8, v5;
	vm11 =	vle.f32 v6, v7  }
0x188: {  	v5 =	vsel vm10, v8, v5;
	v6 =	vsel vm11, v6, v7  }
0x189: {  	vm12 =	vle.f32 v5, v6  }
0x18a: {  	v5 =	vsel vm12, v5, v6  }
0x18b: {  	(xrf0) =	vmin.scan.msk.f32 $0xffff, v5;
	_ =	sdelay $0x5  }
0x18c: {  	v6, _, _ =	vpop (xrf0)  }
0x18d: {  	v7 =	vsel vm10, v0, v2;
	v62 =	vsel vm11, v4, v3;
	v63 =	vbroadcast v6, $0xF  }
0x18e: {  	v7 =	vsel vm12, v7, v62  }
0x18f: {  	vm13 =	veq.f32 v5, v63;
	v5 =	vor.u32 $0x80000000, v7  }
0x190: {  	v5 =	vnsel vm13, $0x80000063, v5  }
0x191: {  	(xrf0) =	vmin.scan.msk.u32 $0xffff, v5;
	_ =	sdelay $0x5  }
0x192: {  	(v2sf) =	vpush v6, $0xF;
	v5, _, _ =	vpop (xrf0)  }
0x193: {  	(v2sf) =	vpush v5, $0xF;
	_ =	sdelay $0x6  }
0x194: {  	v5 =	vadd.s32 v22, v23  }
0x195: {  	v7 =	vld [tilespmem:$0x1FFF0];
	v5 =	vadd.s32 v24, v5  }
0x196: {  	v5 =	vadd.s32 v25, v5  }
0x197: {  	v22 =	vsel vm0, s18, v1;
	v1 =	vadd.s32 $0xFFFFFFFF, v5  }
0x198: {  	vm14 =	vlt.s32 v1, $0x10  }
0x199: {  	v26 =	vnsel vm14, $0x10, v1;
	v1 =	vimm.s32 $0x4  }
0x19a: {  	v27 =	vperm.xlane v7, v1;
	v1 =	vimm.s32 $0x5  }
0x19b: {  	v6 =	vimm.s32 $0x1;
	s15 =	spop (v2sf);
	v28 =	vperm.xlane v7, v1;
	v1 =	vimm.s32 $0x6  }
0x19c: {  	v6 =	vperm.xlane v7, v6;
	p0 =	slt.f32 s15, $+Inf;
	v30 =	vperm.xlane v7, v1;
	v1 =	vimm.s32 $0x7;
	s17 =	spop (v2sf)  }
0x19d: {  	v31 =	vperm.xlane v7, v1;
	v1 =	vimm.s32 $0x8;
	s15 =	sxor.u32 $0x80000000, s17  }
0x19e: {  	[tilespmem:$0x1FFB0] =	vst v6;
	v6 =	vimm.s32 $0x2;
	v33 =	vperm.xlane v7, v1;
	v1 =	vimm.s32 $0x9;
	s15 =	simm.s32 @!p0 $0x63  }
0x19f: {  	v34 =	vperm.xlane v7, v1;
	v1 =	vimm.s32 $0xA;
	v32 =	vmov s15  }
0x1a0: {  	v35 =	vperm.xlane v7, v1;
	v1 =	vimm.s32 $0xB;
	vm15 =	vlt.s32 v32, $0x3F  }
0x1a1: {  	v6 =	vperm.xlane v7, v6;
	v36 =	vperm.xlane v7, v1;
	v1 =	vnsel vm15, $0x3F, v32  }
.Ltmp7:
0x1a2: {  	[tilespmem:$0x1FFE0] =	vst v1;
	v1 =	vimm.s32 $0xC;
	(pc) =	sbr.rel .LBB2_8-.Ltmp7, $4  }
0x1a3: {  	[tilespmem:$0x1FFC0] =	vst v6;
	v6 =	vimm.s32 $0x3;
	v38 =	vperm.xlane v7, v1;
	v1 =	vimm.s32 $0xD  }
0x1a4: {  	v6 =	vperm.xlane v7, v6;
	v39 =	vperm.xlane v7, v1;
	v1 =	vimm.s32 $0xE  }
0x1a5: {  	v40 =	vperm.xlane v7, v1;
	v1 =	vimm.s32 $0xF  }
0x1a6: {  	v42 =	vmov s16;
	v29 =	vsub.s32 $0x40, v5;
	[tilespmem:$0x1FFD0] =	vst v6;
	s15 =	simm.s32 $0x0;
	v41 =	vperm.xlane v7, v1  }
.LBB2_11:
0x1a7: {  	_ = 	snop  }
0x1a8: {  	v6 =	vadd.f32 v8, v6;
	_ =	sdelay $0x1  }
0x1a9: {  	[tilespmem:$0x2800] =	vst v6  }
0x1aa: {  	v6 =	vld.idx.msk [tilespmem:v7+s9+$0x0], $0xffff;
	_ =	sdelay $0x4  }
0x1ab: {  	v7 =	vsub.f32 v6, v55;
	v15 =	vsub.f32 v6, v52  }
0x1ac: {  	v9 =	vsub.f32 v6, v54  }
0x1ad: {  	v7 =	vadd.f32 $5.000000000e-01, v7;
	v8 =	vadd.f32 $5.000000000e-01, v15  }
0x1ae: {  	v10 =	vsub.f32 v6, v53  }
0x1af: {  	v9 =	vadd.f32 $5.000000000e-01, v9;
	v8 =	vmax.f32 v8, $0.0e+00;
	v7 =	vmax.f32 v7, $0.0e+00  }
0x1b0: {  	v7 =	vadd.f32 v7, v8  }
0x1b1: {  	v16 =	vsub.f32 v6, v51;
	v10 =	vadd.f32 $5.000000000e-01, v10;
	v9 =	vmax.f32 v9, $0.0e+00  }
0x1b2: {  	v7 =	vadd.f32 v7, v9  }
0x1b3: {  	v17 =	vsub.f32 v6, v50;
	v10 =	vmax.f32 v10, $0.0e+00;
	v8 =	vadd.f32 $5.000000000e-01, v16  }
0x1b4: {  	v7 =	vadd.f32 v7, v10  }
0x1b5: {  	v37 =	vsub.f32 v6, v49;
	v9 =	vadd.f32 $5.000000000e-01, v17;
	v8 =	vmax.f32 v8, $0.0e+00  }
0x1b6: {  	v7 =	vadd.f32 v7, v8  }
0x1b7: {  	v12 =	vsub.f32 v6, v48;
	v10 =	vadd.f32 $5.000000000e-01, v37;
	v9 =	vmax.f32 v9, $0.0e+00  }
0x1b8: {  	v7 =	vadd.f32 v7, v9  }
0x1b9: {  	v13 =	vsub.f32 v6, v47;
	v8 =	vadd.f32 $5.000000000e-01, v12;
	v10 =	vmax.f32 v10, $0.0e+00  }
0x1ba: {  	v7 =	vadd.f32 v7, v10  }
0x1bb: {  	v14 =	vsub.f32 v6, v46;
	v9 =	vadd.f32 $5.000000000e-01, v13;
	v8 =	vmax.f32 v8, $0.0e+00  }
0x1bc: {  	v7 =	vadd.f32 v7, v8  }
0x1bd: {  	v15 =	vsub.f32 v6, v45;
	v10 =	vadd.f32 $5.000000000e-01, v14;
	v9 =	vmax.f32 v9, $0.0e+00  }
0x1be: {  	v7 =	vadd.f32 v7, v9  }
0x1bf: {  	v16 =	vsub.f32 v6, v56;
	v8 =	vadd.f32 $5.000000000e-01, v15;
	v10 =	vmax.f32 v10, $0.0e+00  }
0x1c0: {  	v7 =	vadd.f32 v7, v10  }
0x1c1: {  	v17 =	vsub.f32 v6, v57;
	v9 =	vadd.f32 $5.000000000e-01, v16;
	v8 =	vmax.f32 v8, $0.0e+00  }
0x1c2: {  	v7 =	vadd.f32 v7, v8  }
0x1c3: {  	v37 =	vsub.f32 v6, v58;
	v10 =	vadd.f32 $5.000000000e-01, v17;
	v9 =	vmax.f32 v9, $0.0e+00  }
0x1c4: {  	v7 =	vadd.f32 v7, v9  }
0x1c5: {  	v12 =	vsub.f32 v6, v59;
	v8 =	vadd.f32 $5.000000000e-01, v37;
	v10 =	vmax.f32 v10, $0.0e+00  }
0x1c6: {  	v7 =	vadd.f32 v7, v10  }
0x1c7: {  	v6 =	vsub.f32 v6, v60;
	v9 =	vadd.f32 $5.000000000e-01, v12;
	v8 =	vmax.f32 v8, $0.0e+00  }
0x1c8: {  	v7 =	vadd.f32 v7, v8  }
0x1c9: {  	v6 =	vadd.f32 $5.000000000e-01, v6;
	v13 =	vmax.f32 v9, $0.0e+00  }
0x1ca: {  	v14 =	vld [tilespmem:$0x2800];
	v7 =	vadd.f32 v7, v13  }
0x1cb: {  	v6 =	vmax.f32 v6, $0.0e+00  }
0x1cc: {  	v6 =	vadd.f32 v7, v6;
	v7 =	vand.u32 $0x7F, v62  }
0x1cd: {  	vm1 =	vmand vm4, vm0;
	v7 =	vor.u32 v7, v63  }
0x1ce: {  	v6 =	vnsel vm1, $0x0, v6  }
0x1cf: {  	v6 =	vadd.f32 v6, v14;
	_ =	sdelay $0x1  }
0x1d0: {  	[tilespmem:$0x2800] =	vst v6  }
0x1d1: {  	v7 =	vld.idx.msk [tilespmem:v7+s9+$0x0], $0xffff;
	_ =	sdelay $0x4  }
0x1d2: {  	v15 =	vsub.f32 v7, v52;
	v16 =	vsub.f32 v7, v55  }
0x1d3: {  	v17 =	vsub.f32 v7, v54  }
0x1d4: {  	v8 =	vadd.f32 $5.000000000e-01, v15;
	v9 =	vadd.f32 $5.000000000e-01, v16  }
0x1d5: {  	v11 =	vsub.f32 v7, v53  }
0x1d6: {  	v10 =	vadd.f32 $5.000000000e-01, v17;
	v8 =	vmax.f32 v8, $0.0e+00;
	v9 =	vmax.f32 v9, $0.0e+00  }
0x1d7: {  	v8 =	vadd.f32 v9, v8  }
0x1d8: {  	v62 =	vsub.f32 v7, v51;
	v37 =	vadd.f32 $5.000000000e-01, v11;
	v10 =	vmax.f32 v10, $0.0e+00  }
0x1d9: {  	v8 =	vadd.f32 v8, v10  }
0x1da: {  	v63 =	vsub.f32 v7, v50;
	v11 =	vadd.f32 $5.000000000e-01, v62;
	v9 =	vmax.f32 v37, $0.0e+00  }
0x1db: {  	v8 =	vadd.f32 v8, v9  }
0x1dc: {  	v12 =	vsub.f32 v7, v49;
	v11 =	vmax.f32 v11, $0.0e+00;
	v10 =	vadd.f32 $5.000000000e-01, v63  }
0x1dd: {  	v8 =	vadd.f32 v8, v11  }
0x1de: {  	v13 =	vsub.f32 v7, v48;
	v9 =	vadd.f32 $5.000000000e-01, v12;
	v10 =	vmax.f32 v10, $0.0e+00  }
0x1df: {  	v8 =	vadd.f32 v8, v10  }
0x1e0: {  	v14 =	vsub.f32 v7, v47;
	v11 =	vadd.f32 $5.000000000e-01, v13;
	v9 =	vmax.f32 v9, $0.0e+00  }
0x1e1: {  	v8 =	vadd.f32 v8, v9  }
0x1e2: {  	v15 =	vsub.f32 v7, v46;
	v10 =	vadd.f32 $5.000000000e-01, v14;
	v11 =	vmax.f32 v11, $0.0e+00  }
0x1e3: {  	v8 =	vadd.f32 v8, v11  }
0x1e4: {  	v16 =	vsub.f32 v7, v45;
	v9 =	vadd.f32 $5.000000000e-01, v15;
	v10 =	vmax.f32 v10, $0.0e+00  }
0x1e5: {  	v8 =	vadd.f32 v8, v10  }
0x1e6: {  	v17 =	vsub.f32 v7, v56;
	v11 =	vadd.f32 $5.000000000e-01, v16;
	v9 =	vmax.f32 v9, $0.0e+00  }
0x1e7: {  	v8 =	vadd.f32 v8, v9  }
0x1e8: {  	v37 =	vsub.f32 v7, v57;
	v10 =	vadd.f32 $5.000000000e-01, v17;
	v11 =	vmax.f32 v11, $0.0e+00  }
0x1e9: {  	v8 =	vadd.f32 v8, v11  }
0x1ea: {  	v62 =	vsub.f32 v7, v58;
	v9 =	vadd.f32 $5.000000000e-01, v37;
	v10 =	vmax.f32 v10, $0.0e+00  }
0x1eb: {  	v63 =	vsub.f32 v7, v59;
	v8 =	vadd.f32 v8, v10  }
0x1ec: {  	v12 =	vmov s19;
	v11 =	vadd.f32 $5.000000000e-01, v62;
	v9 =	vmax.f32 v9, $0.0e+00  }
0x1ed: {  	vm5 =	vlt.u32 v12, $0x10;
	v13 =	vperm.xlane v22, v12;
	v8 =	vadd.f32 v8, v9  }
0x1ee: {  	v16 =	vsub.f32 v7, v60;
	v10 =	vadd.f32 $5.000000000e-01, v63;
	v11 =	vmax.f32 v11, $0.0e+00  }
0x1ef: {  	v7 =	vsel vm5, v13, v32;
	v8 =	vadd.f32 v8, v11  }
0x1f0: {  	vm1 =	vlt.s32 v7, $0x3F;
	v9 =	vadd.f32 $5.000000000e-01, v16;
	v10 =	vmax.f32 v10, $0.0e+00  }
0x1f1: {  	vm6 =	vne.s32 v61, v43;
	v17 =	vnsel vm1, $0x3F, v7;
	v8 =	vadd.f32 v8, v10  }
0x1f2: {  	vm1 =	vmand vm3, vm6;
	v37 =	vand.u32 $0xFFFFFF80, v17;
	v9 =	vmax.f32 v9, $0.0e+00  }
0x1f3: {  	v61 =	vand.u32 $0x7F, v17;
	v10 =	vadd.s32 v44, v37;
	v8 =	vadd.f32 v8, v9  }
0x1f4: {  	vm1 =	vmand vm1, vm0;
	v9 =	vor.u32 v61, v10  }
0x1f5: {  	v8 =	vnsel vm1, $0x0, v8  }
0x1f6: {  	v8 =	vadd.f32 v8, v6;
	_ =	sdelay $0x1  }
0x1f7: {  	[tilespmem:$0x2800] =	vst v8  }
0x1f8: {  	v9 =	vld.idx.msk [tilespmem:v9+s9+$0x0], $0xffff;
	_ =	sdelay $0x4  }
0x1f9: {  	v6 =	vsub.f32 v9, v52;
	v62 =	vsub.f32 v9, v55  }
0x1fa: {  	v63 =	vsub.f32 v9, v54  }
0x1fb: {  	v6 =	vadd.f32 $5.000000000e-01, v6;
	v10 =	vadd.f32 $5.000000000e-01, v62  }
0x1fc: {  	v16 =	vsub.f32 v9, v53  }
0x1fd: {  	v11 =	vadd.f32 $5.000000000e-01, v63;
	v6 =	vmax.f32 v6, $0.0e+00;
	v10 =	vmax.f32 v10, $0.0e+00  }
0x1fe: {  	v6 =	vadd.f32 v10, v6  }
0x1ff: {  	v37 =	vsub.f32 v9, v51;
	v17 =	vadd.f32 $5.000000000e-01, v16;
	v11 =	vmax.f32 v11, $0.0e+00  }
0x200: {  	v6 =	vadd.f32 v6, v11  }
0x201: {  	v61 =	vsub.f32 v9, v50;
	v12 =	vadd.f32 $5.000000000e-01, v37;
	v10 =	vmax.f32 v17, $0.0e+00  }
0x202: {  	v6 =	vadd.f32 v6, v10  }
0x203: {  	v62 =	vsub.f32 v9, v49;
	v12 =	vmax.f32 v12, $0.0e+00;
	v11 =	vadd.f32 $5.000000000e-01, v61  }
0x204: {  	v6 =	vadd.f32 v6, v12  }
0x205: {  	v63 =	vsub.f32 v9, v48;
	v10 =	vadd.f32 $5.000000000e-01, v62;
	v11 =	vmax.f32 v11, $0.0e+00  }
0x206: {  	v6 =	vadd.f32 v6, v11  }
0x207: {  	v16 =	vsub.f32 v9, v47;
	v12 =	vadd.f32 $5.000000000e-01, v63;
	v10 =	vmax.f32 v10, $0.0e+00  }
0x208: {  	v6 =	vadd.f32 v6, v10  }
0x209: {  	v17 =	vsub.f32 v9, v46;
	v11 =	vadd.f32 $5.000000000e-01, v16;
	v12 =	vmax.f32 v12, $0.0e+00  }
0x20a: {  	v6 =	vadd.f32 v6, v12  }
0x20b: {  	v37 =	vsub.f32 v9, v45;
	v10 =	vadd.f32 $5.000000000e-01, v17;
	v11 =	vmax.f32 v11, $0.0e+00  }
0x20c: {  	v6 =	vadd.f32 v6, v11  }
0x20d: {  	v61 =	vsub.f32 v9, v56;
	v12 =	vadd.f32 $5.000000000e-01, v37;
	v10 =	vmax.f32 v10, $0.0e+00  }
0x20e: {  	v6 =	vadd.f32 v6, v10  }
0x20f: {  	v63 =	vsub.f32 v9, v57;
	v11 =	vadd.f32 $5.000000000e-01, v61;
	v12 =	vmax.f32 v12, $0.0e+00  }
0x210: {  	v12 =	vadd.f32 v6, v12  }
0x211: {  	s16 =	sadd.s32 $0x3, s16;
	v16 =	vsub.f32 v9, v58;
	v10 =	vadd.f32 $5.000000000e-01, v63;
	v11 =	vmax.f32 v11, $0.0e+00  }
0x212: {  	v62 =	vmov s16;
	v11 =	vadd.f32 v12, v11  }
0x213: {  	v17 =	vsub.f32 v9, v59;
	v13 =	vadd.f32 $5.000000000e-01, v16;
	v10 =	vmax.f32 v10, $0.0e+00  }
0x214: {  	v14 =	vperm.xlane v22, v62;
	vm7 =	vlt.u32 v62, $0x10;
	v10 =	vadd.f32 v11, v10  }
0x215: {  	v9 =	vsub.f32 v9, v60;
	v37 =	vadd.f32 $5.000000000e-01, v17;
	v61 =	vmax.f32 v13, $0.0e+00  }
0x216: {  	vm2 =	vlt.s32 v1, v26;
	v6 =	vsel vm7, v14, v32;
	v10 =	vadd.f32 v10, v61  }
0x217: {  	v9 =	vadd.f32 $5.000000000e-01, v9;
	vm1 =	vlt.s32 v6, $0x3F;
	v11 =	vmax.f32 v37, $0.0e+00  }
0x218: {  	vm8 =	vne.s32 v7, v43;
	v62 =	vnsel vm1, $0x3F, v6;
	v10 =	vadd.f32 v10, v11  }
0x219: {  	v1 =	vmax.f32 v9, $0.0e+00;
	vm1 =	vmand vm2, vm8;
	v63 =	vand.u32 $0xFFFFFF80, v62  }
0x21a: {  	v14 =	vand.u32 $0x7F, v62;
	v12 =	vadd.s32 v44, v63;
	v1 =	vadd.f32 v10, v1  }
0x21b: {  	vm1 =	vmand vm1, vm0;
	v9 =	vor.u32 v14, v12  }
0x21c: {  	v1 =	vnsel vm1, $0x0, v1  }
0x21d: {  	v1 =	vadd.f32 v1, v8;
	_ =	sdelay $0x1  }
0x21e: {  	[tilespmem:$0x2800] =	vst v1  }
0x21f: {  	v8 =	vld.idx.msk [tilespmem:v9+s9+$0x0], $0xffff;
	_ =	sdelay $0x4  }
0x220: {  	v9 =	vsub.f32 v8, v52;
	v15 =	vsub.f32 v8, v55  }
0x221: {  	v16 =	vsub.f32 v8, v54  }
0x222: {  	v9 =	vadd.f32 $5.000000000e-01, v9;
	v10 =	vadd.f32 $5.000000000e-01, v15  }
0x223: {  	v17 =	vsub.f32 v8, v53  }
0x224: {  	v11 =	vadd.f32 $5.000000000e-01, v16;
	v9 =	vmax.f32 v9, $0.0e+00;
	v10 =	vmax.f32 v10, $0.0e+00  }
0x225: {  	v9 =	vadd.f32 v10, v9  }
0x226: {  	v61 =	vsub.f32 v8, v51;
	v37 =	vadd.f32 $5.000000000e-01, v17;
	v11 =	vmax.f32 v11, $0.0e+00  }
0x227: {  	v9 =	vadd.f32 v9, v11  }
0x228: {  	v62 =	vsub.f32 v8, v50;
	v12 =	vadd.f32 $5.000000000e-01, v61;
	v10 =	vmax.f32 v37, $0.0e+00  }
0x229: {  	v9 =	vadd.f32 v9, v10  }
0x22a: {  	v63 =	vsub.f32 v8, v49;
	v12 =	vmax.f32 v12, $0.0e+00;
	v11 =	vadd.f32 $5.000000000e-01, v62  }
0x22b: {  	v9 =	vadd.f32 v9, v12  }
0x22c: {  	v16 =	vsub.f32 v8, v48;
	v10 =	vadd.f32 $5.000000000e-01, v63;
	v11 =	vmax.f32 v11, $0.0e+00  }
0x22d: {  	v9 =	vadd.f32 v9, v11  }
0x22e: {  	v17 =	vsub.f32 v8, v47;
	v12 =	vadd.f32 $5.000000000e-01, v16;
	v10 =	vmax.f32 v10, $0.0e+00  }
0x22f: {  	v9 =	vadd.f32 v9, v10  }
0x230: {  	v37 =	vsub.f32 v8, v46;
	v11 =	vadd.f32 $5.000000000e-01, v17;
	v12 =	vmax.f32 v12, $0.0e+00  }
0x231: {  	v9 =	vadd.f32 v9, v12  }
0x232: {  	v61 =	vsub.f32 v8, v45;
	v10 =	vadd.f32 $5.000000000e-01, v37;
	v11 =	vmax.f32 v11, $0.0e+00  }
0x233: {  	v9 =	vadd.f32 v9, v11  }
0x234: {  	v62 =	vsub.f32 v8, v56;
	v12 =	vadd.f32 $5.000000000e-01, v61;
	v10 =	vmax.f32 v10, $0.0e+00  }
0x235: {  	v9 =	vadd.f32 v9, v10  }
0x236: {  	v63 =	vsub.f32 v8, v57;
	v11 =	vadd.f32 $5.000000000e-01, v62;
	v12 =	vmax.f32 v12, $0.0e+00  }
0x237: {  	v9 =	vadd.f32 v9, v12  }
0x238: {  	v16 =	vsub.f32 v8, v58;
	v10 =	vadd.f32 $5.000000000e-01, v63;
	v11 =	vmax.f32 v11, $0.0e+00  }
0x239: {  	v9 =	vadd.f32 v9, v11  }
0x23a: {  	v17 =	vsub.f32 v8, v59;
	v12 =	vadd.f32 $5.000000000e-01, v16;
	v10 =	vmax.f32 v10, $0.0e+00  }
0x23b: {  	vm9 =	veq.s32 v7, v43;
	v7 =	vadd.f32 v9, v10  }
0x23c: {  	v8 =	vsub.f32 v8, v60;
	v37 =	vadd.f32 $5.000000000e-01, v17;
	v61 =	vmax.f32 v12, $0.0e+00  }
0x23d: {  	v62 =	vsel vm9, $0x1, v20;
	v12 =	vld [tilespmem:$0x1FFE0];
	v7 =	vadd.f32 v7, v61  }
0x23e: {  	v8 =	vadd.f32 $5.000000000e-01, v8;
	v5 =	vadd.s32 v62, v5;
	v9 =	vmax.f32 v37, $0.0e+00  }
0x23f: {  	v63 =	vsub.s32 s16, v5;
	v7 =	vadd.f32 v7, v9  }
0x240: {  	vm11 =	vne.s32 v6, v43;
	v8 =	vmax.f32 v8, $0.0e+00;
	vm10 =	vlt.s32 v63, v26  }
0x241: {  	vm1 =	vmand vm10, vm11;
	v7 =	vadd.f32 v7, v8  }
0x242: {  	vm1 =	vmand vm1, vm0;
	v8 =	vadd.s32 v12, v44  }
0x243: {  	v7 =	vnsel vm1, $0x0, v7  }
0x244: {  	v1 =	vadd.f32 v7, v1;
	_ =	sdelay $0x1  }
0x245: {  	[tilespmem:$0x2800] =	vst v1  }
0x246: {  	v7 =	vld.idx.msk [tilespmem:v8+s9+$0x0], $0xffff;
	_ =	sdelay $0x4  }
0x247: {  	v8 =	vsub.f32 v7, v52;
	v13 =	vsub.f32 v7, v55  }
0x248: {  	v14 =	vsub.f32 v7, v54  }
0x249: {  	v8 =	vadd.f32 $5.000000000e-01, v8;
	v9 =	vadd.f32 $5.000000000e-01, v13  }
0x24a: {  	v15 =	vsub.f32 v7, v53  }
0x24b: {  	v10 =	vadd.f32 $5.000000000e-01, v14;
	v8 =	vmax.f32 v8, $0.0e+00;
	v9 =	vmax.f32 v9, $0.0e+00  }
0x24c: {  	v8 =	vadd.f32 v9, v8  }
0x24d: {  	v37 =	vsub.f32 v7, v51;
	v17 =	vadd.f32 $5.000000000e-01, v15;
	v16 =	vmax.f32 v10, $0.0e+00  }
0x24e: {  	v8 =	vadd.f32 v8, v16  }
0x24f: {  	v52 =	vsub.f32 v7, v50;
	v51 =	vadd.f32 $5.000000000e-01, v37;
	v44 =	vmax.f32 v17, $0.0e+00  }
0x250: {  	v8 =	vadd.f32 v8, v44  }
0x251: {  	v55 =	vsub.f32 v7, v49;
	v54 =	vadd.f32 $5.000000000e-01, v52;
	v53 =	vmax.f32 v51, $0.0e+00  }
0x252: {  	v8 =	vadd.f32 v8, v53  }
0x253: {  	v63 =	vsub.f32 v7, v48;
	v62 =	vadd.f32 $5.000000000e-01, v55;
	v61 =	vmax.f32 v54, $0.0e+00  }
0x254: {  	v8 =	vadd.f32 v8, v61  }
0x255: {  	v13 =	vadd.f32 $5.000000000e-01, v63;
	v14 =	vsub.f32 v7, v47;
	v12 =	vmax.f32 v62, $0.0e+00  }
0x256: {  	v8 =	vadd.f32 v8, v12  }
0x257: {  	v15 =	vmax.f32 v13, $0.0e+00;
	v17 =	vsub.f32 v7, v46;
	v16 =	vadd.f32 $5.000000000e-01, v14  }
0x258: {  	v8 =	vadd.f32 v8, v15  }
0x259: {  	v46 =	vsub.f32 v7, v45;
	v37 =	vmax.f32 v16, $0.0e+00;
	v44 =	vadd.f32 $5.000000000e-01, v17  }
0x25a: {  	v8 =	vadd.f32 v8, v37  }
0x25b: {  	v49 =	vsub.f32 v7, v56;
	v48 =	vadd.f32 $5.000000000e-01, v46;
	v47 =	vmax.f32 v44, $0.0e+00  }
0x25c: {  	v8 =	vadd.f32 v8, v47  }
0x25d: {  	v52 =	vsub.f32 v7, v57;
	v51 =	vadd.f32 $5.000000000e-01, v49;
	v50 =	vmax.f32 v48, $0.0e+00  }
0x25e: {  	v8 =	vadd.f32 v8, v50  }
0x25f: {  	v55 =	vsub.f32 v7, v58;
	v54 =	vadd.f32 $5.000000000e-01, v52;
	v53 =	vmax.f32 v51, $0.0e+00  }
0x260: {  	v8 =	vadd.f32 v8, v53  }
0x261: {  	v58 =	vsub.f32 v7, v59;
	v57 =	vadd.f32 $5.000000000e-01, v55;
	v56 =	vmax.f32 v54, $0.0e+00  }
0x262: {  	vm12 =	veq.s32 v6, v43;
	v6 =	vadd.f32 v8, v56  }
0x263: {  	v7 =	vsub.f32 v7, v60;
	v59 =	vmax.f32 v57, $0.0e+00;
	v61 =	vadd.f32 $5.000000000e-01, v58  }
0x264: {  	v62 =	vsel vm12, $0x1, v20;
	v6 =	vadd.f32 v6, v59  }
0x265: {  	v5 =	vadd.s32 v62, v5;
	v7 =	vadd.f32 $5.000000000e-01, v7;
	v63 =	vmax.f32 v61, $0.0e+00  }
0x266: {  	v5 =	vsub.s32 $0x10, v5;
	v6 =	vadd.f32 v6, v63  }
0x267: {  	vm13 =	vne.s32 v32, v43;
	vm14 =	vlt.s32 v5, v26;
	v5 =	vmax.f32 v7, $0.0e+00  }
0x268: {  	vm1 =	vmand vm13, vm14;
	v5 =	vadd.f32 v6, v5  }
0x269: {  	vm15 =	vmand vm1, vm0  }
0x26a: {  	v5 =	vnsel vm15, $0x0, v5  }
0x26b: {  	v1 =	vadd.f32 v5, v1;
	_ =	sdelay $0x1  }
0x26c: {  	[tilespmem:$0x2800] =	vst v1  }
.LBB2_12:
0x26d: {  	s15 =	sadd.s32 $0x1, s15  }
0x26e: {  	p0 =	sne.s32 s15, $0x4  }
.Ltmp8:
0x26f: {  	_ = 	snop;
	(pc) =	sbr.rel @!p0 .LBB2_13-.Ltmp8, $1  }
0x270: {  	_ =	sdelay $0x3  }
.LBB2_8:
0x271: {  	_ =	sdelay $0x2  }
0x272: {  	s16 =	sshll.u32 s15, $0x4  }
0x273: {  	v1 =	vld.idx.msk [tilespmem:v42+s16+$0x0 ss:$0x1], $0xffff;
	_ =	sdelay $0x4  }
0x274: {  	v1 =	vand.u32 $0x1, v1  }
0x275: {  	vm0 =	veq.s32 v1, $0x1  }
0x276: {  	v1 =	vmpcnt.ones.xlane vm0;
	_ =	sdelay $0x1  }
0x277: {  	v1 =	vxor.u32 $0x80000000, v1  }
0x278: {  	(xrf0) =	vmax.scan.msk.u32 $0xffff, v1;
	_ =	sdelay $0x5  }
0x279: {  	v1, _, _ =	vpop (xrf0)  }
0x27a: {  	(v2sf) =	vpush v1, $0xF;
	_ =	sdelay $0xe  }
0x27b: {  	s17 =	spop (v2sf)  }
0x27c: {  	p0 =	slt.u32 s17, $0x80000001  }
.Ltmp9:
0x27d: {  	_ = 	snop;
	(pc) =	sbr.rel @p0 .LBB2_12-.Ltmp9, $1  }
0x27e: {  	_ =	sdelay $0x3  }
0x27f: {  	v5 =	vld [tilespmem:$0x1FFF0];
	_ =	sdelay $0x2  }
0x280: {  	v1 =	vimm.s32 $0x0;
	v43 =	vor.u32 s16, v0;
	v11 =	vand.u32 $0xFFFFFF80, v27  }
0x281: {  	v7 =	vld [tilespmem:$0x1FFB0];
	v45 =	vand.u32 $0x7F, v27;
	v53 =	vand.u32 $0xFFFFFF80, v30;
	v46 =	vand.u32 $0x7F, v30  }
0x282: {  	v9 =	vld [tilespmem:$0x1FFC0];
	v54 =	vand.u32 $0xFFFFFF80, v31;
	v55 =	vand.u32 $0x7F, v31;
	v5 =	vperm.xlane v5, v1  }
0x283: {  	v10 =	vld [tilespmem:$0x1FFD0];
	s29 =	simm.s32 $0x0;
	v56 =	vand.u32 $0xFFFFFF80, v33;
	v57 =	vand.u32 $0xFFFFFF80, v34;
	v58 =	vand.u32 $0x7F, v34  }
0x284: {  	v44 =	vshll.u32 v43, $0x7;
	v47 =	vmov s29;
	v6 =	vand.u32 $0xFFFFFF80, v5  }
0x285: {  	v11 =	vadd.s32 v44, v11;
	v5 =	vand.u32 $0x7F, v5;
	v6 =	vadd.s32 v44, v6  }
0x286: {  	v48 =	vperm.xlane v22, v47;
	v5 =	vor.u32 v5, v6;
	v6 =	vand.u32 $0xFFFFFF80, v7  }
0x287: {  	v8 =	vand.u32 $0xFFFFFF80, v9;
	v7 =	vand.u32 $0x7F, v7;
	v6 =	vadd.s32 v44, v6  }
0x288: {  	v6 =	vor.u32 v7, v6;
	v7 =	vand.u32 $0x7F, v9;
	v9 =	vand.u32 $0xFFFFFF80, v10  }
0x289: {  	v8 =	vadd.s32 v44, v8;
	v10 =	vand.u32 $0x7F, v10;
	v9 =	vadd.s32 v44, v9  }
0x28a: {  	vm1 =	vlt.u32 v47, $0x10;
	v7 =	vor.u32 v7, v8;
	v8 =	vor.u32 v10, v9  }
0x28b: {  	v9 =	vor.u32 v45, v11;
	v10 =	vand.u32 $0xFFFFFF80, v28;
	v11 =	vand.u32 $0x7F, v28  }
0x28c: {  	v45 =	vadd.s32 v44, v53;
	v10 =	vadd.s32 v44, v10;
	v49 =	vld.idx.msk [tilespmem:v5+s9+$0x0], $0xffff;
	v5 =	vand.u32 $0x7F, v33  }
0x28d: {  	v10 =	vor.u32 v11, v10;
	v11 =	vor.u32 v46, v45;
	v46 =	vadd.s32 v44, v56  }
0x28e: {  	v45 =	vadd.s32 v44, v54;
	v6 =	vld.idx.msk [tilespmem:v6+s9+$0x0], $0xffff;
	v46 =	vor.u32 v5, v46;
	v5 =	vsel vm1, v48, v32  }
0x28f: {  	v59 =	vand.u32 $0xFFFFFF80, v35;
	v45 =	vor.u32 v55, v45;
	v7 =	vld.idx.msk [tilespmem:v7+s9+$0x0], $0xffff;
	vm1 =	vlt.s32 v5, $0x3F  }
0x290: {  	v51 =	vand.u32 $0x7F, v35;
	v47 =	vadd.s32 v44, v57;
	v8 =	vld.idx.msk [tilespmem:v8+s9+$0x0], $0xffff;
	v50 =	vnsel vm1, $0x3F, v5  }
0x291: {  	v47 =	vor.u32 v58, v47;
	v48 =	vadd.s32 v44, v59;
	v9 =	vld.idx.msk [tilespmem:v9+s9+$0x0], $0xffff;
	v52 =	vand.u32 $0xFFFFFF80, v50  }
0x292: {  	v48 =	vor.u32 v51, v48;
	v50 =	vand.u32 $0x7F, v50;
	v10 =	vld.idx.msk [tilespmem:v10+s9+$0x0], $0xffff;
	v60 =	vadd.s32 v44, v52  }
0x293: {  	v11 =	vld.idx.msk [tilespmem:v11+s9+$0x0], $0xffff;
	v56 =	vor.u32 v50, v60  }
0x294: {  	vm2 =	vgt.s32 v29, $0xE;
	vm3 =	vgt.s32 v29, $0x0;
	v45 =	vld.idx.msk [tilespmem:v45+s9+$0x0], $0xffff  }
0x295: {  	vm4 =	vgt.s32 v29, $0x2;
	v52 =	vnsel vm3, $0x7F61B1E6, v49;
	vm3 =	vgt.s32 v29, $0x1;
	v46 =	vld.idx.msk [tilespmem:v46+s9+$0x0], $0xffff  }
0x296: {  	vm5 =	vgt.s32 v29, $0x9;
	v55 =	vnsel vm3, $0x7F61B1E6, v6;
	vm3 =	vgt.s32 v29, $0x3;
	v6 =	vld.idx.msk [tilespmem:v47+s9+$0x0], $0xffff  }
0x297: {  	v54 =	vnsel vm4, $0x7F61B1E6, v7;
	v7 =	vld.idx.msk [tilespmem:v48+s9+$0x0], $0xffff;
	v53 =	vnsel vm3, $0x7F61B1E6, v8;
	vm3 =	vgt.s32 v29, $0x4  }
0x298: {  	v61 =	vand.u32 $0x7F, v38;
	v51 =	vnsel vm3, $0x7F61B1E6, v9;
	vm3 =	vgt.s32 v29, $0x6;
	v8 =	vld.idx.msk [tilespmem:v56+s9+$0x0], $0xffff  }
0x299: {  	vm4 =	vgt.s32 v29, $0x5;
	v49 =	vnsel vm3, $0x7F61B1E6, v11;
	vm3 =	vgt.s32 v29, $0x7  }
0x29a: {  	v50 =	vnsel vm4, $0x7F61B1E6, v10;
	vm4 =	vgt.s32 v29, $0x8;
	v48 =	vnsel vm3, $0x7F61B1E6, v45  }
0x29b: {  	v47 =	vnsel vm4, $0x7F61B1E6, v46;
	v46 =	vnsel vm5, $0x7F61B1E6, v6;
	vm4 =	vgt.s32 v29, $0xA  }
0x29c: {  	v6 =	vand.u32 $0xFFFFFF80, v36;
	v45 =	vnsel vm4, $0x7F61B1E6, v7;
	v7 =	vand.u32 $0x7F, v36  }
0x29d: {  	v6 =	vadd.s32 v44, v6;
	v9 =	vsub.f32 v8, v55;
	v10 =	vsub.f32 v8, v52  }
0x29e: {  	v62 =	vand.u32 $0xFFFFFF80, v39;
	v6 =	vor.u32 v7, v6;
	v7 =	vsub.f32 v8, v54  }
0x29f: {  	v63 =	vand.u32 $0xFFFFFF80, v40;
	v9 =	vadd.f32 $5.000000000e-01, v9;
	v10 =	vadd.f32 $5.000000000e-01, v10  }
0x2a0: {  	v13 =	vand.u32 $0xFFFFFF80, v41;
	v58 =	vand.u32 $0x7F, v39;
	v57 =	vsub.f32 v8, v53  }
0x2a1: {  	v7 =	vadd.f32 $5.000000000e-01, v7;
	v10 =	vmax.f32 v10, $0.0e+00;
	v9 =	vmax.f32 v9, $0.0e+00  }
0x2a2: {  	v59 =	vand.u32 $0x7F, v40;
	v11 =	vand.u32 $0xFFFFFF80, v38;
	v9 =	vadd.f32 v9, v10  }
0x2a3: {  	v57 =	vadd.f32 $5.000000000e-01, v57;
	v7 =	vmax.f32 v7, $0.0e+00;
	v10 =	vsub.f32 v8, v51  }
0x2a4: {  	v60 =	vand.u32 $0x7F, v41;
	v11 =	vadd.s32 v44, v11;
	v7 =	vadd.f32 v9, v7  }
0x2a5: {  	v57 =	vmax.f32 v57, $0.0e+00;
	v9 =	vsub.f32 v8, v50;
	v10 =	vadd.f32 $5.000000000e-01, v10  }
0x2a6: {  	v56 =	vadd.s32 v44, v62;
	v11 =	vor.u32 v61, v11;
	v7 =	vadd.f32 v7, v57  }
0x2a7: {  	v12 =	vsub.f32 v8, v49;
	v9 =	vadd.f32 $5.000000000e-01, v9;
	v10 =	vmax.f32 v10, $0.0e+00  }
0x2a8: {  	vm4 =	vgt.s32 v29, $0xB;
	v56 =	vor.u32 v58, v56;
	v7 =	vadd.f32 v7, v10  }
0x2a9: {  	v6 =	vld.idx.msk [tilespmem:v6+s9+$0x0], $0xffff;
	v57 =	vadd.f32 $5.000000000e-01, v12;
	v10 =	vsub.f32 v8, v48;
	v9 =	vmax.f32 v9, $0.0e+00  }
0x2aa: {  	v58 =	vadd.s32 v44, v63;
	v14 =	vsub.f32 v8, v46;
	v7 =	vadd.f32 v7, v9  }
0x2ab: {  	v57 =	vmax.f32 v57, $0.0e+00;
	v9 =	vld.idx.msk [tilespmem:v11+s9+$0x0], $0xffff;
	v11 =	vsub.f32 v8, v47;
	v10 =	vadd.f32 $5.000000000e-01, v10  }
0x2ac: {  	v58 =	vor.u32 v59, v58;
	v59 =	vadd.s32 v44, v13;
	v7 =	vadd.f32 v7, v57  }
0x2ad: {  	v15 =	vadd.f32 $5.000000000e-01, v14;
	v11 =	vadd.f32 $5.000000000e-01, v11;
	v10 =	vmax.f32 v10, $0.0e+00  }
0x2ae: {  	s17 =	simm.s32 $0x1;
	v61 =	vld.idx.msk [tilespmem:v56+s9+$0x0], $0xffff;
	v56 =	vnsel vm4, $0x7F61B1E6, v6;
	v6 =	vor.u32 v60, v59;
	v7 =	vadd.f32 v7, v10  }
0x2af: {  	v16 =	vmov s17;
	v10 =	vsub.f32 v8, v45;
	v11 =	vmax.f32 v11, $0.0e+00  }
0x2b0: {  	vm3 =	vgt.s32 v29, $0xC;
	v59 =	vmax.f32 v15, $0.0e+00;
	v7 =	vadd.f32 v7, v11  }
0x2b1: {  	v57 =	vnsel vm3, $0x7F61B1E6, v9;
	v9 =	vld.idx.msk [tilespmem:v58+s9+$0x0], $0xffff;
	v11 =	vsub.f32 v8, v56;
	v10 =	vadd.f32 $5.000000000e-01, v10  }
0x2b2: {  	vm1 =	vgt.s32 v29, $0xF;
	vm4 =	vgt.s32 v29, $0xD;
	v7 =	vadd.f32 v7, v59  }
0x2b3: {  	v17 =	vld.idx.msk [tilespmem:v6+s9+$0x0], $0xffff;
	v6 =	vsub.f32 v8, v57;
	v11 =	vadd.f32 $5.000000000e-01, v11;
	v10 =	vmax.f32 v10, $0.0e+00  }
0x2b4: {  	v62 =	vperm.xlane v22, v16;
	v58 =	vnsel vm4, $0x7F61B1E6, v61;
	v7 =	vadd.f32 v7, v10  }
0x2b5: {  	v37 =	vadd.f32 $5.000000000e-01, v6;
	v10 =	vsub.f32 v8, v58;
	v11 =	vmax.f32 v11, $0.0e+00  }
0x2b6: {  	vm3 =	vlt.u32 v16, $0x10;
	v59 =	vnsel vm2, $0x7F61B1E6, v9;
	v7 =	vadd.f32 v7, v11  }
0x2b7: {  	v9 =	vsub.f32 v8, v59;
	v10 =	vadd.f32 $5.000000000e-01, v10;
	v11 =	vmax.f32 v37, $0.0e+00  }
0x2b8: {  	v60 =	vnsel vm1, $0x7F61B1E6, v17;
	v6 =	vsel vm3, v62, v32;
	v7 =	vadd.f32 v7, v11  }
0x2b9: {  	v8 =	vsub.f32 v8, v60;
	v9 =	vadd.f32 $5.000000000e-01, v9;
	v10 =	vmax.f32 v10, $0.0e+00  }
0x2ba: {  	v12 =	vsub.s32 s29, v1;
	vm1 =	vlt.s32 v6, $0x3F;
	v7 =	vadd.f32 v7, v10  }
0x2bb: {  	vm2 =	vne.s32 v5, v43;
	v8 =	vadd.f32 $5.000000000e-01, v8;
	v9 =	vmax.f32 v9, $0.0e+00  }
0x2bc: {  	v13 =	vld [tilespmem:$0x2800];
	v11 =	vnsel vm1, $0x3F, v6;
	vm1 =	vlt.s32 v12, v26;
	v7 =	vadd.f32 v7, v9  }
0x2bd: {  	v8 =	vmax.f32 v8, $0.0e+00;
	vm1 =	vmand vm1, vm2;
	v10 =	vand.u32 $0xFFFFFF80, v11  }
0x2be: {  	v10 =	vadd.s32 v44, v10;
	v7 =	vadd.f32 v7, v8;
	v8 =	vand.u32 $0x7F, v11  }
0x2bf: {  	vm1 =	vmand vm1, vm0;
	v8 =	vor.u32 v8, v10  }
0x2c0: {  	v7 =	vnsel vm1, $0x0, v7  }
0x2c1: {  	v7 =	vadd.f32 v7, v13;
	_ =	sdelay $0x1  }
0x2c2: {  	[tilespmem:$0x2800] =	vst v7  }
0x2c3: {  	v8 =	vld.idx.msk [tilespmem:v8+s9+$0x0], $0xffff;
	_ =	sdelay $0x4  }
0x2c4: {  	v9 =	vsub.f32 v8, v52;
	v10 =	vsub.f32 v8, v55  }
0x2c5: {  	v11 =	vsub.f32 v8, v54  }
0x2c6: {  	v9 =	vadd.f32 $5.000000000e-01, v9;
	v10 =	vadd.f32 $5.000000000e-01, v10  }
0x2c7: {  	v14 =	vsub.f32 v8, v53  }
0x2c8: {  	v11 =	vadd.f32 $5.000000000e-01, v11;
	v9 =	vmax.f32 v9, $0.0e+00;
	v10 =	vmax.f32 v10, $0.0e+00  }
0x2c9: {  	v9 =	vadd.f32 v10, v9  }
0x2ca: {  	v15 =	vsub.f32 v8, v51;
	v11 =	vmax.f32 v11, $0.0e+00;
	v10 =	vadd.f32 $5.000000000e-01, v14  }
0x2cb: {  	v9 =	vadd.f32 v9, v11  }
0x2cc: {  	v61 =	vadd.f32 $5.000000000e-01, v15;
	v11 =	vsub.f32 v8, v50;
	v10 =	vmax.f32 v10, $0.0e+00  }
0x2cd: {  	v9 =	vadd.f32 v9, v10  }
0x2ce: {  	v61 =	vmax.f32 v61, $0.0e+00;
	v10 =	vsub.f32 v8, v49;
	v11 =	vadd.f32 $5.000000000e-01, v11  }
0x2cf: {  	v9 =	vadd.f32 v9, v61  }
0x2d0: {  	v16 =	vsub.f32 v8, v48;
	v10 =	vadd.f32 $5.000000000e-01, v10;
	v11 =	vmax.f32 v11, $0.0e+00  }
0x2d1: {  	v9 =	vadd.f32 v9, v11  }
0x2d2: {  	v61 =	vadd.f32 $5.000000000e-01, v16;
	v11 =	vsub.f32 v8, v47;
	v10 =	vmax.f32 v10, $0.0e+00  }
0x2d3: {  	v9 =	vadd.f32 v9, v10  }
0x2d4: {  	v61 =	vmax.f32 v61, $0.0e+00;
	v10 =	vsub.f32 v8, v46;
	v11 =	vadd.f32 $5.000000000e-01, v11  }
0x2d5: {  	v9 =	vadd.f32 v9, v61  }
0x2d6: {  	v17 =	vsub.f32 v8, v45;
	v10 =	vadd.f32 $5.000000000e-01, v10;
	v11 =	vmax.f32 v11, $0.0e+00  }
0x2d7: {  	vm1 =	veq.s32 v5, v43;
	v5 =	vadd.f32 v9, v11  }
0x2d8: {  	v9 =	vsub.f32 v8, v56;
	v11 =	vadd.f32 $5.000000000e-01, v17;
	v10 =	vmax.f32 v10, $0.0e+00  }
0x2d9: {  	v5 =	vadd.f32 v5, v10  }
0x2da: {  	s30 =	simm.s32 $0x2;
	v10 =	vsub.f32 v8, v57;
	v9 =	vadd.f32 $5.000000000e-01, v9;
	v11 =	vmax.f32 v11, $0.0e+00  }
0x2db: {  	v12 =	vmov s30;
	v37 =	vsel vm1, $0x1, v20;
	v5 =	vadd.f32 v5, v11  }
0x2dc: {  	v10 =	vadd.f32 $5.000000000e-01, v10;
	v11 =	vsub.f32 v8, v58;
	v9 =	vmax.f32 v9, $0.0e+00  }
0x2dd: {  	v63 =	vperm.xlane v22, v12;
	v1 =	vadd.s32 v37, v1;
	v5 =	vadd.f32 v5, v9  }
0x2de: {  	v9 =	vsub.f32 v8, v59;
	v11 =	vadd.f32 $5.000000000e-01, v11;
	v10 =	vmax.f32 v10, $0.0e+00  }
0x2df: {  	vm1 =	vlt.u32 v12, $0x10;
	v61 =	vsub.s32 s17, v1;
	v5 =	vadd.f32 v5, v10  }
0x2e0: {  	v8 =	vsub.f32 v8, v60;
	v9 =	vadd.f32 $5.000000000e-01, v9;
	v10 =	vmax.f32 v11, $0.0e+00  }
0x2e1: {  	vm2 =	vlt.s32 v61, v26;
	v11 =	vsel vm1, v63, v32;
	v5 =	vadd.f32 v5, v10  }
0x2e2: {  	v8 =	vadd.f32 $5.000000000e-01, v8;
	vm1 =	vlt.s32 v11, $0x3F;
	v9 =	vmax.f32 v9, $0.0e+00  }
0x2e3: {  	v10 =	vnsel vm1, $0x3F, v11;
	vm1 =	vne.s32 v6, v43;
	v5 =	vadd.f32 v5, v9  }
0x2e4: {  	v8 =	vmax.f32 v8, $0.0e+00;
	vm1 =	vmand vm2, vm1;
	v9 =	vand.u32 $0xFFFFFF80, v10  }
0x2e5: {  	v9 =	vadd.s32 v44, v9;
	v5 =	vadd.f32 v5, v8;
	v8 =	vand.u32 $0x7F, v10  }
0x2e6: {  	vm1 =	vmand vm1, vm0;
	v8 =	vor.u32 v8, v9  }
0x2e7: {  	v5 =	vnsel vm1, $0x0, v5  }
0x2e8: {  	v5 =	vadd.f32 v5, v7;
	_ =	sdelay $0x1  }
0x2e9: {  	[tilespmem:$0x2800] =	vst v5  }
0x2ea: {  	v7 =	vld.idx.msk [tilespmem:v8+s9+$0x0], $0xffff;
	_ =	sdelay $0x4  }
0x2eb: {  	v8 =	vsub.f32 v7, v52;
	v9 =	vsub.f32 v7, v55  }
0x2ec: {  	v10 =	vsub.f32 v7, v54  }
0x2ed: {  	v8 =	vadd.f32 $5.000000000e-01, v8;
	v9 =	vadd.f32 $5.000000000e-01, v9  }
0x2ee: {  	v13 =	vsub.f32 v7, v53  }
0x2ef: {  	v10 =	vadd.f32 $5.000000000e-01, v10;
	v8 =	vmax.f32 v8, $0.0e+00;
	v9 =	vmax.f32 v9, $0.0e+00  }
0x2f0: {  	v8 =	vadd.f32 v9, v8  }
0x2f1: {  	v14 =	vsub.f32 v7, v51;
	v10 =	vmax.f32 v10, $0.0e+00;
	v9 =	vadd.f32 $5.000000000e-01, v13  }
0x2f2: {  	v8 =	vadd.f32 v8, v10  }
0x2f3: {  	v61 =	vadd.f32 $5.000000000e-01, v14;
	v10 =	vsub.f32 v7, v50;
	v9 =	vmax.f32 v9, $0.0e+00  }
0x2f4: {  	v8 =	vadd.f32 v8, v9  }
0x2f5: {  	v61 =	vmax.f32 v61, $0.0e+00;
	v9 =	vsub.f32 v7, v49;
	v10 =	vadd.f32 $5.000000000e-01, v10  }
0x2f6: {  	v8 =	vadd.f32 v8, v61  }
0x2f7: {  	v15 =	vsub.f32 v7, v48;
	v9 =	vadd.f32 $5.000000000e-01, v9;
	v10 =	vmax.f32 v10, $0.0e+00  }
0x2f8: {  	v8 =	vadd.f32 v8, v10  }
0x2f9: {  	v61 =	vadd.f32 $5.000000000e-01, v15;
	v10 =	vsub.f32 v7, v47;
	v9 =	vmax.f32 v9, $0.0e+00  }
0x2fa: {  	v8 =	vadd.f32 v8, v9  }
0x2fb: {  	v61 =	vmax.f32 v61, $0.0e+00;
	v9 =	vsub.f32 v7, v46;
	v10 =	vadd.f32 $5.000000000e-01, v10  }
0x2fc: {  	v8 =	vadd.f32 v8, v61  }
0x2fd: {  	v16 =	vsub.f32 v7, v45;
	v9 =	vadd.f32 $5.000000000e-01, v9;
	v10 =	vmax.f32 v10, $0.0e+00  }
0x2fe: {  	v8 =	vadd.f32 v8, v10  }
0x2ff: {  	s18 =	simm.s32 $0x3;
	v61 =	vadd.f32 $5.000000000e-01, v16;
	v10 =	vsub.f32 v7, v56;
	v9 =	vmax.f32 v9, $0.0e+00  }
0x300: {  	v17 =	vmov s18;
	v8 =	vadd.f32 v8, v9  }
0x301: {  	v61 =	vmax.f32 v61, $0.0e+00;
	v9 =	vsub.f32 v7, v57;
	v10 =	vadd.f32 $5.000000000e-01, v10  }
0x302: {  	v37 =	vperm.xlane v22, v17;
	vm2 =	veq.s32 v6, v43;
	v8 =	vadd.f32 v8, v61  }
0x303: {  	v12 =	vsub.f32 v7, v58;
	v9 =	vadd.f32 $5.000000000e-01, v9;
	v10 =	vmax.f32 v10, $0.0e+00  }
0x304: {  	vm1 =	vlt.u32 v17, $0x10;
	v13 =	vsel vm2, $0x1, v20;
	v6 =	vadd.f32 v8, v10  }
0x305: {  	v8 =	vsub.f32 v7, v59;
	v10 =	vadd.f32 $5.000000000e-01, v12;
	v9 =	vmax.f32 v9, $0.0e+00  }
0x306: {  	v63 =	vsel vm1, v37, v32;
	v1 =	vadd.s32 v13, v1;
	v6 =	vadd.f32 v6, v9  }
0x307: {  	v7 =	vsub.f32 v7, v60;
	v8 =	vadd.f32 $5.000000000e-01, v8;
	v9 =	vmax.f32 v10, $0.0e+00  }
0x308: {  	vm1 =	vlt.s32 v63, $0x3F;
	v61 =	vsub.s32 s30, v1;
	v6 =	vadd.f32 v6, v9  }
0x309: {  	vm2 =	vlt.s32 v61, v26;
	v7 =	vadd.f32 $5.000000000e-01, v7;
	v8 =	vmax.f32 v8, $0.0e+00  }
0x30a: {  	v10 =	vnsel vm1, $0x3F, v63;
	vm1 =	vne.s32 v11, v43;
	v6 =	vadd.f32 v6, v8  }
0x30b: {  	vm1 =	vmand vm2, vm1;
	v9 =	vand.u32 $0xFFFFFF80, v10;
	v7 =	vmax.f32 v7, $0.0e+00  }
0x30c: {  	v9 =	vadd.s32 v44, v9;
	v6 =	vadd.f32 v6, v7;
	v7 =	vand.u32 $0x7F, v10  }
0x30d: {  	vm1 =	vmand vm1, vm0;
	v7 =	vor.u32 v7, v9  }
0x30e: {  	v6 =	vnsel vm1, $0x0, v6  }
0x30f: {  	v6 =	vadd.f32 v6, v5;
	_ =	sdelay $0x1  }
0x310: {  	[tilespmem:$0x2800] =	vst v6  }
0x311: {  	v5 =	vld.idx.msk [tilespmem:v7+s9+$0x0], $0xffff;
	_ =	sdelay $0x4  }
0x312: {  	v7 =	vsub.f32 v5, v52;
	v8 =	vsub.f32 v5, v55  }
0x313: {  	s31 =	simm.s32 $0x5;
	vm3 =	veq.s32 v63, v43;
	v9 =	vsub.f32 v5, v54  }
0x314: {  	v10 =	vmov s31;
	v7 =	vadd.f32 $5.000000000e-01, v7;
	v8 =	vadd.f32 $5.000000000e-01, v8  }
0x315: {  	v15 =	vperm.xlane v22, v10;
	vm1 =	vlt.u32 v10, $0x10;
	v14 =	vsub.f32 v5, v53  }
0x316: {  	v9 =	vadd.f32 $5.000000000e-01, v9;
	v7 =	vmax.f32 v7, $0.0e+00;
	v8 =	vmax.f32 v8, $0.0e+00  }
0x317: {  	v61 =	vsel vm1, v15, v32;
	vm1 =	veq.s32 v11, v43;
	v7 =	vadd.f32 v8, v7  }
0x318: {  	v10 =	vsub.f32 v5, v51;
	v9 =	vmax.f32 v9, $0.0e+00;
	v8 =	vadd.f32 $5.000000000e-01, v14  }
0x319: {  	vm2 =	vlt.s32 v61, $0x3F;
	v11 =	vsel vm1, $0x1, v20;
	v7 =	vadd.f32 v7, v9  }
0x31a: {  	v10 =	vadd.f32 $5.000000000e-01, v10;
	v9 =	vsub.f32 v5, v50;
	v8 =	vmax.f32 v8, $0.0e+00  }
0x31b: {  	vm1 =	veq.s32 v61, v43;
	v1 =	vadd.s32 v11, v1;
	v7 =	vadd.f32 v7, v8  }
0x31c: {  	v10 =	vmax.f32 v10, $0.0e+00;
	v8 =	vsub.f32 v5, v49;
	v9 =	vadd.f32 $5.000000000e-01, v9  }
0x31d: {  	v62 =	vnsel vm2, $0x3F, v61;
	v11 =	vsub.s32 s18, v1;
	v7 =	vadd.f32 v7, v10  }
0x31e: {  	v8 =	vadd.f32 $5.000000000e-01, v8;
	v10 =	vsub.f32 v5, v48;
	v9 =	vmax.f32 v9, $0.0e+00  }
0x31f: {  	vm2 =	vlt.s32 v11, v26;
	v11 =	vsel vm3, $0x1, v20;
	v7 =	vadd.f32 v7, v9  }
0x320: {  	v9 =	vsub.f32 v5, v47;
	v10 =	vadd.f32 $5.000000000e-01, v10;
	v8 =	vmax.f32 v8, $0.0e+00  }
0x321: {  	vm3 =	vne.s32 v63, v43;
	v12 =	vsub.f32 v5, v45;
	v7 =	vadd.f32 v7, v8  }
0x322: {  	v8 =	vsub.f32 v5, v46;
	v9 =	vadd.f32 $5.000000000e-01, v9;
	v10 =	vmax.f32 v10, $0.0e+00  }
0x323: {  	v1 =	vadd.s32 v11, v1;
	v16 =	vsub.f32 v5, v58;
	v7 =	vadd.f32 v7, v10  }
0x324: {  	v11 =	vadd.f32 $5.000000000e-01, v12;
	v8 =	vadd.f32 $5.000000000e-01, v8;
	v9 =	vmax.f32 v9, $0.0e+00  }
0x325: {  	vm2 =	vmand vm2, vm3;
	v10 =	vsub.f32 v5, v56;
	v7 =	vadd.f32 v7, v9  }
0x326: {  	s16 =	simm.s32 $0x4;
	v12 =	vadd.f32 $5.000000000e-01, v16;
	v9 =	vsub.f32 v5, v57;
	v8 =	vmax.f32 v8, $0.0e+00  }
0x327: {  	v17 =	vsub.s32 s16, v1;
	v10 =	vadd.f32 $5.000000000e-01, v10;
	v7 =	vadd.f32 v7, v8  }
0x328: {  	v11 =	vmax.f32 v11, $0.0e+00;
	v8 =	vadd.f32 $5.000000000e-01, v9;
	v9 =	vsub.f32 v5, v59  }
0x329: {  	v5 =	vsub.f32 v5, v60;
	v10 =	vmax.f32 v10, $0.0e+00;
	v7 =	vadd.f32 v7, v11  }
0x32a: {  	v11 =	vmov s16;
	v9 =	vadd.f32 $5.000000000e-01, v9;
	v8 =	vmax.f32 v8, $0.0e+00  }
0x32b: {  	v5 =	vadd.f32 $5.000000000e-01, v5;
	v7 =	vadd.f32 v7, v10;
	v10 =	vperm.xlane v22, v11  }
0x32c: {  	vm3 =	vlt.u32 v11, $0x10;
	v11 =	vsel vm1, $0x1, v20;
	vm1 =	vlt.s32 v17, v26  }
0x32d: {  	v9 =	vmax.f32 v9, $0.0e+00;
	v7 =	vadd.f32 v7, v8;
	v8 =	vsel vm3, v10, v32  }
0x32e: {  	v5 =	vmax.f32 v5, $0.0e+00;
	v10 =	vmax.f32 v12, $0.0e+00;
	vm3 =	vlt.s32 v8, $0x3F  }
0x32f: {  	vm4 =	vne.s32 v8, v43;
	v37 =	vnsel vm3, $0x3F, v8;
	v7 =	vadd.f32 v7, v10  }
0x330: {  	vm3 =	veq.s32 v8, v43;
	vm4 =	vmand vm1, vm4;
	v10 =	vand.u32 $0xFFFFFF80, v62  }
0x331: {  	vm1 =	vmand vm2, vm0;
	v8 =	vsel vm3, $0x1, v20;
	v9 =	vadd.f32 v7, v9  }
0x332: {  	v63 =	vadd.s32 v44, v10;
	v10 =	vand.u32 $0xFFFFFF80, v37;
	v7 =	vand.u32 $0x7F, v37  }
0x333: {  	v10 =	vadd.s32 v44, v10;
	v1 =	vadd.s32 v8, v1;
	v8 =	vadd.f32 v9, v5  }
0x334: {  	s19 =	simm.s32 $0x6;
	v7 =	vor.u32 v7, v10;
	v9 =	vsub.s32 s31, v1;
	v5 =	vadd.s32 v11, v1  }
0x335: {  	s17 =	simm.s32 $0x8;
	vm3 =	vlt.s32 v9, v26;
	v1 =	vsub.s32 s19, v5;
	v8 =	vnsel vm1, $0x0, v8  }
.LBB2_10:
0x336: {  	s18 =	sadd.s32 $0x1, s17  }
0x337: {  	p0 =	slt.u32 s17, $0xC;
	v9 =	vmov s19;
	v6 =	vadd.f32 v8, v6;
	s19 =	smov.u32 s17;
	s17 =	sadd.s32 $0x4, s17  }
0x338: {  	s20 =	sadd.s32 $0x3, s16;
	v8 =	vmov s18;
	v10 =	vperm.xlane v22, v9;
	s16 =	smov.u32 s19  }
0x339: {  	vm1 =	vlt.u32 v9, $0x10;
	v12 =	vmov s20;
	v11 =	vperm.xlane v22, v8;
	[tilespmem:$0x2800] =	vst v6  }
0x33a: {  	vm2 =	vlt.u32 v8, $0x10;
	v13 =	vld.idx.msk [tilespmem:v7+s9+$0x0], $0xffff;
	v6 =	vsel vm1, v10, v32;
	v7 =	vperm.xlane v22, v12  }
0x33b: {  	v9 =	vsel vm2, v11, v32;
	vm2 =	vlt.s32 v6, $0x3F;
	vm5 =	veq.s32 v6, v43  }
0x33c: {  	vm7 =	vlt.u32 v12, $0x10;
	vm6 =	vlt.s32 v9, $0x3F;
	vm1 =	veq.s32 v9, v43  }
0x33d: {  	v10 =	vnsel vm2, $0x3F, v6;
	v8 =	vsel vm5, $0x1, v20;
	v12 =	vnsel vm6, $0x3F, v9  }
0x33e: {  	v11 =	vand.u32 $0xFFFFFF80, v10;
	v5 =	vadd.s32 v8, v5;
	v14 =	vand.u32 $0xFFFFFF80, v12  }
0x33f: {  	v15 =	vsel vm7, v7, v32;
	v7 =	vsub.s32 s20, v5;
	v14 =	vadd.s32 v44, v14  }
0x340: {  	v8 =	vsub.f32 v13, v55;
	v16 =	vsub.f32 v13, v54;
	vm2 =	vlt.s32 v7, v26  }
0x341: {  	vm5 =	vlt.s32 v15, $0x3F;
	v17 =	vsub.f32 v13, v52;
	v18 =	vsub.f32 v13, v53  }
0x342: {  	v7 =	vnsel vm5, $0x3F, v15;
	v19 =	vadd.f32 $5.000000000e-01, v8;
	v16 =	vadd.f32 $5.000000000e-01, v16  }
0x343: {  	v37 =	vsub.f32 v13, v51;
	v17 =	vadd.f32 $5.000000000e-01, v17;
	v8 =	vand.u32 $0xFFFFFF80, v7  }
0x344: {  	v21 =	vsub.f32 v13, v50;
	v18 =	vadd.f32 $5.000000000e-01, v18;
	v8 =	vadd.s32 v44, v8  }
0x345: {  	v23 =	vsub.f32 v13, v49;
	v17 =	vmax.f32 v17, $0.0e+00;
	v19 =	vmax.f32 v19, $0.0e+00  }
0x346: {  	vm5 =	veq.s32 v15, v43;
	v17 =	vadd.f32 v19, v17;
	v19 =	vadd.f32 $5.000000000e-01, v37  }
0x347: {  	v21 =	vadd.f32 $5.000000000e-01, v21;
	v16 =	vmax.f32 v16, $0.0e+00;
	v37 =	vsub.f32 v13, v48  }
0x348: {  	v24 =	vsel vm5, $0x1, v20;
	v16 =	vadd.f32 v17, v16;
	v17 =	vsub.f32 v13, v47  }
0x349: {  	v25 =	vsub.f32 v13, v46;
	v23 =	vadd.f32 $5.000000000e-01, v23;
	v18 =	vmax.f32 v18, $0.0e+00  }
0x34a: {  	v5 =	vadd.s32 v24, v5;
	v16 =	vadd.f32 v16, v18;
	v18 =	vadd.f32 $5.000000000e-01, v37  }
0x34b: {  	v24 =	vsub.f32 v13, v45;
	v19 =	vmax.f32 v19, $0.0e+00;
	v17 =	vadd.f32 $5.000000000e-01, v17  }
0x34c: {  	vm5 =	vne.s32 v15, v43;
	v16 =	vadd.f32 v16, v19;
	v19 =	vsub.f32 v13, v56  }
0x34d: {  	v15 =	vmax.f32 v21, $0.0e+00;
	v21 =	vadd.f32 $5.000000000e-01, v25;
	v25 =	vsub.f32 v13, v57  }
0x34e: {  	vm2 =	vmand vm2, vm5;
	v15 =	vadd.f32 v16, v15;
	v16 =	vadd.f32 $5.000000000e-01, v24  }
0x34f: {  	v23 =	vmax.f32 v23, $0.0e+00;
	v19 =	vadd.f32 $5.000000000e-01, v19;
	v24 =	vsub.f32 v13, v58  }
0x350: {  	v15 =	vadd.f32 v15, v23;
	v23 =	vsub.f32 v13, v59  }
0x351: {  	v25 =	vadd.f32 $5.000000000e-01, v25;
	v18 =	vmax.f32 v18, $0.0e+00;
	v13 =	vsub.f32 v13, v60  }
0x352: {  	v15 =	vadd.f32 v15, v18;
	v18 =	vadd.f32 $5.000000000e-01, v24  }
0x353: {  	v17 =	vmax.f32 v17, $0.0e+00;
	v23 =	vadd.f32 $5.000000000e-01, v23;
	v13 =	vadd.f32 $5.000000000e-01, v13  }
0x354: {  	v15 =	vadd.f32 v15, v17  }
0x355: {  	v17 =	vmax.f32 v21, $0.0e+00  }
0x356: {  	v15 =	vadd.f32 v15, v17  }
0x357: {  	v16 =	vmax.f32 v16, $0.0e+00  }
0x358: {  	v15 =	vadd.f32 v15, v16  }
0x359: {  	v16 =	vmax.f32 v19, $0.0e+00  }
0x35a: {  	v15 =	vadd.f32 v15, v16  }
0x35b: {  	v16 =	vmax.f32 v25, $0.0e+00  }
0x35c: {  	v15 =	vadd.f32 v15, v16  }
0x35d: {  	v16 =	vmax.f32 v18, $0.0e+00  }
0x35e: {  	v15 =	vadd.f32 v15, v16;
	v16 =	vld [tilespmem:$0x2800]  }
0x35f: {  	v17 =	vmax.f32 v23, $0.0e+00  }
0x360: {  	v15 =	vadd.f32 v15, v17  }
0x361: {  	vm4 =	vmand vm4, vm0;
	v13 =	vmax.f32 v13, $0.0e+00  }
0x362: {  	v13 =	vadd.f32 v15, v13;
	v15 =	vand.u32 $0x7F, v62;
	v62 =	vmov v12  }
0x363: {  	v12 =	vor.u32 v15, v63;
	v63 =	vmov v14  }
0x364: {  	v13 =	vnsel vm4, $0x0, v13  }
0x365: {  	v13 =	vadd.f32 v13, v16;
	_ =	sdelay $0x1  }
0x366: {  	[tilespmem:$0x2800] =	vst v13  }
0x367: {  	v12 =	vld.idx.msk [tilespmem:v12+s9+$0x0], $0xffff;
	_ =	sdelay $0x5  }
0x368: {  	v14 =	vsub.f32 v12, v52;
	v15 =	vsub.f32 v12, v55  }
0x369: {  	v16 =	vsub.f32 v12, v54;
	v17 =	vsub.f32 v12, v53  }
0x36a: {  	v14 =	vadd.f32 $5.000000000e-01, v14;
	v15 =	vadd.f32 $5.000000000e-01, v15  }
0x36b: {  	v16 =	vadd.f32 $5.000000000e-01, v16;
	v17 =	vadd.f32 $5.000000000e-01, v17  }
0x36c: {  	v18 =	vsub.f32 v12, v51;
	v14 =	vmax.f32 v14, $0.0e+00;
	v15 =	vmax.f32 v15, $0.0e+00  }
0x36d: {  	v14 =	vadd.f32 v15, v14;
	v15 =	vsub.f32 v12, v50  }
0x36e: {  	v19 =	vsub.f32 v12, v49;
	v18 =	vadd.f32 $5.000000000e-01, v18;
	v16 =	vmax.f32 v16, $0.0e+00  }
0x36f: {  	v14 =	vadd.f32 v14, v16;
	v15 =	vadd.f32 $5.000000000e-01, v15  }
0x370: {  	v16 =	vmax.f32 v17, $0.0e+00;
	v17 =	vadd.f32 $5.000000000e-01, v19;
	v19 =	vsub.f32 v12, v48  }
0x371: {  	v14 =	vadd.f32 v14, v16;
	v16 =	vsub.f32 v12, v47  }
0x372: {  	v21 =	vsub.f32 v12, v46;
	v18 =	vmax.f32 v18, $0.0e+00;
	v19 =	vadd.f32 $5.000000000e-01, v19  }
0x373: {  	v14 =	vadd.f32 v14, v18;
	v16 =	vadd.f32 $5.000000000e-01, v16  }
0x374: {  	v15 =	vmax.f32 v15, $0.0e+00;
	v18 =	vadd.f32 $5.000000000e-01, v21;
	v21 =	vsub.f32 v12, v45  }
0x375: {  	v14 =	vadd.f32 v14, v15;
	v15 =	vsub.f32 v12, v56  }
0x376: {  	v23 =	vsub.f32 v12, v57;
	v17 =	vmax.f32 v17, $0.0e+00;
	v21 =	vadd.f32 $5.000000000e-01, v21  }
0x377: {  	v14 =	vadd.f32 v14, v17;
	v15 =	vadd.f32 $5.000000000e-01, v15  }
0x378: {  	v17 =	vmax.f32 v19, $0.0e+00;
	v19 =	vadd.f32 $5.000000000e-01, v23;
	v23 =	vsub.f32 v12, v58  }
0x379: {  	v14 =	vadd.f32 v14, v17;
	v17 =	vsub.f32 v12, v59  }
0x37a: {  	v16 =	vmax.f32 v16, $0.0e+00;
	v23 =	vadd.f32 $5.000000000e-01, v23;
	v12 =	vsub.f32 v12, v60  }
0x37b: {  	v14 =	vadd.f32 v14, v16;
	v16 =	vadd.f32 $5.000000000e-01, v17  }
0x37c: {  	v17 =	vmax.f32 v18, $0.0e+00;
	v12 =	vadd.f32 $5.000000000e-01, v12  }
0x37d: {  	v14 =	vadd.f32 v14, v17  }
0x37e: {  	v17 =	vmax.f32 v21, $0.0e+00  }
0x37f: {  	v14 =	vadd.f32 v14, v17  }
0x380: {  	v15 =	vmax.f32 v15, $0.0e+00  }
0x381: {  	v14 =	vadd.f32 v14, v15  }
0x382: {  	v15 =	vmax.f32 v19, $0.0e+00  }
0x383: {  	v14 =	vadd.f32 v14, v15  }
0x384: {  	v15 =	vmax.f32 v23, $0.0e+00  }
0x385: {  	v14 =	vadd.f32 v14, v15  }
0x386: {  	vm4 =	vne.s32 v61, v43;
	v61 =	vmov v9;
	v15 =	vmax.f32 v16, $0.0e+00  }
0x387: {  	vm3 =	vmand vm3, vm4;
	v9 =	vadd.f32 v14, v15  }
0x388: {  	vm3 =	vmand vm3, vm0;
	v12 =	vmax.f32 v12, $0.0e+00  }
0x389: {  	v10 =	vand.u32 $0x7F, v10;
	v11 =	vadd.s32 v44, v11;
	v9 =	vadd.f32 v9, v12  }
0x38a: {  	v10 =	vor.u32 v10, v11  }
0x38b: {  	v9 =	vnsel vm3, $0x0, v9  }
0x38c: {  	v9 =	vadd.f32 v9, v13;
	_ =	sdelay $0x1  }
0x38d: {  	[tilespmem:$0x2800] =	vst v9  }
0x38e: {  	v10 =	vld.idx.msk [tilespmem:v10+s9+$0x0], $0xffff;
	_ =	sdelay $0x5  }
0x38f: {  	v11 =	vsub.f32 v10, v52;
	v12 =	vsub.f32 v10, v55  }
0x390: {  	v13 =	vsub.f32 v10, v54;
	v14 =	vsub.f32 v10, v53  }
0x391: {  	v11 =	vadd.f32 $5.000000000e-01, v11;
	v12 =	vadd.f32 $5.000000000e-01, v12  }
0x392: {  	v13 =	vadd.f32 $5.000000000e-01, v13;
	v14 =	vadd.f32 $5.000000000e-01, v14  }
0x393: {  	v15 =	vsub.f32 v10, v51;
	v11 =	vmax.f32 v11, $0.0e+00;
	v12 =	vmax.f32 v12, $0.0e+00  }
0x394: {  	v11 =	vadd.f32 v12, v11;
	v12 =	vsub.f32 v10, v50  }
0x395: {  	v16 =	vsub.f32 v10, v49;
	v15 =	vadd.f32 $5.000000000e-01, v15;
	v13 =	vmax.f32 v13, $0.0e+00  }
0x396: {  	v11 =	vadd.f32 v11, v13;
	v12 =	vadd.f32 $5.000000000e-01, v12  }
0x397: {  	v13 =	vmax.f32 v14, $0.0e+00;
	v14 =	vadd.f32 $5.000000000e-01, v16;
	v16 =	vsub.f32 v10, v48  }
0x398: {  	v11 =	vadd.f32 v11, v13;
	v13 =	vsub.f32 v10, v47  }
0x399: {  	v17 =	vsub.f32 v10, v46;
	v15 =	vmax.f32 v15, $0.0e+00;
	v16 =	vadd.f32 $5.000000000e-01, v16  }
0x39a: {  	v11 =	vadd.f32 v11, v15;
	v13 =	vadd.f32 $5.000000000e-01, v13  }
0x39b: {  	v12 =	vmax.f32 v12, $0.0e+00;
	v15 =	vadd.f32 $5.000000000e-01, v17;
	v17 =	vsub.f32 v10, v45  }
0x39c: {  	v11 =	vadd.f32 v11, v12;
	v12 =	vsub.f32 v10, v56  }
0x39d: {  	v18 =	vsub.f32 v10, v57;
	v14 =	vmax.f32 v14, $0.0e+00;
	v17 =	vadd.f32 $5.000000000e-01, v17  }
0x39e: {  	v11 =	vadd.f32 v11, v14;
	v12 =	vadd.f32 $5.000000000e-01, v12  }
0x39f: {  	v14 =	vmax.f32 v16, $0.0e+00;
	v16 =	vadd.f32 $5.000000000e-01, v18;
	v18 =	vsub.f32 v10, v58  }
0x3a0: {  	v11 =	vadd.f32 v11, v14;
	v14 =	vsub.f32 v10, v59  }
0x3a1: {  	v13 =	vmax.f32 v13, $0.0e+00;
	v18 =	vadd.f32 $5.000000000e-01, v18;
	v10 =	vsub.f32 v10, v60  }
0x3a2: {  	v11 =	vadd.f32 v11, v13;
	v13 =	vadd.f32 $5.000000000e-01, v14  }
0x3a3: {  	v14 =	vmax.f32 v15, $0.0e+00;
	v10 =	vadd.f32 $5.000000000e-01, v10  }
0x3a4: {  	v11 =	vadd.f32 v11, v14  }
0x3a5: {  	v14 =	vmax.f32 v17, $0.0e+00  }
0x3a6: {  	v11 =	vadd.f32 v11, v14  }
0x3a7: {  	v12 =	vmax.f32 v12, $0.0e+00  }
0x3a8: {  	v11 =	vadd.f32 v11, v12  }
0x3a9: {  	v12 =	vmax.f32 v16, $0.0e+00  }
0x3aa: {  	v11 =	vadd.f32 v11, v12  }
0x3ab: {  	v12 =	vmax.f32 v18, $0.0e+00  }
0x3ac: {  	v11 =	vadd.f32 v11, v12  }
0x3ad: {  	vm4 =	vlt.s32 v1, v26;
	vm3 =	vne.s32 v6, v43;
	v1 =	vmax.f32 v13, $0.0e+00  }
0x3ae: {  	vm3 =	vmand vm4, vm3;
	v1 =	vadd.f32 v11, v1  }
0x3af: {  	v6 =	vmax.f32 v10, $0.0e+00  }
0x3b0: {  	v1 =	vadd.f32 v1, v6;
	v6 =	vand.u32 $0x7F, v7  }
0x3b1: {  	vm3 =	vmand vm3, vm0;
	v7 =	vor.u32 v6, v8  }
0x3b2: {  	v1 =	vnsel vm3, $0x0, v1  }
0x3b3: {  	v6 =	vadd.f32 v1, v9;
	_ =	sdelay $0x1  }
0x3b4: {  	[tilespmem:$0x2800] =	vst v6  }
0x3b5: {  	v1 =	vld.idx.msk [tilespmem:v7+s9+$0x0], $0xffff;
	_ =	sdelay $0x5  }
0x3b6: {  	v7 =	vsub.f32 v1, v52;
	v8 =	vsub.f32 v1, v55  }
0x3b7: {  	v9 =	vsub.f32 v1, v54;
	v10 =	vsub.f32 v1, v53  }
0x3b8: {  	v7 =	vadd.f32 $5.000000000e-01, v7;
	v8 =	vadd.f32 $5.000000000e-01, v8  }
0x3b9: {  	v9 =	vadd.f32 $5.000000000e-01, v9;
	v10 =	vadd.f32 $5.000000000e-01, v10  }
0x3ba: {  	v11 =	vsub.f32 v1, v51;
	v7 =	vmax.f32 v7, $0.0e+00;
	v8 =	vmax.f32 v8, $0.0e+00  }
0x3bb: {  	v7 =	vadd.f32 v8, v7;
	v8 =	vsub.f32 v1, v50  }
0x3bc: {  	v12 =	vsub.f32 v1, v49;
	v11 =	vadd.f32 $5.000000000e-01, v11;
	v9 =	vmax.f32 v9, $0.0e+00  }
0x3bd: {  	v7 =	vadd.f32 v7, v9;
	v8 =	vadd.f32 $5.000000000e-01, v8  }
0x3be: {  	v9 =	vmax.f32 v10, $0.0e+00;
	v10 =	vadd.f32 $5.000000000e-01, v12;
	v12 =	vsub.f32 v1, v48  }
0x3bf: {  	v7 =	vadd.f32 v7, v9;
	v9 =	vsub.f32 v1, v47  }
0x3c0: {  	v13 =	vsub.f32 v1, v46;
	v11 =	vmax.f32 v11, $0.0e+00;
	v12 =	vadd.f32 $5.000000000e-01, v12  }
0x3c1: {  	v7 =	vadd.f32 v7, v11;
	v9 =	vadd.f32 $5.000000000e-01, v9  }
0x3c2: {  	v8 =	vmax.f32 v8, $0.0e+00;
	v11 =	vadd.f32 $5.000000000e-01, v13;
	v13 =	vsub.f32 v1, v45  }
0x3c3: {  	v7 =	vadd.f32 v7, v8;
	v8 =	vsub.f32 v1, v56  }
0x3c4: {  	v14 =	vsub.f32 v1, v57;
	v10 =	vmax.f32 v10, $0.0e+00;
	v13 =	vadd.f32 $5.000000000e-01, v13  }
0x3c5: {  	v7 =	vadd.f32 v7, v10;
	v8 =	vadd.f32 $5.000000000e-01, v8  }
0x3c6: {  	v10 =	vmax.f32 v12, $0.0e+00;
	v12 =	vadd.f32 $5.000000000e-01, v14;
	v14 =	vsub.f32 v1, v58  }
0x3c7: {  	v7 =	vadd.f32 v7, v10;
	v10 =	vsub.f32 v1, v59  }
0x3c8: {  	v9 =	vmax.f32 v9, $0.0e+00;
	v14 =	vadd.f32 $5.000000000e-01, v14;
	v1 =	vsub.f32 v1, v60  }
0x3c9: {  	v7 =	vadd.f32 v7, v9;
	v9 =	vadd.f32 $5.000000000e-01, v10  }
0x3ca: {  	v10 =	vmax.f32 v11, $0.0e+00;
	v1 =	vadd.f32 $5.000000000e-01, v1  }
0x3cb: {  	v7 =	vadd.f32 v7, v10  }
0x3cc: {  	v10 =	vmax.f32 v13, $0.0e+00  }
0x3cd: {  	v7 =	vadd.f32 v7, v10  }
0x3ce: {  	v8 =	vmax.f32 v8, $0.0e+00;
	v11 =	vsel vm1, $0x1, v20;
	v10 =	vsub.s32 s16, v5  }
0x3cf: {  	v13 =	vmov s16;
	v7 =	vadd.f32 v7, v8  }
0x3d0: {  	v12 =	vmax.f32 v12, $0.0e+00;
	v8 =	vperm.xlane v22, v13  }
0x3d1: {  	v1 =	vmax.f32 v1, $0.0e+00;
	vm1 =	vlt.u32 v13, $0x10;
	v7 =	vadd.f32 v7, v12  }
0x3d2: {  	v8 =	vsel vm1, v8, v32;
	vm1 =	vlt.s32 v10, v26;
	v10 =	vmax.f32 v14, $0.0e+00  }
0x3d3: {  	vm3 =	vlt.s32 v8, $0x3F;
	vm4 =	vne.s32 v8, v43;
	v7 =	vadd.f32 v7, v10  }
0x3d4: {  	v9 =	vmax.f32 v9, $0.0e+00;
	v10 =	vnsel vm3, $0x3F, v8;
	vm4 =	vmand vm1, vm4  }
.Ltmp10:
0x3d5: {  	vm1 =	veq.s32 v8, v43;
	v12 =	vand.u32 $0xFFFFFF80, v10;
	v8 =	vadd.f32 v7, v9;
	(pc) =	sbr.rel @p0 .LBB2_10-.Ltmp10, $4  }
0x3d6: {  	v7 =	vand.u32 $0x7F, v10;
	v9 =	vadd.s32 v44, v12;
	v10 =	vsel vm1, $0x1, v20  }
0x3d7: {  	v7 =	vor.u32 v7, v9;
	v5 =	vadd.s32 v10, v5;
	v8 =	vadd.f32 v8, v1  }
0x3d8: {  	s19 =	sadd.s32 $0x2, s16;
	vm1 =	vmand vm2, vm0;
	v1 =	vsub.s32 s18, v5;
	v5 =	vadd.s32 v11, v5  }
0x3d9: {  	vm3 =	vlt.s32 v1, v26;
	v1 =	vsub.s32 s19, v5;
	v8 =	vnsel vm1, $0x0, v8  }
.Ltmp11:
0x3da: {  	_ = 	snop;
	(pc) =	sbr.rel .LBB2_11-.Ltmp11, $1  }
0x3db: {  	_ =	sdelay $0x3  }
.LBB2_15:
0x3dc: {  	_ =	sfence.sel $0x180000  }
0x3dd: {  	[bflag:$0x0] =	sbarrier.arrive $0xFFFF  }
0x3de: {  	p0 =	sne.s32 s1, $0x0;
	_ =	strace $0x90000047  }
0x3df: {  	s0 =	sadd.s32 @!p0 $0x100000, s0;
	[bflag:$0x2] =	sbarrier.arrive $0xFFFF  }
0x3e0: {  	[sflag:s0] =	ssyncadd.tile.s32 @!p0 $0x1;
	_ =	shalt  }
.Lfunc_end2:
_tile_overlayer_lowered:
.L_overlay_start_2:
0x3e1: {  	(tag) =	ssettag $0x2  }
0x3e2: {  	s0 =	rddreg [dreg:$0x0];
	s2 =	stileid.u32  }
0x3e3: {  	s1 =	rddreg [dreg:$0x1];
	p0 =	sne.s32 s2, $0x0  }
0x3e4: {  	s3 =	rddreg [dreg:$0x2];
	[bflag:$0x3] =	sbarrier.arrive $0xFFFF;
	s2 =	simm.s32 @!p0 $0x1C02  }
0x3e5: {  	[timem:s3], [sflag:s2] =	dma.local @!p0 [hbm:s0], s1  }
0x3e6: {  	s0 =	simm.s32 @!p0 $0x2  }
0x3e7: {  	_ =	swait.ge @!p0 [sflag:s0], s1  }
0x3e8: {  	s1 =	ssub.s32 @!p0 $0x0, s1;
	[sflag:s0] =	ssyncset.done @!p0 $0x0  }
0x3e9: {  	[sflag:s0] =	ssyncadd.s32 @!p0 s1  }
0x3ea: {  	[bflag:$0x3] =	sbarrier.arrive $0xFFFF  }
0x3eb: {  	_ =	shalt  }

</sc_bundles>
